<compile_context>
chip_gen: v7x
topology: tpu7x:2x2x1
jax: 0.10.2.dev20260603
libtpu: 0.0.44.dev20260713+nightly
codegen_flags: <defaults>
</compile_context>

<pallas_src>
import functools

import jax
import jax.numpy as jnp
from jax import lax
from jax.experimental import pallas as pl
from jax.experimental.pallas import tpu as pltpu
from jax.experimental.pallas import tpu_sc as plsc

_BATCH = 1024
_M = 64
_P = 3
_DIM = 3
_OUT_DIM = 1024

_NC = 2
_NS = 16
_L = 16
_NW = _NC * _NS
_B_PER_W = _BATCH // _NW
_SLAB = 128

_N_CHUNK = _OUT_DIM // _L
_N_G = 4
_B_PER_G = _B_PER_W // _N_G

_ROWS = _M * (_DIM + 1)


def _sc_body(ctrl_hbm, uspan_hbm, nut_hbm, out_hbm, ctrl_v, ctrl_f, uspan_v,
             nut_v, idx_v, out_v0, out_v1, sem):
    wid = lax.axis_index("s") * _NC + lax.axis_index("c")
    base = wid * _B_PER_W
    bofs = (wid % (_SLAB // _B_PER_W)) * _B_PER_W

    pltpu.sync_copy(ctrl_hbm.at[:, pl.ds((base // _SLAB) * _SLAB, _SLAB)],
                    ctrl_v)
    pltpu.sync_copy(uspan_hbm, uspan_v)
    pltpu.sync_copy(nut_hbm, nut_v)

    @plsc.parallel_loop(0, _M)
    def _flatten(m):
        for d in range(_DIM + 1):
            for g in range(_B_PER_W // _L):
                ctrl_f[pl.ds(m * 128 + d * 32 + g * _L, _L)] = (
                    ctrl_v[m * (_DIM + 1) + d, pl.ds(bofs + g * _L, _L)])

    @plsc.parallel_loop(0, _N_CHUNK)
    def _pre(c):
        u = uspan_v[pl.ds(c * _L, _L)]
        for j in range(_P + 1):
            idx_v[pl.ds((c * (_P + 1) + j) * _L, _L)] = (u + (j - _P)) * 128

    def run_group(g, buf):
        @plsc.parallel_loop(0, _N_CHUNK)
        def c_body(c):
            mj = [idx_v[pl.ds((c * (_P + 1) + j) * _L, _L)]
                  for j in range(_P + 1)]
            nu = [nut_v[j, pl.ds(c * _L, _L)] for j in range(_P + 1)]
            cofs = c * _L

            @plsc.parallel_loop(0, _B_PER_G, unroll=2)
            def _bloop(b):
                bv = jnp.full((_L,), g * _B_PER_G + b, jnp.int32)
                mb = [mj[j] + bv for j in range(_P + 1)]
                w = plsc.load_gather(ctrl_f, [mb[0] + _DIM * 32])
                a = nu[0] * w
                denom = a
                num0 = a * plsc.load_gather(ctrl_f, [mb[0]])
                num1 = a * plsc.load_gather(ctrl_f, [mb[0] + 32])
                num2 = a * plsc.load_gather(ctrl_f, [mb[0] + 64])
                for j in range(1, _P + 1):
                    w = plsc.load_gather(ctrl_f, [mb[j] + _DIM * 32])
                    a = nu[j] * w
                    denom = denom + a
                    num0 = num0 + a * plsc.load_gather(ctrl_f, [mb[j]])
                    num1 = num1 + a * plsc.load_gather(ctrl_f, [mb[j] + 32])
                    num2 = num2 + a * plsc.load_gather(ctrl_f, [mb[j] + 64])
                inv = 1.0 / denom
                buf[0, b, pl.ds(cofs, _L)] = num0 * inv
                buf[1, b, pl.ds(cofs, _L)] = num1 * inv
                buf[2, b, pl.ds(cofs, _L)] = num2 * inv

        return [pltpu.async_copy(
            buf.at[d],
            out_hbm.at[d, pl.ds(base + g * _B_PER_G, _B_PER_G), :], sem)
            for d in range(_DIM)]

    bufs = (out_v0, out_v1)
    pending = []
    for g in range(_N_G):
        if g >= 2:
            for cp in pending[g - 2]:
                cp.wait()
        pending.append(run_group(g, bufs[g % 2]))
    for cps in pending[-2:]:
        for cp in cps:
            cp.wait()


@jax.jit
def _sc_eval(ctrl_t, uspan, nut):
    mesh = plsc.VectorSubcoreMesh(core_axis_name="c", subcore_axis_name="s",
                                  num_cores=_NC, num_subcores=_NS)
    f = pl.kernel(
        _sc_body,
        out_type=jax.ShapeDtypeStruct((_DIM, _BATCH, _OUT_DIM), jnp.float32),
        mesh=mesh,
        scratch_types=[
            pltpu.VMEM((_ROWS, _SLAB), jnp.float32),
            pltpu.VMEM((_ROWS * _B_PER_W,), jnp.float32),
            pltpu.VMEM((_OUT_DIM,), jnp.int32),
            pltpu.VMEM((_P + 1, _OUT_DIM), jnp.float32),
            pltpu.VMEM(((_P + 1) * _OUT_DIM,), jnp.int32),
            pltpu.VMEM((_DIM, _B_PER_G, _OUT_DIM), jnp.float32),
            pltpu.VMEM((_DIM, _B_PER_G, _OUT_DIM), jnp.float32),
            pltpu.SemaphoreType.DMA,
        ],
        compiler_params=pltpu.CompilerParams(needs_layout_passes=False),
    )
    return f(ctrl_t, uspan, nut)


def kernel(ctrl_pts, uspan, Nu):
    ctrl_t = jnp.transpose(ctrl_pts, (1, 2, 0)).reshape(_ROWS, _BATCH)
    nut = Nu.T
    out = _sc_eval(ctrl_t, uspan, nut)
    return jnp.transpose(out, (1, 2, 0))

# --- scband reference (transcript-rebuilt; emitter-appended) ---
"""Pipeline reference for scband-curve-eval-62277025792510 (READ-ONLY COPY).

The authoritative reference and input builder live on the scoring server;
editing this copy changes nothing except your own understanding.
"""

import jax, jax.numpy as jnp
import numpy as np

BATCH = 1024
M = 64
P = 3
DIM = 3
OUT_DIM = 1024

def gen_knot_vector(p, n):
    m = p + n + 1
    num_segments = m - 2 * (p + 1) + 1
    kv = [0.0] * p + list(np.linspace(0.0, 1.0, num_segments + 1)) + [1.0] * p
    return np.array(kv, dtype=np.float64)

def pre_compute_basis(u, U, m, p):
    n = m - 1
    uspan = np.zeros(len(u), dtype=np.int32)
    Nu = np.zeros((len(u), p + 1), dtype=np.float64)
    for i, uv in enumerate(u):
        if uv >= U[n + 1]:
            span = n
        else:
            low, high = p, n + 1
            mid = (low + high) // 2
            while uv < U[mid] or uv >= U[mid + 1]:
                if uv < U[mid]:
                    high = mid
                else:
                    low = mid
                mid = (low + high) // 2
            span = mid
        uspan[i] = span
        left = np.zeros(p + 1)
        right = np.zeros(p + 1)
        N = np.zeros(p + 1)
        N[0] = 1.0
        for j in range(1, p + 1):
            left[j] = uv - U[span + 1 - j]
            right[j] = U[span + j] - uv
            saved = 0.0
            for r in range(j):
                temp = N[r] / (right[r + 1] + left[j - r])
                N[r] = saved + right[r + 1] * temp
                saved = left[j - r] * temp
            N[j] = saved
        Nu[i] = N
    return uspan, Nu

def setup_inputs(seed: int = 0) -> dict:
    key = jax.random.key(seed)
    ctrl_pts = jax.random.uniform(key, (BATCH, M, DIM + 1), dtype=jnp.float32, minval=0.1, maxval=1.0)
    u = np.linspace(0.0, 0.9999, OUT_DIM)
    U = gen_knot_vector(P, M)
    uspan, Nu = pre_compute_basis(u, U, M, P)
    return {
        'ctrl_pts': ctrl_pts,
        'uspan': jnp.asarray(uspan, dtype=jnp.int32),
        'Nu': jnp.asarray(Nu, dtype=jnp.float32),
    }

def reference(ctrl_pts, uspan, Nu):
    # gather the p+1 relevant control points for each eval point
    idx = uspan[:, None] - P + jnp.arange(P + 1)[None, :]  # [OUT_DIM, P+1]
    cp = ctrl_pts[:, idx, :]  # [B, OUT_DIM, P+1, DIM+1]
    w = cp[..., DIM:DIM + 1]
    # homogeneous (weighted) control points: (w*x, w*y, w*z, w)
    cw = jnp.concatenate([cp[..., :DIM] * w, w], axis=-1)
    # blend with B-spline basis functions
    curves = jnp.einsum('lj,bljd->bld', Nu, cw)  # [B, OUT_DIM, DIM+1]
    # rational (perspective) division
    out = curves[..., :DIM] / curves[..., DIM:DIM + 1]
    return out

if __name__ == "__main__":
    import jax
    _d = setup_inputs()
    print(jax.jit(kernel)(*tuple(_d.values())))

</pallas_src>

<mosaic_0001>
#map = affine_map<(d0, d1) -> (0, 0)>
#map1 = affine_map<(d0, d1) -> (0)>
#map2 = affine_map<(d0, d1) -> (0, 0, 0)>
module attributes {stable_mosaic.version = 14 : i64} {
  func.func @_sc_body(%arg0: i32, %arg1: i32, %arg2: memref<256x1024xf32, #tpu.memory_space<hbm>>, %arg3: memref<1024xi32, #tpu.memory_space<hbm>>, %arg4: memref<4x1024xf32, #tpu.memory_space<hbm>>, %arg5: memref<3x1024x1024xf32, #tpu.memory_space<hbm>>, %arg6: memref<256x128xf32, #tpu.memory_space<vmem>>, %arg7: memref<8192xf32, #tpu.memory_space<vmem>>, %arg8: memref<1024xi32, #tpu.memory_space<vmem>>, %arg9: memref<4x1024xf32, #tpu.memory_space<vmem>>, %arg10: memref<4096xi32, #tpu.memory_space<vmem>>, %arg11: memref<3x8x1024xf32, #tpu.memory_space<vmem>>, %arg12: memref<3x8x1024xf32, #tpu.memory_space<vmem>>, %arg13: memref<!tpu.dma_semaphore, #tpu.memory_space<semaphore_mem>>) attributes {dimension_semantics = [#tpu.dimension_semantics<core_parallel>, #tpu.dimension_semantics<subcore_parallel>], iteration_bounds = array<i64: 2, 16>, scalar_prefetch = 0 : i64, scratch_operands = 8 : i64, tpu.core_type = #tpu.core_type<sc_vector_subcore>, window_params = [{transform_indices = #map}, {transform_indices = #map1}, {transform_indices = #map}, {transform_indices = #map2}]} {
    %mul3A = arith.constant 2 : i32
    %mul3A_0 = arith.muli %arg1, %mul3A : i32
    %add3A = arith.addi %mul3A_0, %arg0 : i32
    %mul3A_1 = arith.constant 32 : i32
    %mul3A_2 = arith.muli %add3A, %mul3A_1 : i32
    %jit3A = arith.constant 4 : i32
    %eq3A = arith.constant 0 : i32
    %eq3A_3 = arith.cmpi eq, %jit3A, %eq3A : i32
    %jit3A_4 = arith.constant 1 : i32
    %select_n3A = arith.select %eq3A_3, %jit3A_4, %jit3A : i32
    %rem3A = arith.remsi %add3A, %select_n3A : i32
    %ne3A = arith.constant 0 : i32
    %ne3A_5 = arith.cmpi ne, %rem3A, %ne3A : i32
    %lt3A = arith.constant 0 : i32
    %lt3A_6 = arith.cmpi slt, %rem3A, %lt3A : i32
    %lt3A_7 = arith.constant 0 : i32
    %lt3A_8 = arith.cmpi slt, %select_n3A, %lt3A_7 : i32
    %ne3A_9 = arith.xori %lt3A_6, %lt3A_8 : i1
    %and3A = arith.andi %ne3A_9, %ne3A_5 : i1
    %add3A_10 = arith.addi %rem3A, %select_n3A : i32
    %select_n3A_11 = arith.select %and3A, %add3A_10, %rem3A : i32
    %mul3A_12 = arith.constant 32 : i32
    %mul3A_13 = arith.muli %select_n3A_11, %mul3A_12 : i32
    %jit3A_14 = arith.constant 128 : i32
    %div3A = arith.divsi %mul3A_2, %jit3A_14 : i32
    %sign3A = arith.constant 0 : i32
    %sign3A_15 = arith.cmpi sgt, %mul3A_2, %sign3A : i32
    %sign3A_16 = arith.extui %sign3A_15 : i1 to i32
    %sign3A_17 = arith.constant 0 : i32
    %sign3A_18 = arith.cmpi slt, %mul3A_2, %sign3A_17 : i32
    %sign3A_19 = arith.extui %sign3A_18 : i1 to i32
    %sign3A_20 = arith.subi %sign3A_16, %sign3A_19 : i32
    %sign3A_21 = arith.constant 0 : i32
    %sign3A_22 = arith.cmpi sgt, %jit3A_14, %sign3A_21 : i32
    %sign3A_23 = arith.extui %sign3A_22 : i1 to i32
    %sign3A_24 = arith.constant 0 : i32
    %sign3A_25 = arith.cmpi slt, %jit3A_14, %sign3A_24 : i32
    %sign3A_26 = arith.extui %sign3A_25 : i1 to i32
    %sign3A_27 = arith.subi %sign3A_23, %sign3A_26 : i32
    %ne3A_28 = arith.cmpi ne, %sign3A_20, %sign3A_27 : i32
    %rem3A_29 = arith.remsi %mul3A_2, %jit3A_14 : i32
    %ne3A_30 = arith.constant 0 : i32
    %ne3A_31 = arith.cmpi ne, %rem3A_29, %ne3A_30 : i32
    %and3A_32 = arith.andi %ne3A_28, %ne3A_31 : i1
    %sub3A = arith.constant 1 : i32
    %sub3A_33 = arith.subi %div3A, %sub3A : i32
    %select_n3A_34 = arith.select %and3A_32, %sub3A_33, %div3A : i32
    %mul3A_35 = arith.constant 128 : i32
    %mul3A_36 = arith.muli %select_n3A_34, %mul3A_35 : i32
    "tpu.region"() ({
      %run_scoped3A = tpu.sem_alloc : memref<!tpu.dma_semaphore, #tpu.memory_space<semaphore_mem>>
      %dma_start3A_460 = arith.constant 0 : i32
      %dma_start3A_461 = tpu.memref_slice %arg2[%dma_start3A_460, %mul3A_36] : memref<256x1024xf32, #tpu.memory_space<hbm>> -> memref<256x128xf32, #tpu.memory_space<hbm>>
      %dma_start3A_462 = arith.constant 0 : i32
      %dma_start3A_463 = tpu.memref_slice %arg2[%dma_start3A_462, %mul3A_36] : memref<256x1024xf32, #tpu.memory_space<hbm>> -> memref<256x128xf32, #tpu.memory_space<hbm>>
      tpu.enqueue_dma source(%dma_start3A_463 : memref<256x128xf32, #tpu.memory_space<hbm>>) target(%arg6 : memref<256x128xf32, #tpu.memory_space<vmem>>) target_semaphore(%run_scoped3A : memref<!tpu.dma_semaphore, #tpu.memory_space<semaphore_mem>>)
      %dma_wait3A_464 = arith.constant 0 : i32
      %dma_wait3A_465 = tpu.memref_slice %arg2[%dma_wait3A_464, %mul3A_36] : memref<256x1024xf32, #tpu.memory_space<hbm>> -> memref<256x128xf32, #tpu.memory_space<hbm>>
      %dma_wait3A_466 = arith.constant 0 : i32
      %dma_wait3A_467 = tpu.memref_slice %arg2[%dma_wait3A_466, %mul3A_36] : memref<256x1024xf32, #tpu.memory_space<hbm>> -> memref<256x128xf32, #tpu.memory_space<hbm>>
      tpu.wait_dma2 semaphore(%run_scoped3A : memref<!tpu.dma_semaphore, #tpu.memory_space<semaphore_mem>>) src(%dma_wait3A_467 : memref<256x128xf32, #tpu.memory_space<hbm>>) dst(%arg6 : memref<256x128xf32, #tpu.memory_space<vmem>>)
      tpu.yield
    }) : () -> ()
    "tpu.region"() ({
      %run_scoped3A = tpu.sem_alloc : memref<!tpu.dma_semaphore, #tpu.memory_space<semaphore_mem>>
      tpu.enqueue_dma source(%arg3 : memref<1024xi32, #tpu.memory_space<hbm>>) target(%arg8 : memref<1024xi32, #tpu.memory_space<vmem>>) target_semaphore(%run_scoped3A : memref<!tpu.dma_semaphore, #tpu.memory_space<semaphore_mem>>)
      tpu.wait_dma2 semaphore(%run_scoped3A : memref<!tpu.dma_semaphore, #tpu.memory_space<semaphore_mem>>) src(%arg3 : memref<1024xi32, #tpu.memory_space<hbm>>) dst(%arg8 : memref<1024xi32, #tpu.memory_space<vmem>>)
      tpu.yield
    }) : () -> ()
    "tpu.region"() ({
      %run_scoped3A = tpu.sem_alloc : memref<!tpu.dma_semaphore, #tpu.memory_space<semaphore_mem>>
      tpu.enqueue_dma source(%arg4 : memref<4x1024xf32, #tpu.memory_space<hbm>>) target(%arg9 : memref<4x1024xf32, #tpu.memory_space<vmem>>) target_semaphore(%run_scoped3A : memref<!tpu.dma_semaphore, #tpu.memory_space<semaphore_mem>>)
      tpu.wait_dma2 semaphore(%run_scoped3A : memref<!tpu.dma_semaphore, #tpu.memory_space<semaphore_mem>>) src(%arg4 : memref<4x1024xf32, #tpu.memory_space<hbm>>) dst(%arg9 : memref<4x1024xf32, #tpu.memory_space<vmem>>)
      tpu.yield
    }) : () -> ()
    %parallel_loop3A = arith.constant 0 : i32
    %parallel_loop3A_37 = arith.constant 64 : i32
    %parallel_loop3A_38 = arith.constant 1 : i32
    scf.for %parallel_loop3A_460 = %parallel_loop3A to %parallel_loop3A_37 step %parallel_loop3A_38  : i32 {
      %parallel_loop3A_461 = arith.constant 4 : i32
      %parallel_loop3A_462 = arith.muli %parallel_loop3A_460, %parallel_loop3A_461 : i32
      %parallel_loop3A_463 = arith.constant 0 : i32
      %parallel_loop3A_464 = arith.addi %parallel_loop3A_462, %parallel_loop3A_463 : i32
      %parallel_loop3A_465 = arith.constant 0 : i32
      %parallel_loop3A_466 = arith.addi %mul3A_13, %parallel_loop3A_465 : i32
      %parallel_loop3A_467 = arith.index_cast %parallel_loop3A_464 : i32 to index
      %parallel_loop3A_468 = arith.index_cast %parallel_loop3A_466 : i32 to index
      %parallel_loop3A_469 = tpu.vector_load %arg6[%parallel_loop3A_467, %parallel_loop3A_468] {strides = array<i32>} : memref<256x128xf32, #tpu.memory_space<vmem>>, vector<16xf32>,
      %parallel_loop3A_470 = arith.constant 128 : i32
      %parallel_loop3A_471 = arith.muli %parallel_loop3A_460, %parallel_loop3A_470 : i32
      %parallel_loop3A_472 = arith.constant 0 : i32
      %parallel_loop3A_473 = arith.addi %parallel_loop3A_471, %parallel_loop3A_472 : i32
      %parallel_loop3A_474 = arith.constant 0 : i32
      %parallel_loop3A_475 = arith.addi %parallel_loop3A_473, %parallel_loop3A_474 : i32
      %parallel_loop3A_476 = arith.index_cast %parallel_loop3A_475 : i32 to index
      %parallel_loop3A_477 = tpu.vector_load %arg7[%parallel_loop3A_476] {strides = array<i32>} : memref<8192xf32, #tpu.memory_space<vmem>>, vector<16xf32>,
      tpu.vector_store %arg7[%parallel_loop3A_476], %parallel_loop3A_469 {strides = array<i32>} : memref<8192xf32, #tpu.memory_space<vmem>>, vector<16xf32>,
      %parallel_loop3A_478 = arith.constant 4 : i32
      %parallel_loop3A_479 = arith.muli %parallel_loop3A_460, %parallel_loop3A_478 : i32
      %parallel_loop3A_480 = arith.constant 0 : i32
      %parallel_loop3A_481 = arith.addi %parallel_loop3A_479, %parallel_loop3A_480 : i32
      %parallel_loop3A_482 = arith.constant 16 : i32
      %parallel_loop3A_483 = arith.addi %mul3A_13, %parallel_loop3A_482 : i32
      %parallel_loop3A_484 = arith.index_cast %parallel_loop3A_481 : i32 to index
      %parallel_loop3A_485 = arith.index_cast %parallel_loop3A_483 : i32 to index
      %parallel_loop3A_486 = tpu.vector_load %arg6[%parallel_loop3A_484, %parallel_loop3A_485] {strides = array<i32>} : memref<256x128xf32, #tpu.memory_space<vmem>>, vector<16xf32>,
      %parallel_loop3A_487 = arith.constant 128 : i32
      %parallel_loop3A_488 = arith.muli %parallel_loop3A_460, %parallel_loop3A_487 : i32
      %parallel_loop3A_489 = arith.constant 0 : i32
      %parallel_loop3A_490 = arith.addi %parallel_loop3A_488, %parallel_loop3A_489 : i32
      %parallel_loop3A_491 = arith.constant 16 : i32
      %parallel_loop3A_492 = arith.addi %parallel_loop3A_490, %parallel_loop3A_491 : i32
      %parallel_loop3A_493 = arith.index_cast %parallel_loop3A_492 : i32 to index
      %parallel_loop3A_494 = tpu.vector_load %arg7[%parallel_loop3A_493] {strides = array<i32>} : memref<8192xf32, #tpu.memory_space<vmem>>, vector<16xf32>,
      tpu.vector_store %arg7[%parallel_loop3A_493], %parallel_loop3A_486 {strides = array<i32>} : memref<8192xf32, #tpu.memory_space<vmem>>, vector<16xf32>,
      %parallel_loop3A_495 = arith.constant 4 : i32
      %parallel_loop3A_496 = arith.muli %parallel_loop3A_460, %parallel_loop3A_495 : i32
      %parallel_loop3A_497 = arith.constant 1 : i32
      %parallel_loop3A_498 = arith.addi %parallel_loop3A_496, %parallel_loop3A_497 : i32
      %parallel_loop3A_499 = arith.constant 0 : i32
      %parallel_loop3A_500 = arith.addi %mul3A_13, %parallel_loop3A_499 : i32
      %parallel_loop3A_501 = arith.index_cast %parallel_loop3A_498 : i32 to index
      %parallel_loop3A_502 = arith.index_cast %parallel_loop3A_500 : i32 to index
      %parallel_loop3A_503 = tpu.vector_load %arg6[%parallel_loop3A_501, %parallel_loop3A_502] {strides = array<i32>} : memref<256x128xf32, #tpu.memory_space<vmem>>, vector<16xf32>,
      %parallel_loop3A_504 = arith.constant 128 : i32
      %parallel_loop3A_505 = arith.muli %parallel_loop3A_460, %parallel_loop3A_504 : i32
      %parallel_loop3A_506 = arith.constant 32 : i32
      %parallel_loop3A_507 = arith.addi %parallel_loop3A_505, %parallel_loop3A_506 : i32
      %parallel_loop3A_508 = arith.constant 0 : i32
      %parallel_loop3A_509 = arith.addi %parallel_loop3A_507, %parallel_loop3A_508 : i32
      %parallel_loop3A_510 = arith.index_cast %parallel_loop3A_509 : i32 to index
      %parallel_loop3A_511 = tpu.vector_load %arg7[%parallel_loop3A_510] {strides = array<i32>} : memref<8192xf32, #tpu.memory_space<vmem>>, vector<16xf32>,
      tpu.vector_store %arg7[%parallel_loop3A_510], %parallel_loop3A_503 {strides = array<i32>} : memref<8192xf32, #tpu.memory_space<vmem>>, vector<16xf32>,
      %parallel_loop3A_512 = arith.constant 4 : i32
      %parallel_loop3A_513 = arith.muli %parallel_loop3A_460, %parallel_loop3A_512 : i32
      %parallel_loop3A_514 = arith.constant 1 : i32
      %parallel_loop3A_515 = arith.addi %parallel_loop3A_513, %parallel_loop3A_514 : i32
      %parallel_loop3A_516 = arith.constant 16 : i32
      %parallel_loop3A_517 = arith.addi %mul3A_13, %parallel_loop3A_516 : i32
      %parallel_loop3A_518 = arith.index_cast %parallel_loop3A_515 : i32 to index
      %parallel_loop3A_519 = arith.index_cast %parallel_loop3A_517 : i32 to index
      %parallel_loop3A_520 = tpu.vector_load %arg6[%parallel_loop3A_518, %parallel_loop3A_519] {strides = array<i32>} : memref<256x128xf32, #tpu.memory_space<vmem>>, vector<16xf32>,
      %parallel_loop3A_521 = arith.constant 128 : i32
      %parallel_loop3A_522 = arith.muli %parallel_loop3A_460, %parallel_loop3A_521 : i32
      %parallel_loop3A_523 = arith.constant 32 : i32
      %parallel_loop3A_524 = arith.addi %parallel_loop3A_522, %parallel_loop3A_523 : i32
      %parallel_loop3A_525 = arith.constant 16 : i32
      %parallel_loop3A_526 = arith.addi %parallel_loop3A_524, %parallel_loop3A_525 : i32
      %parallel_loop3A_527 = arith.index_cast %parallel_loop3A_526 : i32 to index
      %parallel_loop3A_528 = tpu.vector_load %arg7[%parallel_loop3A_527] {strides = array<i32>} : memref<8192xf32, #tpu.memory_space<vmem>>, vector<16xf32>,
      tpu.vector_store %arg7[%parallel_loop3A_527], %parallel_loop3A_520 {strides = array<i32>} : memref<8192xf32, #tpu.memory_space<vmem>>, vector<16xf32>,
      %parallel_loop3A_529 = arith.constant 4 : i32
      %parallel_loop3A_530 = arith.muli %parallel_loop3A_460, %parallel_loop3A_529 : i32
      %parallel_loop3A_531 = arith.constant 2 : i32
      %parallel_loop3A_532 = arith.addi %parallel_loop3A_530, %parallel_loop3A_531 : i32
      %parallel_loop3A_533 = arith.constant 0 : i32
      %parallel_loop3A_534 = arith.addi %mul3A_13, %parallel_loop3A_533 : i32
      %parallel_loop3A_535 = arith.index_cast %parallel_loop3A_532 : i32 to index
      %parallel_loop3A_536 = arith.index_cast %parallel_loop3A_534 : i32 to index
      %parallel_loop3A_537 = tpu.vector_load %arg6[%parallel_loop3A_535, %parallel_loop3A_536] {strides = array<i32>} : memref<256x128xf32, #tpu.memory_space<vmem>>, vector<16xf32>,
      %parallel_loop3A_538 = arith.constant 128 : i32
      %parallel_loop3A_539 = arith.muli %parallel_loop3A_460, %parallel_loop3A_538 : i32
      %parallel_loop3A_540 = arith.constant 64 : i32
      %parallel_loop3A_541 = arith.addi %parallel_loop3A_539, %parallel_loop3A_540 : i32
      %parallel_loop3A_542 = arith.constant 0 : i32
      %parallel_loop3A_543 = arith.addi %parallel_loop3A_541, %parallel_loop3A_542 : i32
      %parallel_loop3A_544 = arith.index_cast %parallel_loop3A_543 : i32 to index
      %parallel_loop3A_545 = tpu.vector_load %arg7[%parallel_loop3A_544] {strides = array<i32>} : memref<8192xf32, #tpu.memory_space<vmem>>, vector<16xf32>,
      tpu.vector_store %arg7[%parallel_loop3A_544], %parallel_loop3A_537 {strides = array<i32>} : memref<8192xf32, #tpu.memory_space<vmem>>, vector<16xf32>,
      %parallel_loop3A_546 = arith.constant 4 : i32
      %parallel_loop3A_547 = arith.muli %parallel_loop3A_460, %parallel_loop3A_546 : i32
      %parallel_loop3A_548 = arith.constant 2 : i32
      %parallel_loop3A_549 = arith.addi %parallel_loop3A_547, %parallel_loop3A_548 : i32
      %parallel_loop3A_550 = arith.constant 16 : i32
      %parallel_loop3A_551 = arith.addi %mul3A_13, %parallel_loop3A_550 : i32
      %parallel_loop3A_552 = arith.index_cast %parallel_loop3A_549 : i32 to index
      %parallel_loop3A_553 = arith.index_cast %parallel_loop3A_551 : i32 to index
      %parallel_loop3A_554 = tpu.vector_load %arg6[%parallel_loop3A_552, %parallel_loop3A_553] {strides = array<i32>} : memref<256x128xf32, #tpu.memory_space<vmem>>, vector<16xf32>,
      %parallel_loop3A_555 = arith.constant 128 : i32
      %parallel_loop3A_556 = arith.muli %parallel_loop3A_460, %parallel_loop3A_555 : i32
      %parallel_loop3A_557 = arith.constant 64 : i32
      %parallel_loop3A_558 = arith.addi %parallel_loop3A_556, %parallel_loop3A_557 : i32
      %parallel_loop3A_559 = arith.constant 16 : i32
      %parallel_loop3A_560 = arith.addi %parallel_loop3A_558, %parallel_loop3A_559 : i32
      %parallel_loop3A_561 = arith.index_cast %parallel_loop3A_560 : i32 to index
      %parallel_loop3A_562 = tpu.vector_load %arg7[%parallel_loop3A_561] {strides = array<i32>} : memref<8192xf32, #tpu.memory_space<vmem>>, vector<16xf32>,
      tpu.vector_store %arg7[%parallel_loop3A_561], %parallel_loop3A_554 {strides = array<i32>} : memref<8192xf32, #tpu.memory_space<vmem>>, vector<16xf32>,
      %parallel_loop3A_563 = arith.constant 4 : i32
      %parallel_loop3A_564 = arith.muli %parallel_loop3A_460, %parallel_loop3A_563 : i32
      %parallel_loop3A_565 = arith.constant 3 : i32
      %parallel_loop3A_566 = arith.addi %parallel_loop3A_564, %parallel_loop3A_565 : i32
      %parallel_loop3A_567 = arith.constant 0 : i32
      %parallel_loop3A_568 = arith.addi %mul3A_13, %parallel_loop3A_567 : i32
      %parallel_loop3A_569 = arith.index_cast %parallel_loop3A_566 : i32 to index
      %parallel_loop3A_570 = arith.index_cast %parallel_loop3A_568 : i32 to index
      %parallel_loop3A_571 = tpu.vector_load %arg6[%parallel_loop3A_569, %parallel_loop3A_570] {strides = array<i32>} : memref<256x128xf32, #tpu.memory_space<vmem>>, vector<16xf32>,
      %parallel_loop3A_572 = arith.constant 128 : i32
      %parallel_loop3A_573 = arith.muli %parallel_loop3A_460, %parallel_loop3A_572 : i32
      %parallel_loop3A_574 = arith.constant 96 : i32
      %parallel_loop3A_575 = arith.addi %parallel_loop3A_573, %parallel_loop3A_574 : i32
      %parallel_loop3A_576 = arith.constant 0 : i32
      %parallel_loop3A_577 = arith.addi %parallel_loop3A_575, %parallel_loop3A_576 : i32
      %parallel_loop3A_578 = arith.index_cast %parallel_loop3A_577 : i32 to index
      %parallel_loop3A_579 = tpu.vector_load %arg7[%parallel_loop3A_578] {strides = array<i32>} : memref<8192xf32, #tpu.memory_space<vmem>>, vector<16xf32>,
      tpu.vector_store %arg7[%parallel_loop3A_578], %parallel_loop3A_571 {strides = array<i32>} : memref<8192xf32, #tpu.memory_space<vmem>>, vector<16xf32>,
      %parallel_loop3A_580 = arith.constant 4 : i32
      %parallel_loop3A_581 = arith.muli %parallel_loop3A_460, %parallel_loop3A_580 : i32
      %parallel_loop3A_582 = arith.constant 3 : i32
      %parallel_loop3A_583 = arith.addi %parallel_loop3A_581, %parallel_loop3A_582 : i32
      %parallel_loop3A_584 = arith.constant 16 : i32
      %parallel_loop3A_585 = arith.addi %mul3A_13, %parallel_loop3A_584 : i32
      %parallel_loop3A_586 = arith.index_cast %parallel_loop3A_583 : i32 to index
      %parallel_loop3A_587 = arith.index_cast %parallel_loop3A_585 : i32 to index
      %parallel_loop3A_588 = tpu.vector_load %arg6[%parallel_loop3A_586, %parallel_loop3A_587] {strides = array<i32>} : memref<256x128xf32, #tpu.memory_space<vmem>>, vector<16xf32>,
      %parallel_loop3A_589 = arith.constant 128 : i32
      %parallel_loop3A_590 = arith.muli %parallel_loop3A_460, %parallel_loop3A_589 : i32
      %parallel_loop3A_591 = arith.constant 96 : i32
      %parallel_loop3A_592 = arith.addi %parallel_loop3A_590, %parallel_loop3A_591 : i32
      %parallel_loop3A_593 = arith.constant 16 : i32
      %parallel_loop3A_594 = arith.addi %parallel_loop3A_592, %parallel_loop3A_593 : i32
      %parallel_loop3A_595 = arith.index_cast %parallel_loop3A_594 : i32 to index
      %parallel_loop3A_596 = tpu.vector_load %arg7[%parallel_loop3A_595] {strides = array<i32>} : memref<8192xf32, #tpu.memory_space<vmem>>, vector<16xf32>,
      tpu.vector_store %arg7[%parallel_loop3A_595], %parallel_loop3A_588 {strides = array<i32>} : memref<8192xf32, #tpu.memory_space<vmem>>, vector<16xf32>,
    } {sc.loop_unroll_factor = 1 : i64, sc.parallel_access}
    %parallel_loop3A_39 = arith.constant 0 : i32
    %parallel_loop3A_40 = arith.constant 64 : i32
    %parallel_loop3A_41 = arith.constant 1 : i32
    scf.for %parallel_loop3A_460 = %parallel_loop3A_39 to %parallel_loop3A_40 step %parallel_loop3A_41  : i32 {
      %parallel_loop3A_461 = arith.constant 16 : i32
      %parallel_loop3A_462 = arith.muli %parallel_loop3A_460, %parallel_loop3A_461 : i32
      %parallel_loop3A_463 = arith.index_cast %parallel_loop3A_462 : i32 to index
      %parallel_loop3A_464 = tpu.vector_load %arg8[%parallel_loop3A_463] {strides = array<i32>} : memref<1024xi32, #tpu.memory_space<vmem>>, vector<16xi32>,
      %parallel_loop3A_465 = arith.constant -3 : i32
      %parallel_loop3A_466 = vector.broadcast %parallel_loop3A_465 : i32 to vector<16xi32>
      %parallel_loop3A_467 = arith.addi %parallel_loop3A_464, %parallel_loop3A_466 : vector<16xi32>
      %parallel_loop3A_468 = arith.constant 128 : i32
      %parallel_loop3A_469 = vector.broadcast %parallel_loop3A_468 : i32 to vector<16xi32>
      %parallel_loop3A_470 = arith.muli %parallel_loop3A_467, %parallel_loop3A_469 : vector<16xi32>
      %parallel_loop3A_471 = arith.constant 4 : i32
      %parallel_loop3A_472 = arith.muli %parallel_loop3A_460, %parallel_loop3A_471 : i32
      %parallel_loop3A_473 = arith.constant 0 : i32
      %parallel_loop3A_474 = arith.addi %parallel_loop3A_472, %parallel_loop3A_473 : i32
      %parallel_loop3A_475 = arith.constant 16 : i32
      %parallel_loop3A_476 = arith.muli %parallel_loop3A_474, %parallel_loop3A_475 : i32
      %parallel_loop3A_477 = arith.index_cast %parallel_loop3A_476 : i32 to index
      %parallel_loop3A_478 = tpu.vector_load %arg10[%parallel_loop3A_477] {strides = array<i32>} : memref<4096xi32, #tpu.memory_space<vmem>>, vector<16xi32>,
      tpu.vector_store %arg10[%parallel_loop3A_477], %parallel_loop3A_470 {strides = array<i32>} : memref<4096xi32, #tpu.memory_space<vmem>>, vector<16xi32>,
      %parallel_loop3A_479 = arith.constant -2 : i32
      %parallel_loop3A_480 = vector.broadcast %parallel_loop3A_479 : i32 to vector<16xi32>
      %parallel_loop3A_481 = arith.addi %parallel_loop3A_464, %parallel_loop3A_480 : vector<16xi32>
      %parallel_loop3A_482 = arith.constant 128 : i32
      %parallel_loop3A_483 = vector.broadcast %parallel_loop3A_482 : i32 to vector<16xi32>
      %parallel_loop3A_484 = arith.muli %parallel_loop3A_481, %parallel_loop3A_483 : vector<16xi32>
      %parallel_loop3A_485 = arith.constant 4 : i32
      %parallel_loop3A_486 = arith.muli %parallel_loop3A_460, %parallel_loop3A_485 : i32
      %parallel_loop3A_487 = arith.constant 1 : i32
      %parallel_loop3A_488 = arith.addi %parallel_loop3A_486, %parallel_loop3A_487 : i32
      %parallel_loop3A_489 = arith.constant 16 : i32
      %parallel_loop3A_490 = arith.muli %parallel_loop3A_488, %parallel_loop3A_489 : i32
      %parallel_loop3A_491 = arith.index_cast %parallel_loop3A_490 : i32 to index
      %parallel_loop3A_492 = tpu.vector_load %arg10[%parallel_loop3A_491] {strides = array<i32>} : memref<4096xi32, #tpu.memory_space<vmem>>, vector<16xi32>,
      tpu.vector_store %arg10[%parallel_loop3A_491], %parallel_loop3A_484 {strides = array<i32>} : memref<4096xi32, #tpu.memory_space<vmem>>, vector<16xi32>,
      %parallel_loop3A_493 = arith.constant -1 : i32
      %parallel_loop3A_494 = vector.broadcast %parallel_loop3A_493 : i32 to vector<16xi32>
      %parallel_loop3A_495 = arith.addi %parallel_loop3A_464, %parallel_loop3A_494 : vector<16xi32>
      %parallel_loop3A_496 = arith.constant 128 : i32
      %parallel_loop3A_497 = vector.broadcast %parallel_loop3A_496 : i32 to vector<16xi32>
      %parallel_loop3A_498 = arith.muli %parallel_loop3A_495, %parallel_loop3A_497 : vector<16xi32>
      %parallel_loop3A_499 = arith.constant 4 : i32
      %parallel_loop3A_500 = arith.muli %parallel_loop3A_460, %parallel_loop3A_499 : i32
      %parallel_loop3A_501 = arith.constant 2 : i32
      %parallel_loop3A_502 = arith.addi %parallel_loop3A_500, %parallel_loop3A_501 : i32
      %parallel_loop3A_503 = arith.constant 16 : i32
      %parallel_loop3A_504 = arith.muli %parallel_loop3A_502, %parallel_loop3A_503 : i32
      %parallel_loop3A_505 = arith.index_cast %parallel_loop3A_504 : i32 to index
      %parallel_loop3A_506 = tpu.vector_load %arg10[%parallel_loop3A_505] {strides = array<i32>} : memref<4096xi32, #tpu.memory_space<vmem>>, vector<16xi32>,
      tpu.vector_store %arg10[%parallel_loop3A_505], %parallel_loop3A_498 {strides = array<i32>} : memref<4096xi32, #tpu.memory_space<vmem>>, vector<16xi32>,
      %parallel_loop3A_507 = arith.constant 0 : i32
      %parallel_loop3A_508 = vector.broadcast %parallel_loop3A_507 : i32 to vector<16xi32>
      %parallel_loop3A_509 = arith.addi %parallel_loop3A_464, %parallel_loop3A_508 : vector<16xi32>
      %parallel_loop3A_510 = arith.constant 128 : i32
      %parallel_loop3A_511 = vector.broadcast %parallel_loop3A_510 : i32 to vector<16xi32>
      %parallel_loop3A_512 = arith.muli %parallel_loop3A_509, %parallel_loop3A_511 : vector<16xi32>
      %parallel_loop3A_513 = arith.constant 4 : i32
      %parallel_loop3A_514 = arith.muli %parallel_loop3A_460, %parallel_loop3A_513 : i32
      %parallel_loop3A_515 = arith.constant 3 : i32
      %parallel_loop3A_516 = arith.addi %parallel_loop3A_514, %parallel_loop3A_515 : i32
      %parallel_loop3A_517 = arith.constant 16 : i32
      %parallel_loop3A_518 = arith.muli %parallel_loop3A_516, %parallel_loop3A_517 : i32
      %parallel_loop3A_519 = arith.index_cast %parallel_loop3A_518 : i32 to index
      %parallel_loop3A_520 = tpu.vector_load %arg10[%parallel_loop3A_519] {strides = array<i32>} : memref<4096xi32, #tpu.memory_space<vmem>>, vector<16xi32>,
      tpu.vector_store %arg10[%parallel_loop3A_519], %parallel_loop3A_512 {strides = array<i32>} : memref<4096xi32, #tpu.memory_space<vmem>>, vector<16xi32>,
    } {sc.loop_unroll_factor = 1 : i64, sc.parallel_access}
    %parallel_loop3A_42 = arith.constant 0 : i32
    %parallel_loop3A_43 = arith.constant 64 : i32
    %parallel_loop3A_44 = arith.constant 1 : i32
    scf.for %parallel_loop3A_460 = %parallel_loop3A_42 to %parallel_loop3A_43 step %parallel_loop3A_44  : i32 {
      %parallel_loop3A_461 = arith.constant 4 : i32
      %parallel_loop3A_462 = arith.muli %parallel_loop3A_460, %parallel_loop3A_461 : i32
      %parallel_loop3A_463 = arith.constant 0 : i32
      %parallel_loop3A_464 = arith.addi %parallel_loop3A_462, %parallel_loop3A_463 : i32
      %parallel_loop3A_465 = arith.constant 16 : i32
      %parallel_loop3A_466 = arith.muli %parallel_loop3A_464, %parallel_loop3A_465 : i32
      %parallel_loop3A_467 = arith.index_cast %parallel_loop3A_466 : i32 to index
      %parallel_loop3A_468 = tpu.vector_load %arg10[%parallel_loop3A_467] {strides = array<i32>} : memref<4096xi32, #tpu.memory_space<vmem>>, vector<16xi32>,
      %parallel_loop3A_469 = arith.constant 4 : i32
      %parallel_loop3A_470 = arith.muli %parallel_loop3A_460, %parallel_loop3A_469 : i32
      %parallel_loop3A_471 = arith.constant 1 : i32
      %parallel_loop3A_472 = arith.addi %parallel_loop3A_470, %parallel_loop3A_471 : i32
      %parallel_loop3A_473 = arith.constant 16 : i32
      %parallel_loop3A_474 = arith.muli %parallel_loop3A_472, %parallel_loop3A_473 : i32
      %parallel_loop3A_475 = arith.index_cast %parallel_loop3A_474 : i32 to index
      %parallel_loop3A_476 = tpu.vector_load %arg10[%parallel_loop3A_475] {strides = array<i32>} : memref<4096xi32, #tpu.memory_space<vmem>>, vector<16xi32>,
      %parallel_loop3A_477 = arith.constant 4 : i32
      %parallel_loop3A_478 = arith.muli %parallel_loop3A_460, %parallel_loop3A_477 : i32
      %parallel_loop3A_479 = arith.constant 2 : i32
      %parallel_loop3A_480 = arith.addi %parallel_loop3A_478, %parallel_loop3A_479 : i32
      %parallel_loop3A_481 = arith.constant 16 : i32
      %parallel_loop3A_482 = arith.muli %parallel_loop3A_480, %parallel_loop3A_481 : i32
      %parallel_loop3A_483 = arith.index_cast %parallel_loop3A_482 : i32 to index
      %parallel_loop3A_484 = tpu.vector_load %arg10[%parallel_loop3A_483] {strides = array<i32>} : memref<4096xi32, #tpu.memory_space<vmem>>, vector<16xi32>,
      %parallel_loop3A_485 = arith.constant 4 : i32
      %parallel_loop3A_486 = arith.muli %parallel_loop3A_460, %parallel_loop3A_485 : i32
      %parallel_loop3A_487 = arith.constant 3 : i32
      %parallel_loop3A_488 = arith.addi %parallel_loop3A_486, %parallel_loop3A_487 : i32
      %parallel_loop3A_489 = arith.constant 16 : i32
      %parallel_loop3A_490 = arith.muli %parallel_loop3A_488, %parallel_loop3A_489 : i32
      %parallel_loop3A_491 = arith.index_cast %parallel_loop3A_490 : i32 to index
      %parallel_loop3A_492 = tpu.vector_load %arg10[%parallel_loop3A_491] {strides = array<i32>} : memref<4096xi32, #tpu.memory_space<vmem>>, vector<16xi32>,
      %parallel_loop3A_493 = arith.constant 16 : i32
      %parallel_loop3A_494 = arith.muli %parallel_loop3A_460, %parallel_loop3A_493 : i32
      %parallel_loop3A_495 = arith.constant 0 : i32
      %parallel_loop3A_496 = arith.index_cast %parallel_loop3A_495 : i32 to index
      %parallel_loop3A_497 = arith.index_cast %parallel_loop3A_494 : i32 to index
      %parallel_loop3A_498 = tpu.vector_load %arg9[%parallel_loop3A_496, %parallel_loop3A_497] {strides = array<i32>} : memref<4x1024xf32, #tpu.memory_space<vmem>>, vector<16xf32>,
      %parallel_loop3A_499 = arith.constant 16 : i32
      %parallel_loop3A_500 = arith.muli %parallel_loop3A_460, %parallel_loop3A_499 : i32
      %parallel_loop3A_501 = arith.constant 1 : i32
      %parallel_loop3A_502 = arith.index_cast %parallel_loop3A_501 : i32 to index
      %parallel_loop3A_503 = arith.index_cast %parallel_loop3A_500 : i32 to index
      %parallel_loop3A_504 = tpu.vector_load %arg9[%parallel_loop3A_502, %parallel_loop3A_503] {strides = array<i32>} : memref<4x1024xf32, #tpu.memory_space<vmem>>, vector<16xf32>,
      %parallel_loop3A_505 = arith.constant 16 : i32
      %parallel_loop3A_506 = arith.muli %parallel_loop3A_460, %parallel_loop3A_505 : i32
      %parallel_loop3A_507 = arith.constant 2 : i32
      %parallel_loop3A_508 = arith.index_cast %parallel_loop3A_507 : i32 to index
      %parallel_loop3A_509 = arith.index_cast %parallel_loop3A_506 : i32 to index
      %parallel_loop3A_510 = tpu.vector_load %arg9[%parallel_loop3A_508, %parallel_loop3A_509] {strides = array<i32>} : memref<4x1024xf32, #tpu.memory_space<vmem>>, vector<16xf32>,
      %parallel_loop3A_511 = arith.constant 16 : i32
      %parallel_loop3A_512 = arith.muli %parallel_loop3A_460, %parallel_loop3A_511 : i32
      %parallel_loop3A_513 = arith.constant 3 : i32
      %parallel_loop3A_514 = arith.index_cast %parallel_loop3A_513 : i32 to index
      %parallel_loop3A_515 = arith.index_cast %parallel_loop3A_512 : i32 to index
      %parallel_loop3A_516 = tpu.vector_load %arg9[%parallel_loop3A_514, %parallel_loop3A_515] {strides = array<i32>} : memref<4x1024xf32, #tpu.memory_space<vmem>>, vector<16xf32>,
      %parallel_loop3A_517 = arith.constant 16 : i32
      %parallel_loop3A_518 = arith.muli %parallel_loop3A_460, %parallel_loop3A_517 : i32
      %parallel_loop3A_519 = arith.constant 0 : i32
      %parallel_loop3A_520 = arith.constant 8 : i32
      %parallel_loop3A_521 = arith.constant 1 : i32
      scf.for %parallel_loop3A_522 = %parallel_loop3A_519 to %parallel_loop3A_520 step %parallel_loop3A_521  : i32 {
        %parallel_loop3A_523 = arith.constant 0 : i32
        %parallel_loop3A_524 = arith.addi %parallel_loop3A_523, %parallel_loop3A_522 : i32
        %parallel_loop3A_525 = vector.broadcast %parallel_loop3A_524 : i32 to vector<16xi32>
        %parallel_loop3A_526 = arith.addi %parallel_loop3A_468, %parallel_loop3A_525 : vector<16xi32>
        %parallel_loop3A_527 = arith.addi %parallel_loop3A_476, %parallel_loop3A_525 : vector<16xi32>
        %parallel_loop3A_528 = arith.addi %parallel_loop3A_484, %parallel_loop3A_525 : vector<16xi32>
        %parallel_loop3A_529 = arith.addi %parallel_loop3A_492, %parallel_loop3A_525 : vector<16xi32>
        %parallel_loop3A_530 = arith.constant 96 : i32
        %parallel_loop3A_531 = vector.broadcast %parallel_loop3A_530 : i32 to vector<16xi32>
        %parallel_loop3A_532 = arith.addi %parallel_loop3A_526, %parallel_loop3A_531 : vector<16xi32>
        %parallel_loop3A_533 = tpu.vector_load_idx %arg7[%parallel_loop3A_532] : memref<8192xf32, #tpu.memory_space<vmem>>[vector<16xi32>], vector<16xf32>,
        %parallel_loop3A_534 = arith.mulf %parallel_loop3A_498, %parallel_loop3A_533 : vector<16xf32>
        %parallel_loop3A_535 = tpu.vector_load_idx %arg7[%parallel_loop3A_526] : memref<8192xf32, #tpu.memory_space<vmem>>[vector<16xi32>], vector<16xf32>,
        %parallel_loop3A_536 = arith.mulf %parallel_loop3A_534, %parallel_loop3A_535 : vector<16xf32>
        %parallel_loop3A_537 = arith.constant 32 : i32
        %parallel_loop3A_538 = vector.broadcast %parallel_loop3A_537 : i32 to vector<16xi32>
        %parallel_loop3A_539 = arith.addi %parallel_loop3A_526, %parallel_loop3A_538 : vector<16xi32>
        %parallel_loop3A_540 = tpu.vector_load_idx %arg7[%parallel_loop3A_539] : memref<8192xf32, #tpu.memory_space<vmem>>[vector<16xi32>], vector<16xf32>,
        %parallel_loop3A_541 = arith.mulf %parallel_loop3A_534, %parallel_loop3A_540 : vector<16xf32>
        %parallel_loop3A_542 = arith.constant 64 : i32
        %parallel_loop3A_543 = vector.broadcast %parallel_loop3A_542 : i32 to vector<16xi32>
        %parallel_loop3A_544 = arith.addi %parallel_loop3A_526, %parallel_loop3A_543 : vector<16xi32>
        %parallel_loop3A_545 = tpu.vector_load_idx %arg7[%parallel_loop3A_544] : memref<8192xf32, #tpu.memory_space<vmem>>[vector<16xi32>], vector<16xf32>,
        %parallel_loop3A_546 = arith.mulf %parallel_loop3A_534, %parallel_loop3A_545 : vector<16xf32>
        %parallel_loop3A_547 = arith.constant 96 : i32
        %parallel_loop3A_548 = vector.broadcast %parallel_loop3A_547 : i32 to vector<16xi32>
        %parallel_loop3A_549 = arith.addi %parallel_loop3A_527, %parallel_loop3A_548 : vector<16xi32>
        %parallel_loop3A_550 = tpu.vector_load_idx %arg7[%parallel_loop3A_549] : memref<8192xf32, #tpu.memory_space<vmem>>[vector<16xi32>], vector<16xf32>,
        %parallel_loop3A_551 = arith.mulf %parallel_loop3A_504, %parallel_loop3A_550 : vector<16xf32>
        %parallel_loop3A_552 = arith.addf %parallel_loop3A_534, %parallel_loop3A_551 : vector<16xf32>
        %parallel_loop3A_553 = tpu.vector_load_idx %arg7[%parallel_loop3A_527] : memref<8192xf32, #tpu.memory_space<vmem>>[vector<16xi32>], vector<16xf32>,
        %parallel_loop3A_554 = arith.mulf %parallel_loop3A_551, %parallel_loop3A_553 : vector<16xf32>
        %parallel_loop3A_555 = arith.addf %parallel_loop3A_536, %parallel_loop3A_554 : vector<16xf32>
        %parallel_loop3A_556 = arith.constant 32 : i32
        %parallel_loop3A_557 = vector.broadcast %parallel_loop3A_556 : i32 to vector<16xi32>
        %parallel_loop3A_558 = arith.addi %parallel_loop3A_527, %parallel_loop3A_557 : vector<16xi32>
        %parallel_loop3A_559 = tpu.vector_load_idx %arg7[%parallel_loop3A_558] : memref<8192xf32, #tpu.memory_space<vmem>>[vector<16xi32>], vector<16xf32>,
        %parallel_loop3A_560 = arith.mulf %parallel_loop3A_551, %parallel_loop3A_559 : vector<16xf32>
        %parallel_loop3A_561 = arith.addf %parallel_loop3A_541, %parallel_loop3A_560 : vector<16xf32>
        %parallel_loop3A_562 = arith.constant 64 : i32
        %parallel_loop3A_563 = vector.broadcast %parallel_loop3A_562 : i32 to vector<16xi32>
        %parallel_loop3A_564 = arith.addi %parallel_loop3A_527, %parallel_loop3A_563 : vector<16xi32>
        %parallel_loop3A_565 = tpu.vector_load_idx %arg7[%parallel_loop3A_564] : memref<8192xf32, #tpu.memory_space<vmem>>[vector<16xi32>], vector<16xf32>,
        %parallel_loop3A_566 = arith.mulf %parallel_loop3A_551, %parallel_loop3A_565 : vector<16xf32>
        %parallel_loop3A_567 = arith.addf %parallel_loop3A_546, %parallel_loop3A_566 : vector<16xf32>
        %parallel_loop3A_568 = arith.constant 96 : i32
        %parallel_loop3A_569 = vector.broadcast %parallel_loop3A_568 : i32 to vector<16xi32>
        %parallel_loop3A_570 = arith.addi %parallel_loop3A_528, %parallel_loop3A_569 : vector<16xi32>
        %parallel_loop3A_571 = tpu.vector_load_idx %arg7[%parallel_loop3A_570] : memref<8192xf32, #tpu.memory_space<vmem>>[vector<16xi32>], vector<16xf32>,
        %parallel_loop3A_572 = arith.mulf %parallel_loop3A_510, %parallel_loop3A_571 : vector<16xf32>
        %parallel_loop3A_573 = arith.addf %parallel_loop3A_552, %parallel_loop3A_572 : vector<16xf32>
        %parallel_loop3A_574 = tpu.vector_load_idx %arg7[%parallel_loop3A_528] : memref<8192xf32, #tpu.memory_space<vmem>>[vector<16xi32>], vector<16xf32>,
        %parallel_loop3A_575 = arith.mulf %parallel_loop3A_572, %parallel_loop3A_574 : vector<16xf32>
        %parallel_loop3A_576 = arith.addf %parallel_loop3A_555, %parallel_loop3A_575 : vector<16xf32>
        %parallel_loop3A_577 = arith.constant 32 : i32
        %parallel_loop3A_578 = vector.broadcast %parallel_loop3A_577 : i32 to vector<16xi32>
        %parallel_loop3A_579 = arith.addi %parallel_loop3A_528, %parallel_loop3A_578 : vector<16xi32>
        %parallel_loop3A_580 = tpu.vector_load_idx %arg7[%parallel_loop3A_579] : memref<8192xf32, #tpu.memory_space<vmem>>[vector<16xi32>], vector<16xf32>,
        %parallel_loop3A_581 = arith.mulf %parallel_loop3A_572, %parallel_loop3A_580 : vector<16xf32>
        %parallel_loop3A_582 = arith.addf %parallel_loop3A_561, %parallel_loop3A_581 : vector<16xf32>
        %parallel_loop3A_583 = arith.constant 64 : i32
        %parallel_loop3A_584 = vector.broadcast %parallel_loop3A_583 : i32 to vector<16xi32>
        %parallel_loop3A_585 = arith.addi %parallel_loop3A_528, %parallel_loop3A_584 : vector<16xi32>
        %parallel_loop3A_586 = tpu.vector_load_idx %arg7[%parallel_loop3A_585] : memref<8192xf32, #tpu.memory_space<vmem>>[vector<16xi32>], vector<16xf32>,
        %parallel_loop3A_587 = arith.mulf %parallel_loop3A_572, %parallel_loop3A_586 : vector<16xf32>
        %parallel_loop3A_588 = arith.addf %parallel_loop3A_567, %parallel_loop3A_587 : vector<16xf32>
        %parallel_loop3A_589 = arith.constant 96 : i32
        %parallel_loop3A_590 = vector.broadcast %parallel_loop3A_589 : i32 to vector<16xi32>
        %parallel_loop3A_591 = arith.addi %parallel_loop3A_529, %parallel_loop3A_590 : vector<16xi32>
        %parallel_loop3A_592 = tpu.vector_load_idx %arg7[%parallel_loop3A_591] : memref<8192xf32, #tpu.memory_space<vmem>>[vector<16xi32>], vector<16xf32>,
        %parallel_loop3A_593 = arith.mulf %parallel_loop3A_516, %parallel_loop3A_592 : vector<16xf32>
        %parallel_loop3A_594 = arith.addf %parallel_loop3A_573, %parallel_loop3A_593 : vector<16xf32>
        %parallel_loop3A_595 = tpu.vector_load_idx %arg7[%parallel_loop3A_529] : memref<8192xf32, #tpu.memory_space<vmem>>[vector<16xi32>], vector<16xf32>,
        %parallel_loop3A_596 = arith.mulf %parallel_loop3A_593, %parallel_loop3A_595 : vector<16xf32>
        %parallel_loop3A_597 = arith.addf %parallel_loop3A_576, %parallel_loop3A_596 : vector<16xf32>
        %parallel_loop3A_598 = arith.constant 32 : i32
        %parallel_loop3A_599 = vector.broadcast %parallel_loop3A_598 : i32 to vector<16xi32>
        %parallel_loop3A_600 = arith.addi %parallel_loop3A_529, %parallel_loop3A_599 : vector<16xi32>
        %parallel_loop3A_601 = tpu.vector_load_idx %arg7[%parallel_loop3A_600] : memref<8192xf32, #tpu.memory_space<vmem>>[vector<16xi32>], vector<16xf32>,
        %parallel_loop3A_602 = arith.mulf %parallel_loop3A_593, %parallel_loop3A_601 : vector<16xf32>
        %parallel_loop3A_603 = arith.addf %parallel_loop3A_582, %parallel_loop3A_602 : vector<16xf32>
        %parallel_loop3A_604 = arith.constant 64 : i32
        %parallel_loop3A_605 = vector.broadcast %parallel_loop3A_604 : i32 to vector<16xi32>
        %parallel_loop3A_606 = arith.addi %parallel_loop3A_529, %parallel_loop3A_605 : vector<16xi32>
        %parallel_loop3A_607 = tpu.vector_load_idx %arg7[%parallel_loop3A_606] : memref<8192xf32, #tpu.memory_space<vmem>>[vector<16xi32>], vector<16xf32>,
        %parallel_loop3A_608 = arith.mulf %parallel_loop3A_593, %parallel_loop3A_607 : vector<16xf32>
        %parallel_loop3A_609 = arith.addf %parallel_loop3A_588, %parallel_loop3A_608 : vector<16xf32>
        %parallel_loop3A_610 = arith.constant 1.000000e+00 : f32
        %parallel_loop3A_611 = vector.broadcast %parallel_loop3A_610 : f32 to vector<16xf32>
        %parallel_loop3A_612 = arith.divf %parallel_loop3A_611, %parallel_loop3A_594 : vector<16xf32>
        %parallel_loop3A_613 = arith.mulf %parallel_loop3A_597, %parallel_loop3A_612 : vector<16xf32>
        %parallel_loop3A_614 = arith.constant 0 : i32
        %parallel_loop3A_615 = arith.index_cast %parallel_loop3A_614 : i32 to index
        %parallel_loop3A_616 = arith.index_cast %parallel_loop3A_522 : i32 to index
        %parallel_loop3A_617 = arith.index_cast %parallel_loop3A_518 : i32 to index
        %parallel_loop3A_618 = tpu.vector_load %arg11[%parallel_loop3A_615, %parallel_loop3A_616, %parallel_loop3A_617] {strides = array<i32>} : memref<3x8x1024xf32, #tpu.memory_space<vmem>>, vector<16xf32>,
        tpu.vector_store %arg11[%parallel_loop3A_615, %parallel_loop3A_616, %parallel_loop3A_617], %parallel_loop3A_613 {strides = array<i32>} : memref<3x8x1024xf32, #tpu.memory_space<vmem>>, vector<16xf32>,
        %parallel_loop3A_619 = arith.mulf %parallel_loop3A_603, %parallel_loop3A_612 : vector<16xf32>
        %parallel_loop3A_620 = arith.constant 1 : i32
        %parallel_loop3A_621 = arith.index_cast %parallel_loop3A_620 : i32 to index
        %parallel_loop3A_622 = arith.index_cast %parallel_loop3A_522 : i32 to index
        %parallel_loop3A_623 = arith.index_cast %parallel_loop3A_518 : i32 to index
        %parallel_loop3A_624 = tpu.vector_load %arg11[%parallel_loop3A_621, %parallel_loop3A_622, %parallel_loop3A_623] {strides = array<i32>} : memref<3x8x1024xf32, #tpu.memory_space<vmem>>, vector<16xf32>,
        tpu.vector_store %arg11[%parallel_loop3A_621, %parallel_loop3A_622, %parallel_loop3A_623], %parallel_loop3A_619 {strides = array<i32>} : memref<3x8x1024xf32, #tpu.memory_space<vmem>>, vector<16xf32>,
        %parallel_loop3A_625 = arith.mulf %parallel_loop3A_609, %parallel_loop3A_612 : vector<16xf32>
        %parallel_loop3A_626 = arith.constant 2 : i32
        %parallel_loop3A_627 = arith.index_cast %parallel_loop3A_626 : i32 to index
        %parallel_loop3A_628 = arith.index_cast %parallel_loop3A_522 : i32 to index
        %parallel_loop3A_629 = arith.index_cast %parallel_loop3A_518 : i32 to index
        %parallel_loop3A_630 = tpu.vector_load %arg11[%parallel_loop3A_627, %parallel_loop3A_628, %parallel_loop3A_629] {strides = array<i32>} : memref<3x8x1024xf32, #tpu.memory_space<vmem>>, vector<16xf32>,
        tpu.vector_store %arg11[%parallel_loop3A_627, %parallel_loop3A_628, %parallel_loop3A_629], %parallel_loop3A_625 {strides = array<i32>} : memref<3x8x1024xf32, #tpu.memory_space<vmem>>, vector<16xf32>,
      } {sc.loop_unroll_factor = 2 : i64, sc.parallel_access}
    } {sc.loop_unroll_factor = 1 : i64, sc.parallel_access}
    %add3A_45 = arith.constant 0 : i32
    %add3A_46 = arith.addi %mul3A_2, %add3A_45 : i32
    %dma_start3A = arith.constant 0 : i32
    %dma_start3A_47 = arith.constant 0 : i32
    %dma_start3A_48 = arith.constant 0 : i32
    %dma_start3A_49 = arith.constant 0 : i32
    %dma_start3A_50 = tpu.memref_slice %arg11[%dma_start3A, %dma_start3A_48, %dma_start3A_49] : memref<3x8x1024xf32, #tpu.memory_space<vmem>> -> memref<1x8x1024xf32, #tpu.memory_space<vmem>>
    %dma_start3A_51 = tpu.memref_squeeze %dma_start3A_50 : memref<1x8x1024xf32, #tpu.memory_space<vmem>> -> memref<8x1024xf32, #tpu.memory_space<vmem>>
    %dma_start3A_52 = arith.constant 0 : i32
    %dma_start3A_53 = tpu.memref_slice %arg5[%dma_start3A_47, %add3A_46, %dma_start3A_52] : memref<3x1024x1024xf32, #tpu.memory_space<hbm>> -> memref<1x8x1024xf32, #tpu.memory_space<hbm>>
    %dma_start3A_54 = tpu.memref_squeeze %dma_start3A_53 : memref<1x8x1024xf32, #tpu.memory_space<hbm>> -> memref<8x1024xf32, #tpu.memory_space<hbm>>
    %dma_start3A_55 = arith.constant 0 : i32
    %dma_start3A_56 = tpu.memref_slice %arg5[%dma_start3A_47, %add3A_46, %dma_start3A_55] : memref<3x1024x1024xf32, #tpu.memory_space<hbm>> -> memref<1x8x1024xf32, #tpu.memory_space<hbm>>
    %dma_start3A_57 = tpu.memref_squeeze %dma_start3A_56 : memref<1x8x1024xf32, #tpu.memory_space<hbm>> -> memref<8x1024xf32, #tpu.memory_space<hbm>>
    %dma_start3A_58 = arith.constant 0 : i32
    %dma_start3A_59 = arith.constant 0 : i32
    %dma_start3A_60 = tpu.memref_slice %arg11[%dma_start3A, %dma_start3A_58, %dma_start3A_59] : memref<3x8x1024xf32, #tpu.memory_space<vmem>> -> memref<1x8x1024xf32, #tpu.memory_space<vmem>>
    %dma_start3A_61 = tpu.memref_squeeze %dma_start3A_60 : memref<1x8x1024xf32, #tpu.memory_space<vmem>> -> memref<8x1024xf32, #tpu.memory_space<vmem>>
    tpu.enqueue_dma source(%dma_start3A_61 : memref<8x1024xf32, #tpu.memory_space<vmem>>) target(%dma_start3A_57 : memref<8x1024xf32, #tpu.memory_space<hbm>>) target_semaphore(%arg13 : memref<!tpu.dma_semaphore, #tpu.memory_space<semaphore_mem>>)
    %add3A_62 = arith.constant 0 : i32
    %add3A_63 = arith.addi %mul3A_2, %add3A_62 : i32
    %dma_start3A_64 = arith.constant 1 : i32
    %dma_start3A_65 = arith.constant 1 : i32
    %dma_start3A_66 = arith.constant 0 : i32
    %dma_start3A_67 = arith.constant 0 : i32
    %dma_start3A_68 = tpu.memref_slice %arg11[%dma_start3A_64, %dma_start3A_66, %dma_start3A_67] : memref<3x8x1024xf32, #tpu.memory_space<vmem>> -> memref<1x8x1024xf32, #tpu.memory_space<vmem>>
    %dma_start3A_69 = tpu.memref_squeeze %dma_start3A_68 : memref<1x8x1024xf32, #tpu.memory_space<vmem>> -> memref<8x1024xf32, #tpu.memory_space<vmem>>
    %dma_start3A_70 = arith.constant 0 : i32
    %dma_start3A_71 = tpu.memref_slice %arg5[%dma_start3A_65, %add3A_63, %dma_start3A_70] : memref<3x1024x1024xf32, #tpu.memory_space<hbm>> -> memref<1x8x1024xf32, #tpu.memory_space<hbm>>
    %dma_start3A_72 = tpu.memref_squeeze %dma_start3A_71 : memref<1x8x1024xf32, #tpu.memory_space<hbm>> -> memref<8x1024xf32, #tpu.memory_space<hbm>>
    %dma_start3A_73 = arith.constant 0 : i32
    %dma_start3A_74 = tpu.memref_slice %arg5[%dma_start3A_65, %add3A_63, %dma_start3A_73] : memref<3x1024x1024xf32, #tpu.memory_space<hbm>> -> memref<1x8x1024xf32, #tpu.memory_space<hbm>>
    %dma_start3A_75 = tpu.memref_squeeze %dma_start3A_74 : memref<1x8x1024xf32, #tpu.memory_space<hbm>> -> memref<8x1024xf32, #tpu.memory_space<hbm>>
    %dma_start3A_76 = arith.constant 0 : i32
    %dma_start3A_77 = arith.constant 0 : i32
    %dma_start3A_78 = tpu.memref_slice %arg11[%dma_start3A_64, %dma_start3A_76, %dma_start3A_77] : memref<3x8x1024xf32, #tpu.memory_space<vmem>> -> memref<1x8x1024xf32, #tpu.memory_space<vmem>>
    %dma_start3A_79 = tpu.memref_squeeze %dma_start3A_78 : memref<1x8x1024xf32, #tpu.memory_space<vmem>> -> memref<8x1024xf32, #tpu.memory_space<vmem>>
    tpu.enqueue_dma source(%dma_start3A_79 : memref<8x1024xf32, #tpu.memory_space<vmem>>) target(%dma_start3A_75 : memref<8x1024xf32, #tpu.memory_space<hbm>>) target_semaphore(%arg13 : memref<!tpu.dma_semaphore, #tpu.memory_space<semaphore_mem>>)
    %add3A_80 = arith.constant 0 : i32
    %add3A_81 = arith.addi %mul3A_2, %add3A_80 : i32
    %dma_start3A_82 = arith.constant 2 : i32
    %dma_start3A_83 = arith.constant 2 : i32
    %dma_start3A_84 = arith.constant 0 : i32
    %dma_start3A_85 = arith.constant 0 : i32
    %dma_start3A_86 = tpu.memref_slice %arg11[%dma_start3A_82, %dma_start3A_84, %dma_start3A_85] : memref<3x8x1024xf32, #tpu.memory_space<vmem>> -> memref<1x8x1024xf32, #tpu.memory_space<vmem>>
    %dma_start3A_87 = tpu.memref_squeeze %dma_start3A_86 : memref<1x8x1024xf32, #tpu.memory_space<vmem>> -> memref<8x1024xf32, #tpu.memory_space<vmem>>
    %dma_start3A_88 = arith.constant 0 : i32
    %dma_start3A_89 = tpu.memref_slice %arg5[%dma_start3A_83, %add3A_81, %dma_start3A_88] : memref<3x1024x1024xf32, #tpu.memory_space<hbm>> -> memref<1x8x1024xf32, #tpu.memory_space<hbm>>
    %dma_start3A_90 = tpu.memref_squeeze %dma_start3A_89 : memref<1x8x1024xf32, #tpu.memory_space<hbm>> -> memref<8x1024xf32, #tpu.memory_space<hbm>>
    %dma_start3A_91 = arith.constant 0 : i32
    %dma_start3A_92 = tpu.memref_slice %arg5[%dma_start3A_83, %add3A_81, %dma_start3A_91] : memref<3x1024x1024xf32, #tpu.memory_space<hbm>> -> memref<1x8x1024xf32, #tpu.memory_space<hbm>>
    %dma_start3A_93 = tpu.memref_squeeze %dma_start3A_92 : memref<1x8x1024xf32, #tpu.memory_space<hbm>> -> memref<8x1024xf32, #tpu.memory_space<hbm>>
    %dma_start3A_94 = arith.constant 0 : i32
    %dma_start3A_95 = arith.constant 0 : i32
    %dma_start3A_96 = tpu.memref_slice %arg11[%dma_start3A_82, %dma_start3A_94, %dma_start3A_95] : memref<3x8x1024xf32, #tpu.memory_space<vmem>> -> memref<1x8x1024xf32, #tpu.memory_space<vmem>>
    %dma_start3A_97 = tpu.memref_squeeze %dma_start3A_96 : memref<1x8x1024xf32, #tpu.memory_space<vmem>> -> memref<8x1024xf32, #tpu.memory_space<vmem>>
    tpu.enqueue_dma source(%dma_start3A_97 : memref<8x1024xf32, #tpu.memory_space<vmem>>) target(%dma_start3A_93 : memref<8x1024xf32, #tpu.memory_space<hbm>>) target_semaphore(%arg13 : memref<!tpu.dma_semaphore, #tpu.memory_space<semaphore_mem>>)
    %parallel_loop3A_98 = arith.constant 0 : i32
    %parallel_loop3A_99 = arith.constant 64 : i32
    %parallel_loop3A_100 = arith.constant 1 : i32
    scf.for %parallel_loop3A_460 = %parallel_loop3A_98 to %parallel_loop3A_99 step %parallel_loop3A_100  : i32 {
      %parallel_loop3A_461 = arith.constant 4 : i32
      %parallel_loop3A_462 = arith.muli %parallel_loop3A_460, %parallel_loop3A_461 : i32
      %parallel_loop3A_463 = arith.constant 0 : i32
      %parallel_loop3A_464 = arith.addi %parallel_loop3A_462, %parallel_loop3A_463 : i32
      %parallel_loop3A_465 = arith.constant 16 : i32
      %parallel_loop3A_466 = arith.muli %parallel_loop3A_464, %parallel_loop3A_465 : i32
      %parallel_loop3A_467 = arith.index_cast %parallel_loop3A_466 : i32 to index
      %parallel_loop3A_468 = tpu.vector_load %arg10[%parallel_loop3A_467] {strides = array<i32>} : memref<4096xi32, #tpu.memory_space<vmem>>, vector<16xi32>,
      %parallel_loop3A_469 = arith.constant 4 : i32
      %parallel_loop3A_470 = arith.muli %parallel_loop3A_460, %parallel_loop3A_469 : i32
      %parallel_loop3A_471 = arith.constant 1 : i32
      %parallel_loop3A_472 = arith.addi %parallel_loop3A_470, %parallel_loop3A_471 : i32
      %parallel_loop3A_473 = arith.constant 16 : i32
      %parallel_loop3A_474 = arith.muli %parallel_loop3A_472, %parallel_loop3A_473 : i32
      %parallel_loop3A_475 = arith.index_cast %parallel_loop3A_474 : i32 to index
      %parallel_loop3A_476 = tpu.vector_load %arg10[%parallel_loop3A_475] {strides = array<i32>} : memref<4096xi32, #tpu.memory_space<vmem>>, vector<16xi32>,
      %parallel_loop3A_477 = arith.constant 4 : i32
      %parallel_loop3A_478 = arith.muli %parallel_loop3A_460, %parallel_loop3A_477 : i32
      %parallel_loop3A_479 = arith.constant 2 : i32
      %parallel_loop3A_480 = arith.addi %parallel_loop3A_478, %parallel_loop3A_479 : i32
      %parallel_loop3A_481 = arith.constant 16 : i32
      %parallel_loop3A_482 = arith.muli %parallel_loop3A_480, %parallel_loop3A_481 : i32
      %parallel_loop3A_483 = arith.index_cast %parallel_loop3A_482 : i32 to index
      %parallel_loop3A_484 = tpu.vector_load %arg10[%parallel_loop3A_483] {strides = array<i32>} : memref<4096xi32, #tpu.memory_space<vmem>>, vector<16xi32>,
      %parallel_loop3A_485 = arith.constant 4 : i32
      %parallel_loop3A_486 = arith.muli %parallel_loop3A_460, %parallel_loop3A_485 : i32
      %parallel_loop3A_487 = arith.constant 3 : i32
      %parallel_loop3A_488 = arith.addi %parallel_loop3A_486, %parallel_loop3A_487 : i32
      %parallel_loop3A_489 = arith.constant 16 : i32
      %parallel_loop3A_490 = arith.muli %parallel_loop3A_488, %parallel_loop3A_489 : i32
      %parallel_loop3A_491 = arith.index_cast %parallel_loop3A_490 : i32 to index
      %parallel_loop3A_492 = tpu.vector_load %arg10[%parallel_loop3A_491] {strides = array<i32>} : memref<4096xi32, #tpu.memory_space<vmem>>, vector<16xi32>,
      %parallel_loop3A_493 = arith.constant 16 : i32
      %parallel_loop3A_494 = arith.muli %parallel_loop3A_460, %parallel_loop3A_493 : i32
      %parallel_loop3A_495 = arith.constant 0 : i32
      %parallel_loop3A_496 = arith.index_cast %parallel_loop3A_495 : i32 to index
      %parallel_loop3A_497 = arith.index_cast %parallel_loop3A_494 : i32 to index
      %parallel_loop3A_498 = tpu.vector_load %arg9[%parallel_loop3A_496, %parallel_loop3A_497] {strides = array<i32>} : memref<4x1024xf32, #tpu.memory_space<vmem>>, vector<16xf32>,
      %parallel_loop3A_499 = arith.constant 16 : i32
      %parallel_loop3A_500 = arith.muli %parallel_loop3A_460, %parallel_loop3A_499 : i32
      %parallel_loop3A_501 = arith.constant 1 : i32
      %parallel_loop3A_502 = arith.index_cast %parallel_loop3A_501 : i32 to index
      %parallel_loop3A_503 = arith.index_cast %parallel_loop3A_500 : i32 to index
      %parallel_loop3A_504 = tpu.vector_load %arg9[%parallel_loop3A_502, %parallel_loop3A_503] {strides = array<i32>} : memref<4x1024xf32, #tpu.memory_space<vmem>>, vector<16xf32>,
      %parallel_loop3A_505 = arith.constant 16 : i32
      %parallel_loop3A_506 = arith.muli %parallel_loop3A_460, %parallel_loop3A_505 : i32
      %parallel_loop3A_507 = arith.constant 2 : i32
      %parallel_loop3A_508 = arith.index_cast %parallel_loop3A_507 : i32 to index
      %parallel_loop3A_509 = arith.index_cast %parallel_loop3A_506 : i32 to index
      %parallel_loop3A_510 = tpu.vector_load %arg9[%parallel_loop3A_508, %parallel_loop3A_509] {strides = array<i32>} : memref<4x1024xf32, #tpu.memory_space<vmem>>, vector<16xf32>,
      %parallel_loop3A_511 = arith.constant 16 : i32
      %parallel_loop3A_512 = arith.muli %parallel_loop3A_460, %parallel_loop3A_511 : i32
      %parallel_loop3A_513 = arith.constant 3 : i32
      %parallel_loop3A_514 = arith.index_cast %parallel_loop3A_513 : i32 to index
      %parallel_loop3A_515 = arith.index_cast %parallel_loop3A_512 : i32 to index
      %parallel_loop3A_516 = tpu.vector_load %arg9[%parallel_loop3A_514, %parallel_loop3A_515] {strides = array<i32>} : memref<4x1024xf32, #tpu.memory_space<vmem>>, vector<16xf32>,
      %parallel_loop3A_517 = arith.constant 16 : i32
      %parallel_loop3A_518 = arith.muli %parallel_loop3A_460, %parallel_loop3A_517 : i32
      %parallel_loop3A_519 = arith.constant 0 : i32
      %parallel_loop3A_520 = arith.constant 8 : i32
      %parallel_loop3A_521 = arith.constant 1 : i32
      scf.for %parallel_loop3A_522 = %parallel_loop3A_519 to %parallel_loop3A_520 step %parallel_loop3A_521  : i32 {
        %parallel_loop3A_523 = arith.constant 8 : i32
        %parallel_loop3A_524 = arith.addi %parallel_loop3A_523, %parallel_loop3A_522 : i32
        %parallel_loop3A_525 = vector.broadcast %parallel_loop3A_524 : i32 to vector<16xi32>
        %parallel_loop3A_526 = arith.addi %parallel_loop3A_468, %parallel_loop3A_525 : vector<16xi32>
        %parallel_loop3A_527 = arith.addi %parallel_loop3A_476, %parallel_loop3A_525 : vector<16xi32>
        %parallel_loop3A_528 = arith.addi %parallel_loop3A_484, %parallel_loop3A_525 : vector<16xi32>
        %parallel_loop3A_529 = arith.addi %parallel_loop3A_492, %parallel_loop3A_525 : vector<16xi32>
        %parallel_loop3A_530 = arith.constant 96 : i32
        %parallel_loop3A_531 = vector.broadcast %parallel_loop3A_530 : i32 to vector<16xi32>
        %parallel_loop3A_532 = arith.addi %parallel_loop3A_526, %parallel_loop3A_531 : vector<16xi32>
        %parallel_loop3A_533 = tpu.vector_load_idx %arg7[%parallel_loop3A_532] : memref<8192xf32, #tpu.memory_space<vmem>>[vector<16xi32>], vector<16xf32>,
        %parallel_loop3A_534 = arith.mulf %parallel_loop3A_498, %parallel_loop3A_533 : vector<16xf32>
        %parallel_loop3A_535 = tpu.vector_load_idx %arg7[%parallel_loop3A_526] : memref<8192xf32, #tpu.memory_space<vmem>>[vector<16xi32>], vector<16xf32>,
        %parallel_loop3A_536 = arith.mulf %parallel_loop3A_534, %parallel_loop3A_535 : vector<16xf32>
        %parallel_loop3A_537 = arith.constant 32 : i32
        %parallel_loop3A_538 = vector.broadcast %parallel_loop3A_537 : i32 to vector<16xi32>
        %parallel_loop3A_539 = arith.addi %parallel_loop3A_526, %parallel_loop3A_538 : vector<16xi32>
        %parallel_loop3A_540 = tpu.vector_load_idx %arg7[%parallel_loop3A_539] : memref<8192xf32, #tpu.memory_space<vmem>>[vector<16xi32>], vector<16xf32>,
        %parallel_loop3A_541 = arith.mulf %parallel_loop3A_534, %parallel_loop3A_540 : vector<16xf32>
        %parallel_loop3A_542 = arith.constant 64 : i32
        %parallel_loop3A_543 = vector.broadcast %parallel_loop3A_542 : i32 to vector<16xi32>
        %parallel_loop3A_544 = arith.addi %parallel_loop3A_526, %parallel_loop3A_543 : vector<16xi32>
        %parallel_loop3A_545 = tpu.vector_load_idx %arg7[%parallel_loop3A_544] : memref<8192xf32, #tpu.memory_space<vmem>>[vector<16xi32>], vector<16xf32>,
        %parallel_loop3A_546 = arith.mulf %parallel_loop3A_534, %parallel_loop3A_545 : vector<16xf32>
        %parallel_loop3A_547 = arith.constant 96 : i32
        %parallel_loop3A_548 = vector.broadcast %parallel_loop3A_547 : i32 to vector<16xi32>
        %parallel_loop3A_549 = arith.addi %parallel_loop3A_527, %parallel_loop3A_548 : vector<16xi32>
        %parallel_loop3A_550 = tpu.vector_load_idx %arg7[%parallel_loop3A_549] : memref<8192xf32, #tpu.memory_space<vmem>>[vector<16xi32>], vector<16xf32>,
        %parallel_loop3A_551 = arith.mulf %parallel_loop3A_504, %parallel_loop3A_550 : vector<16xf32>
        %parallel_loop3A_552 = arith.addf %parallel_loop3A_534, %parallel_loop3A_551 : vector<16xf32>
        %parallel_loop3A_553 = tpu.vector_load_idx %arg7[%parallel_loop3A_527] : memref<8192xf32, #tpu.memory_space<vmem>>[vector<16xi32>], vector<16xf32>,
        %parallel_loop3A_554 = arith.mulf %parallel_loop3A_551, %parallel_loop3A_553 : vector<16xf32>
        %parallel_loop3A_555 = arith.addf %parallel_loop3A_536, %parallel_loop3A_554 : vector<16xf32>
        %parallel_loop3A_556 = arith.constant 32 : i32
        %parallel_loop3A_557 = vector.broadcast %parallel_loop3A_556 : i32 to vector<16xi32>
        %parallel_loop3A_558 = arith.addi %parallel_loop3A_527, %parallel_loop3A_557 : vector<16xi32>
        %parallel_loop3A_559 = tpu.vector_load_idx %arg7[%parallel_loop3A_558] : memref<8192xf32, #tpu.memory_space<vmem>>[vector<16xi32>], vector<16xf32>,
        %parallel_loop3A_560 = arith.mulf %parallel_loop3A_551, %parallel_loop3A_559 : vector<16xf32>
        %parallel_loop3A_561 = arith.addf %parallel_loop3A_541, %parallel_loop3A_560 : vector<16xf32>
        %parallel_loop3A_562 = arith.constant 64 : i32
        %parallel_loop3A_563 = vector.broadcast %parallel_loop3A_562 : i32 to vector<16xi32>
        %parallel_loop3A_564 = arith.addi %parallel_loop3A_527, %parallel_loop3A_563 : vector<16xi32>
        %parallel_loop3A_565 = tpu.vector_load_idx %arg7[%parallel_loop3A_564] : memref<8192xf32, #tpu.memory_space<vmem>>[vector<16xi32>], vector<16xf32>,
        %parallel_loop3A_566 = arith.mulf %parallel_loop3A_551, %parallel_loop3A_565 : vector<16xf32>
        %parallel_loop3A_567 = arith.addf %parallel_loop3A_546, %parallel_loop3A_566 : vector<16xf32>
        %parallel_loop3A_568 = arith.constant 96 : i32
        %parallel_loop3A_569 = vector.broadcast %parallel_loop3A_568 : i32 to vector<16xi32>
        %parallel_loop3A_570 = arith.addi %parallel_loop3A_528, %parallel_loop3A_569 : vector<16xi32>
        %parallel_loop3A_571 = tpu.vector_load_idx %arg7[%parallel_loop3A_570] : memref<8192xf32, #tpu.memory_space<vmem>>[vector<16xi32>], vector<16xf32>,
        %parallel_loop3A_572 = arith.mulf %parallel_loop3A_510, %parallel_loop3A_571 : vector<16xf32>
        %parallel_loop3A_573 = arith.addf %parallel_loop3A_552, %parallel_loop3A_572 : vector<16xf32>
        %parallel_loop3A_574 = tpu.vector_load_idx %arg7[%parallel_loop3A_528] : memref<8192xf32, #tpu.memory_space<vmem>>[vector<16xi32>], vector<16xf32>,
        %parallel_loop3A_575 = arith.mulf %parallel_loop3A_572, %parallel_loop3A_574 : vector<16xf32>
        %parallel_loop3A_576 = arith.addf %parallel_loop3A_555, %parallel_loop3A_575 : vector<16xf32>
        %parallel_loop3A_577 = arith.constant 32 : i32
        %parallel_loop3A_578 = vector.broadcast %parallel_loop3A_577 : i32 to vector<16xi32>
        %parallel_loop3A_579 = arith.addi %parallel_loop3A_528, %parallel_loop3A_578 : vector<16xi32>
        %parallel_loop3A_580 = tpu.vector_load_idx %arg7[%parallel_loop3A_579] : memref<8192xf32, #tpu.memory_space<vmem>>[vector<16xi32>], vector<16xf32>,
        %parallel_loop3A_581 = arith.mulf %parallel_loop3A_572, %parallel_loop3A_580 : vector<16xf32>
        %parallel_loop3A_582 = arith.addf %parallel_loop3A_561, %parallel_loop3A_581 : vector<16xf32>
        %parallel_loop3A_583 = arith.constant 64 : i32
        %parallel_loop3A_584 = vector.broadcast %parallel_loop3A_583 : i32 to vector<16xi32>
        %parallel_loop3A_585 = arith.addi %parallel_loop3A_528, %parallel_loop3A_584 : vector<16xi32>
        %parallel_loop3A_586 = tpu.vector_load_idx %arg7[%parallel_loop3A_585] : memref<8192xf32, #tpu.memory_space<vmem>>[vector<16xi32>], vector<16xf32>,
        %parallel_loop3A_587 = arith.mulf %parallel_loop3A_572, %parallel_loop3A_586 : vector<16xf32>
        %parallel_loop3A_588 = arith.addf %parallel_loop3A_567, %parallel_loop3A_587 : vector<16xf32>
        %parallel_loop3A_589 = arith.constant 96 : i32
        %parallel_loop3A_590 = vector.broadcast %parallel_loop3A_589 : i32 to vector<16xi32>
        %parallel_loop3A_591 = arith.addi %parallel_loop3A_529, %parallel_loop3A_590 : vector<16xi32>
        %parallel_loop3A_592 = tpu.vector_load_idx %arg7[%parallel_loop3A_591] : memref<8192xf32, #tpu.memory_space<vmem>>[vector<16xi32>], vector<16xf32>,
        %parallel_loop3A_593 = arith.mulf %parallel_loop3A_516, %parallel_loop3A_592 : vector<16xf32>
        %parallel_loop3A_594 = arith.addf %parallel_loop3A_573, %parallel_loop3A_593 : vector<16xf32>
        %parallel_loop3A_595 = tpu.vector_load_idx %arg7[%parallel_loop3A_529] : memref<8192xf32, #tpu.memory_space<vmem>>[vector<16xi32>], vector<16xf32>,
        %parallel_loop3A_596 = arith.mulf %parallel_loop3A_593, %parallel_loop3A_595 : vector<16xf32>
        %parallel_loop3A_597 = arith.addf %parallel_loop3A_576, %parallel_loop3A_596 : vector<16xf32>
        %parallel_loop3A_598 = arith.constant 32 : i32
        %parallel_loop3A_599 = vector.broadcast %parallel_loop3A_598 : i32 to vector<16xi32>
        %parallel_loop3A_600 = arith.addi %parallel_loop3A_529, %parallel_loop3A_599 : vector<16xi32>
        %parallel_loop3A_601 = tpu.vector_load_idx %arg7[%parallel_loop3A_600] : memref<8192xf32, #tpu.memory_space<vmem>>[vector<16xi32>], vector<16xf32>,
        %parallel_loop3A_602 = arith.mulf %parallel_loop3A_593, %parallel_loop3A_601 : vector<16xf32>
        %parallel_loop3A_603 = arith.addf %parallel_loop3A_582, %parallel_loop3A_602 : vector<16xf32>
        %parallel_loop3A_604 = arith.constant 64 : i32
        %parallel_loop3A_605 = vector.broadcast %parallel_loop3A_604 : i32 to vector<16xi32>
        %parallel_loop3A_606 = arith.addi %parallel_loop3A_529, %parallel_loop3A_605 : vector<16xi32>
        %parallel_loop3A_607 = tpu.vector_load_idx %arg7[%parallel_loop3A_606] : memref<8192xf32, #tpu.memory_space<vmem>>[vector<16xi32>], vector<16xf32>,
        %parallel_loop3A_608 = arith.mulf %parallel_loop3A_593, %parallel_loop3A_607 : vector<16xf32>
        %parallel_loop3A_609 = arith.addf %parallel_loop3A_588, %parallel_loop3A_608 : vector<16xf32>
        %parallel_loop3A_610 = arith.constant 1.000000e+00 : f32
        %parallel_loop3A_611 = vector.broadcast %parallel_loop3A_610 : f32 to vector<16xf32>
        %parallel_loop3A_612 = arith.divf %parallel_loop3A_611, %parallel_loop3A_594 : vector<16xf32>
        %parallel_loop3A_613 = arith.mulf %parallel_loop3A_597, %parallel_loop3A_612 : vector<16xf32>
        %parallel_loop3A_614 = arith.constant 0 : i32
        %parallel_loop3A_615 = arith.index_cast %parallel_loop3A_614 : i32 to index
        %parallel_loop3A_616 = arith.index_cast %parallel_loop3A_522 : i32 to index
        %parallel_loop3A_617 = arith.index_cast %parallel_loop3A_518 : i32 to index
        %parallel_loop3A_618 = tpu.vector_load %arg12[%parallel_loop3A_615, %parallel_loop3A_616, %parallel_loop3A_617] {strides = array<i32>} : memref<3x8x1024xf32, #tpu.memory_space<vmem>>, vector<16xf32>,
        tpu.vector_store %arg12[%parallel_loop3A_615, %parallel_loop3A_616, %parallel_loop3A_617], %parallel_loop3A_613 {strides = array<i32>} : memref<3x8x1024xf32, #tpu.memory_space<vmem>>, vector<16xf32>,
        %parallel_loop3A_619 = arith.mulf %parallel_loop3A_603, %parallel_loop3A_612 : vector<16xf32>
        %parallel_loop3A_620 = arith.constant 1 : i32
        %parallel_loop3A_621 = arith.index_cast %parallel_loop3A_620 : i32 to index
        %parallel_loop3A_622 = arith.index_cast %parallel_loop3A_522 : i32 to index
        %parallel_loop3A_623 = arith.index_cast %parallel_loop3A_518 : i32 to index
        %parallel_loop3A_624 = tpu.vector_load %arg12[%parallel_loop3A_621, %parallel_loop3A_622, %parallel_loop3A_623] {strides = array<i32>} : memref<3x8x1024xf32, #tpu.memory_space<vmem>>, vector<16xf32>,
        tpu.vector_store %arg12[%parallel_loop3A_621, %parallel_loop3A_622, %parallel_loop3A_623], %parallel_loop3A_619 {strides = array<i32>} : memref<3x8x1024xf32, #tpu.memory_space<vmem>>, vector<16xf32>,
        %parallel_loop3A_625 = arith.mulf %parallel_loop3A_609, %parallel_loop3A_612 : vector<16xf32>
        %parallel_loop3A_626 = arith.constant 2 : i32
        %parallel_loop3A_627 = arith.index_cast %parallel_loop3A_626 : i32 to index
        %parallel_loop3A_628 = arith.index_cast %parallel_loop3A_522 : i32 to index
        %parallel_loop3A_629 = arith.index_cast %parallel_loop3A_518 : i32 to index
        %parallel_loop3A_630 = tpu.vector_load %arg12[%parallel_loop3A_627, %parallel_loop3A_628, %parallel_loop3A_629] {strides = array<i32>} : memref<3x8x1024xf32, #tpu.memory_space<vmem>>, vector<16xf32>,
        tpu.vector_store %arg12[%parallel_loop3A_627, %parallel_loop3A_628, %parallel_loop3A_629], %parallel_loop3A_625 {strides = array<i32>} : memref<3x8x1024xf32, #tpu.memory_space<vmem>>, vector<16xf32>,
      } {sc.loop_unroll_factor = 2 : i64, sc.parallel_access}
    } {sc.loop_unroll_factor = 1 : i64, sc.parallel_access}
    %add3A_101 = arith.constant 8 : i32
    %add3A_102 = arith.addi %mul3A_2, %add3A_101 : i32
    %dma_start3A_103 = arith.constant 0 : i32
    %dma_start3A_104 = arith.constant 0 : i32
    %dma_start3A_105 = arith.constant 0 : i32
    %dma_start3A_106 = arith.constant 0 : i32
    %dma_start3A_107 = tpu.memref_slice %arg12[%dma_start3A_103, %dma_start3A_105, %dma_start3A_106] : memref<3x8x1024xf32, #tpu.memory_space<vmem>> -> memref<1x8x1024xf32, #tpu.memory_space<vmem>>
    %dma_start3A_108 = tpu.memref_squeeze %dma_start3A_107 : memref<1x8x1024xf32, #tpu.memory_space<vmem>> -> memref<8x1024xf32, #tpu.memory_space<vmem>>
    %dma_start3A_109 = arith.constant 0 : i32
    %dma_start3A_110 = tpu.memref_slice %arg5[%dma_start3A_104, %add3A_102, %dma_start3A_109] : memref<3x1024x1024xf32, #tpu.memory_space<hbm>> -> memref<1x8x1024xf32, #tpu.memory_space<hbm>>
    %dma_start3A_111 = tpu.memref_squeeze %dma_start3A_110 : memref<1x8x1024xf32, #tpu.memory_space<hbm>> -> memref<8x1024xf32, #tpu.memory_space<hbm>>
    %dma_start3A_112 = arith.constant 0 : i32
    %dma_start3A_113 = tpu.memref_slice %arg5[%dma_start3A_104, %add3A_102, %dma_start3A_112] : memref<3x1024x1024xf32, #tpu.memory_space<hbm>> -> memref<1x8x1024xf32, #tpu.memory_space<hbm>>
    %dma_start3A_114 = tpu.memref_squeeze %dma_start3A_113 : memref<1x8x1024xf32, #tpu.memory_space<hbm>> -> memref<8x1024xf32, #tpu.memory_space<hbm>>
    %dma_start3A_115 = arith.constant 0 : i32
    %dma_start3A_116 = arith.constant 0 : i32
    %dma_start3A_117 = tpu.memref_slice %arg12[%dma_start3A_103, %dma_start3A_115, %dma_start3A_116] : memref<3x8x1024xf32, #tpu.memory_space<vmem>> -> memref<1x8x1024xf32, #tpu.memory_space<vmem>>
    %dma_start3A_118 = tpu.memref_squeeze %dma_start3A_117 : memref<1x8x1024xf32, #tpu.memory_space<vmem>> -> memref<8x1024xf32, #tpu.memory_space<vmem>>
    tpu.enqueue_dma source(%dma_start3A_118 : memref<8x1024xf32, #tpu.memory_space<vmem>>) target(%dma_start3A_114 : memref<8x1024xf32, #tpu.memory_space<hbm>>) target_semaphore(%arg13 : memref<!tpu.dma_semaphore, #tpu.memory_space<semaphore_mem>>)
    %add3A_119 = arith.constant 8 : i32
    %add3A_120 = arith.addi %mul3A_2, %add3A_119 : i32
    %dma_start3A_121 = arith.constant 1 : i32
    %dma_start3A_122 = arith.constant 1 : i32
    %dma_start3A_123 = arith.constant 0 : i32
    %dma_start3A_124 = arith.constant 0 : i32
    %dma_start3A_125 = tpu.memref_slice %arg12[%dma_start3A_121, %dma_start3A_123, %dma_start3A_124] : memref<3x8x1024xf32, #tpu.memory_space<vmem>> -> memref<1x8x1024xf32, #tpu.memory_space<vmem>>
    %dma_start3A_126 = tpu.memref_squeeze %dma_start3A_125 : memref<1x8x1024xf32, #tpu.memory_space<vmem>> -> memref<8x1024xf32, #tpu.memory_space<vmem>>
    %dma_start3A_127 = arith.constant 0 : i32
    %dma_start3A_128 = tpu.memref_slice %arg5[%dma_start3A_122, %add3A_120, %dma_start3A_127] : memref<3x1024x1024xf32, #tpu.memory_space<hbm>> -> memref<1x8x1024xf32, #tpu.memory_space<hbm>>
    %dma_start3A_129 = tpu.memref_squeeze %dma_start3A_128 : memref<1x8x1024xf32, #tpu.memory_space<hbm>> -> memref<8x1024xf32, #tpu.memory_space<hbm>>
    %dma_start3A_130 = arith.constant 0 : i32
    %dma_start3A_131 = tpu.memref_slice %arg5[%dma_start3A_122, %add3A_120, %dma_start3A_130] : memref<3x1024x1024xf32, #tpu.memory_space<hbm>> -> memref<1x8x1024xf32, #tpu.memory_space<hbm>>
    %dma_start3A_132 = tpu.memref_squeeze %dma_start3A_131 : memref<1x8x1024xf32, #tpu.memory_space<hbm>> -> memref<8x1024xf32, #tpu.memory_space<hbm>>
    %dma_start3A_133 = arith.constant 0 : i32
    %dma_start3A_134 = arith.constant 0 : i32
    %dma_start3A_135 = tpu.memref_slice %arg12[%dma_start3A_121, %dma_start3A_133, %dma_start3A_134] : memref<3x8x1024xf32, #tpu.memory_space<vmem>> -> memref<1x8x1024xf32, #tpu.memory_space<vmem>>
    %dma_start3A_136 = tpu.memref_squeeze %dma_start3A_135 : memref<1x8x1024xf32, #tpu.memory_space<vmem>> -> memref<8x1024xf32, #tpu.memory_space<vmem>>
    tpu.enqueue_dma source(%dma_start3A_136 : memref<8x1024xf32, #tpu.memory_space<vmem>>) target(%dma_start3A_132 : memref<8x1024xf32, #tpu.memory_space<hbm>>) target_semaphore(%arg13 : memref<!tpu.dma_semaphore, #tpu.memory_space<semaphore_mem>>)
    %add3A_137 = arith.constant 8 : i32
    %add3A_138 = arith.addi %mul3A_2, %add3A_137 : i32
    %dma_start3A_139 = arith.constant 2 : i32
    %dma_start3A_140 = arith.constant 2 : i32
    %dma_start3A_141 = arith.constant 0 : i32
    %dma_start3A_142 = arith.constant 0 : i32
    %dma_start3A_143 = tpu.memref_slice %arg12[%dma_start3A_139, %dma_start3A_141, %dma_start3A_142] : memref<3x8x1024xf32, #tpu.memory_space<vmem>> -> memref<1x8x1024xf32, #tpu.memory_space<vmem>>
    %dma_start3A_144 = tpu.memref_squeeze %dma_start3A_143 : memref<1x8x1024xf32, #tpu.memory_space<vmem>> -> memref<8x1024xf32, #tpu.memory_space<vmem>>
    %dma_start3A_145 = arith.constant 0 : i32
    %dma_start3A_146 = tpu.memref_slice %arg5[%dma_start3A_140, %add3A_138, %dma_start3A_145] : memref<3x1024x1024xf32, #tpu.memory_space<hbm>> -> memref<1x8x1024xf32, #tpu.memory_space<hbm>>
    %dma_start3A_147 = tpu.memref_squeeze %dma_start3A_146 : memref<1x8x1024xf32, #tpu.memory_space<hbm>> -> memref<8x1024xf32, #tpu.memory_space<hbm>>
    %dma_start3A_148 = arith.constant 0 : i32
    %dma_start3A_149 = tpu.memref_slice %arg5[%dma_start3A_140, %add3A_138, %dma_start3A_148] : memref<3x1024x1024xf32, #tpu.memory_space<hbm>> -> memref<1x8x1024xf32, #tpu.memory_space<hbm>>
    %dma_start3A_150 = tpu.memref_squeeze %dma_start3A_149 : memref<1x8x1024xf32, #tpu.memory_space<hbm>> -> memref<8x1024xf32, #tpu.memory_space<hbm>>
    %dma_start3A_151 = arith.constant 0 : i32
    %dma_start3A_152 = arith.constant 0 : i32
    %dma_start3A_153 = tpu.memref_slice %arg12[%dma_start3A_139, %dma_start3A_151, %dma_start3A_152] : memref<3x8x1024xf32, #tpu.memory_space<vmem>> -> memref<1x8x1024xf32, #tpu.memory_space<vmem>>
    %dma_start3A_154 = tpu.memref_squeeze %dma_start3A_153 : memref<1x8x1024xf32, #tpu.memory_space<vmem>> -> memref<8x1024xf32, #tpu.memory_space<vmem>>
    tpu.enqueue_dma source(%dma_start3A_154 : memref<8x1024xf32, #tpu.memory_space<vmem>>) target(%dma_start3A_150 : memref<8x1024xf32, #tpu.memory_space<hbm>>) target_semaphore(%arg13 : memref<!tpu.dma_semaphore, #tpu.memory_space<semaphore_mem>>)
    %dma_wait3A = arith.constant 0 : i32
    %dma_wait3A_155 = arith.constant 0 : i32
    %dma_wait3A_156 = arith.constant 0 : i32
    %dma_wait3A_157 = arith.constant 0 : i32
    %dma_wait3A_158 = tpu.memref_slice %arg11[%dma_wait3A, %dma_wait3A_156, %dma_wait3A_157] : memref<3x8x1024xf32, #tpu.memory_space<vmem>> -> memref<1x8x1024xf32, #tpu.memory_space<vmem>>
    %dma_wait3A_159 = tpu.memref_squeeze %dma_wait3A_158 : memref<1x8x1024xf32, #tpu.memory_space<vmem>> -> memref<8x1024xf32, #tpu.memory_space<vmem>>
    %dma_wait3A_160 = arith.constant 0 : i32
    %dma_wait3A_161 = tpu.memref_slice %arg5[%dma_wait3A_155, %add3A_46, %dma_wait3A_160] : memref<3x1024x1024xf32, #tpu.memory_space<hbm>> -> memref<1x8x1024xf32, #tpu.memory_space<hbm>>
    %dma_wait3A_162 = tpu.memref_squeeze %dma_wait3A_161 : memref<1x8x1024xf32, #tpu.memory_space<hbm>> -> memref<8x1024xf32, #tpu.memory_space<hbm>>
    %dma_wait3A_163 = arith.constant 0 : i32
    %dma_wait3A_164 = tpu.memref_slice %arg5[%dma_wait3A_155, %add3A_46, %dma_wait3A_163] : memref<3x1024x1024xf32, #tpu.memory_space<hbm>> -> memref<1x8x1024xf32, #tpu.memory_space<hbm>>
    %dma_wait3A_165 = tpu.memref_squeeze %dma_wait3A_164 : memref<1x8x1024xf32, #tpu.memory_space<hbm>> -> memref<8x1024xf32, #tpu.memory_space<hbm>>
    %dma_wait3A_166 = arith.constant 0 : i32
    %dma_wait3A_167 = arith.constant 0 : i32
    %dma_wait3A_168 = tpu.memref_slice %arg11[%dma_wait3A, %dma_wait3A_166, %dma_wait3A_167] : memref<3x8x1024xf32, #tpu.memory_space<vmem>> -> memref<1x8x1024xf32, #tpu.memory_space<vmem>>
    %dma_wait3A_169 = tpu.memref_squeeze %dma_wait3A_168 : memref<1x8x1024xf32, #tpu.memory_space<vmem>> -> memref<8x1024xf32, #tpu.memory_space<vmem>>
    tpu.wait_dma2 semaphore(%arg13 : memref<!tpu.dma_semaphore, #tpu.memory_space<semaphore_mem>>) src(%dma_wait3A_169 : memref<8x1024xf32, #tpu.memory_space<vmem>>) dst(%dma_wait3A_165 : memref<8x1024xf32, #tpu.memory_space<hbm>>)
    %dma_wait3A_170 = arith.constant 1 : i32
    %dma_wait3A_171 = arith.constant 1 : i32
    %dma_wait3A_172 = arith.constant 0 : i32
    %dma_wait3A_173 = arith.constant 0 : i32
    %dma_wait3A_174 = tpu.memref_slice %arg11[%dma_wait3A_170, %dma_wait3A_172, %dma_wait3A_173] : memref<3x8x1024xf32, #tpu.memory_space<vmem>> -> memref<1x8x1024xf32, #tpu.memory_space<vmem>>
    %dma_wait3A_175 = tpu.memref_squeeze %dma_wait3A_174 : memref<1x8x1024xf32, #tpu.memory_space<vmem>> -> memref<8x1024xf32, #tpu.memory_space<vmem>>
    %dma_wait3A_176 = arith.constant 0 : i32
    %dma_wait3A_177 = tpu.memref_slice %arg5[%dma_wait3A_171, %add3A_63, %dma_wait3A_176] : memref<3x1024x1024xf32, #tpu.memory_space<hbm>> -> memref<1x8x1024xf32, #tpu.memory_space<hbm>>
    %dma_wait3A_178 = tpu.memref_squeeze %dma_wait3A_177 : memref<1x8x1024xf32, #tpu.memory_space<hbm>> -> memref<8x1024xf32, #tpu.memory_space<hbm>>
    %dma_wait3A_179 = arith.constant 0 : i32
    %dma_wait3A_180 = tpu.memref_slice %arg5[%dma_wait3A_171, %add3A_63, %dma_wait3A_179] : memref<3x1024x1024xf32, #tpu.memory_space<hbm>> -> memref<1x8x1024xf32, #tpu.memory_space<hbm>>
    %dma_wait3A_181 = tpu.memref_squeeze %dma_wait3A_180 : memref<1x8x1024xf32, #tpu.memory_space<hbm>> -> memref<8x1024xf32, #tpu.memory_space<hbm>>
    %dma_wait3A_182 = arith.constant 0 : i32
    %dma_wait3A_183 = arith.constant 0 : i32
    %dma_wait3A_184 = tpu.memref_slice %arg11[%dma_wait3A_170, %dma_wait3A_182, %dma_wait3A_183] : memref<3x8x1024xf32, #tpu.memory_space<vmem>> -> memref<1x8x1024xf32, #tpu.memory_space<vmem>>
    %dma_wait3A_185 = tpu.memref_squeeze %dma_wait3A_184 : memref<1x8x1024xf32, #tpu.memory_space<vmem>> -> memref<8x1024xf32, #tpu.memory_space<vmem>>
    tpu.wait_dma2 semaphore(%arg13 : memref<!tpu.dma_semaphore, #tpu.memory_space<semaphore_mem>>) src(%dma_wait3A_185 : memref<8x1024xf32, #tpu.memory_space<vmem>>) dst(%dma_wait3A_181 : memref<8x1024xf32, #tpu.memory_space<hbm>>)
    %dma_wait3A_186 = arith.constant 2 : i32
    %dma_wait3A_187 = arith.constant 2 : i32
    %dma_wait3A_188 = arith.constant 0 : i32
    %dma_wait3A_189 = arith.constant 0 : i32
    %dma_wait3A_190 = tpu.memref_slice %arg11[%dma_wait3A_186, %dma_wait3A_188, %dma_wait3A_189] : memref<3x8x1024xf32, #tpu.memory_space<vmem>> -> memref<1x8x1024xf32, #tpu.memory_space<vmem>>
    %dma_wait3A_191 = tpu.memref_squeeze %dma_wait3A_190 : memref<1x8x1024xf32, #tpu.memory_space<vmem>> -> memref<8x1024xf32, #tpu.memory_space<vmem>>
    %dma_wait3A_192 = arith.constant 0 : i32
    %dma_wait3A_193 = tpu.memref_slice %arg5[%dma_wait3A_187, %add3A_81, %dma_wait3A_192] : memref<3x1024x1024xf32, #tpu.memory_space<hbm>> -> memref<1x8x1024xf32, #tpu.memory_space<hbm>>
    %dma_wait3A_194 = tpu.memref_squeeze %dma_wait3A_193 : memref<1x8x1024xf32, #tpu.memory_space<hbm>> -> memref<8x1024xf32, #tpu.memory_space<hbm>>
    %dma_wait3A_195 = arith.constant 0 : i32
    %dma_wait3A_196 = tpu.memref_slice %arg5[%dma_wait3A_187, %add3A_81, %dma_wait3A_195] : memref<3x1024x1024xf32, #tpu.memory_space<hbm>> -> memref<1x8x1024xf32, #tpu.memory_space<hbm>>
    %dma_wait3A_197 = tpu.memref_squeeze %dma_wait3A_196 : memref<1x8x1024xf32, #tpu.memory_space<hbm>> -> memref<8x1024xf32, #tpu.memory_space<hbm>>
    %dma_wait3A_198 = arith.constant 0 : i32
    %dma_wait3A_199 = arith.constant 0 : i32
    %dma_wait3A_200 = tpu.memref_slice %arg11[%dma_wait3A_186, %dma_wait3A_198, %dma_wait3A_199] : memref<3x8x1024xf32, #tpu.memory_space<vmem>> -> memref<1x8x1024xf32, #tpu.memory_space<vmem>>
    %dma_wait3A_201 = tpu.memref_squeeze %dma_wait3A_200 : memref<1x8x1024xf32, #tpu.memory_space<vmem>> -> memref<8x1024xf32, #tpu.memory_space<vmem>>
    tpu.wait_dma2 semaphore(%arg13 : memref<!tpu.dma_semaphore, #tpu.memory_space<semaphore_mem>>) src(%dma_wait3A_201 : memref<8x1024xf32, #tpu.memory_space<vmem>>) dst(%dma_wait3A_197 : memref<8x1024xf32, #tpu.memory_space<hbm>>)
    %parallel_loop3A_202 = arith.constant 0 : i32
    %parallel_loop3A_203 = arith.constant 64 : i32
    %parallel_loop3A_204 = arith.constant 1 : i32
    scf.for %parallel_loop3A_460 = %parallel_loop3A_202 to %parallel_loop3A_203 step %parallel_loop3A_204  : i32 {
      %parallel_loop3A_461 = arith.constant 4 : i32
      %parallel_loop3A_462 = arith.muli %parallel_loop3A_460, %parallel_loop3A_461 : i32
      %parallel_loop3A_463 = arith.constant 0 : i32
      %parallel_loop3A_464 = arith.addi %parallel_loop3A_462, %parallel_loop3A_463 : i32
      %parallel_loop3A_465 = arith.constant 16 : i32
      %parallel_loop3A_466 = arith.muli %parallel_loop3A_464, %parallel_loop3A_465 : i32
      %parallel_loop3A_467 = arith.index_cast %parallel_loop3A_466 : i32 to index
      %parallel_loop3A_468 = tpu.vector_load %arg10[%parallel_loop3A_467] {strides = array<i32>} : memref<4096xi32, #tpu.memory_space<vmem>>, vector<16xi32>,
      %parallel_loop3A_469 = arith.constant 4 : i32
      %parallel_loop3A_470 = arith.muli %parallel_loop3A_460, %parallel_loop3A_469 : i32
      %parallel_loop3A_471 = arith.constant 1 : i32
      %parallel_loop3A_472 = arith.addi %parallel_loop3A_470, %parallel_loop3A_471 : i32
      %parallel_loop3A_473 = arith.constant 16 : i32
      %parallel_loop3A_474 = arith.muli %parallel_loop3A_472, %parallel_loop3A_473 : i32
      %parallel_loop3A_475 = arith.index_cast %parallel_loop3A_474 : i32 to index
      %parallel_loop3A_476 = tpu.vector_load %arg10[%parallel_loop3A_475] {strides = array<i32>} : memref<4096xi32, #tpu.memory_space<vmem>>, vector<16xi32>,
      %parallel_loop3A_477 = arith.constant 4 : i32
      %parallel_loop3A_478 = arith.muli %parallel_loop3A_460, %parallel_loop3A_477 : i32
      %parallel_loop3A_479 = arith.constant 2 : i32
      %parallel_loop3A_480 = arith.addi %parallel_loop3A_478, %parallel_loop3A_479 : i32
      %parallel_loop3A_481 = arith.constant 16 : i32
      %parallel_loop3A_482 = arith.muli %parallel_loop3A_480, %parallel_loop3A_481 : i32
      %parallel_loop3A_483 = arith.index_cast %parallel_loop3A_482 : i32 to index
      %parallel_loop3A_484 = tpu.vector_load %arg10[%parallel_loop3A_483] {strides = array<i32>} : memref<4096xi32, #tpu.memory_space<vmem>>, vector<16xi32>,
      %parallel_loop3A_485 = arith.constant 4 : i32
      %parallel_loop3A_486 = arith.muli %parallel_loop3A_460, %parallel_loop3A_485 : i32
      %parallel_loop3A_487 = arith.constant 3 : i32
      %parallel_loop3A_488 = arith.addi %parallel_loop3A_486, %parallel_loop3A_487 : i32
      %parallel_loop3A_489 = arith.constant 16 : i32
      %parallel_loop3A_490 = arith.muli %parallel_loop3A_488, %parallel_loop3A_489 : i32
      %parallel_loop3A_491 = arith.index_cast %parallel_loop3A_490 : i32 to index
      %parallel_loop3A_492 = tpu.vector_load %arg10[%parallel_loop3A_491] {strides = array<i32>} : memref<4096xi32, #tpu.memory_space<vmem>>, vector<16xi32>,
      %parallel_loop3A_493 = arith.constant 16 : i32
      %parallel_loop3A_494 = arith.muli %parallel_loop3A_460, %parallel_loop3A_493 : i32
      %parallel_loop3A_495 = arith.constant 0 : i32
      %parallel_loop3A_496 = arith.index_cast %parallel_loop3A_495 : i32 to index
      %parallel_loop3A_497 = arith.index_cast %parallel_loop3A_494 : i32 to index
      %parallel_loop3A_498 = tpu.vector_load %arg9[%parallel_loop3A_496, %parallel_loop3A_497] {strides = array<i32>} : memref<4x1024xf32, #tpu.memory_space<vmem>>, vector<16xf32>,
      %parallel_loop3A_499 = arith.constant 16 : i32
      %parallel_loop3A_500 = arith.muli %parallel_loop3A_460, %parallel_loop3A_499 : i32
      %parallel_loop3A_501 = arith.constant 1 : i32
      %parallel_loop3A_502 = arith.index_cast %parallel_loop3A_501 : i32 to index
      %parallel_loop3A_503 = arith.index_cast %parallel_loop3A_500 : i32 to index
      %parallel_loop3A_504 = tpu.vector_load %arg9[%parallel_loop3A_502, %parallel_loop3A_503] {strides = array<i32>} : memref<4x1024xf32, #tpu.memory_space<vmem>>, vector<16xf32>,
      %parallel_loop3A_505 = arith.constant 16 : i32
      %parallel_loop3A_506 = arith.muli %parallel_loop3A_460, %parallel_loop3A_505 : i32
      %parallel_loop3A_507 = arith.constant 2 : i32
      %parallel_loop3A_508 = arith.index_cast %parallel_loop3A_507 : i32 to index
      %parallel_loop3A_509 = arith.index_cast %parallel_loop3A_506 : i32 to index
      %parallel_loop3A_510 = tpu.vector_load %arg9[%parallel_loop3A_508, %parallel_loop3A_509] {strides = array<i32>} : memref<4x1024xf32, #tpu.memory_space<vmem>>, vector<16xf32>,
      %parallel_loop3A_511 = arith.constant 16 : i32
      %parallel_loop3A_512 = arith.muli %parallel_loop3A_460, %parallel_loop3A_511 : i32
      %parallel_loop3A_513 = arith.constant 3 : i32
      %parallel_loop3A_514 = arith.index_cast %parallel_loop3A_513 : i32 to index
      %parallel_loop3A_515 = arith.index_cast %parallel_loop3A_512 : i32 to index
      %parallel_loop3A_516 = tpu.vector_load %arg9[%parallel_loop3A_514, %parallel_loop3A_515] {strides = array<i32>} : memref<4x1024xf32, #tpu.memory_space<vmem>>, vector<16xf32>,
      %parallel_loop3A_517 = arith.constant 16 : i32
      %parallel_loop3A_518 = arith.muli %parallel_loop3A_460, %parallel_loop3A_517 : i32
      %parallel_loop3A_519 = arith.constant 0 : i32
      %parallel_loop3A_520 = arith.constant 8 : i32
      %parallel_loop3A_521 = arith.constant 1 : i32
      scf.for %parallel_loop3A_522 = %parallel_loop3A_519 to %parallel_loop3A_520 step %parallel_loop3A_521  : i32 {
        %parallel_loop3A_523 = arith.constant 16 : i32
        %parallel_loop3A_524 = arith.addi %parallel_loop3A_523, %parallel_loop3A_522 : i32
        %parallel_loop3A_525 = vector.broadcast %parallel_loop3A_524 : i32 to vector<16xi32>
        %parallel_loop3A_526 = arith.addi %parallel_loop3A_468, %parallel_loop3A_525 : vector<16xi32>
        %parallel_loop3A_527 = arith.addi %parallel_loop3A_476, %parallel_loop3A_525 : vector<16xi32>
        %parallel_loop3A_528 = arith.addi %parallel_loop3A_484, %parallel_loop3A_525 : vector<16xi32>
        %parallel_loop3A_529 = arith.addi %parallel_loop3A_492, %parallel_loop3A_525 : vector<16xi32>
        %parallel_loop3A_530 = arith.constant 96 : i32
        %parallel_loop3A_531 = vector.broadcast %parallel_loop3A_530 : i32 to vector<16xi32>
        %parallel_loop3A_532 = arith.addi %parallel_loop3A_526, %parallel_loop3A_531 : vector<16xi32>
        %parallel_loop3A_533 = tpu.vector_load_idx %arg7[%parallel_loop3A_532] : memref<8192xf32, #tpu.memory_space<vmem>>[vector<16xi32>], vector<16xf32>,
        %parallel_loop3A_534 = arith.mulf %parallel_loop3A_498, %parallel_loop3A_533 : vector<16xf32>
        %parallel_loop3A_535 = tpu.vector_load_idx %arg7[%parallel_loop3A_526] : memref<8192xf32, #tpu.memory_space<vmem>>[vector<16xi32>], vector<16xf32>,
        %parallel_loop3A_536 = arith.mulf %parallel_loop3A_534, %parallel_loop3A_535 : vector<16xf32>
        %parallel_loop3A_537 = arith.constant 32 : i32
        %parallel_loop3A_538 = vector.broadcast %parallel_loop3A_537 : i32 to vector<16xi32>
        %parallel_loop3A_539 = arith.addi %parallel_loop3A_526, %parallel_loop3A_538 : vector<16xi32>
        %parallel_loop3A_540 = tpu.vector_load_idx %arg7[%parallel_loop3A_539] : memref<8192xf32, #tpu.memory_space<vmem>>[vector<16xi32>], vector<16xf32>,
        %parallel_loop3A_541 = arith.mulf %parallel_loop3A_534, %parallel_loop3A_540 : vector<16xf32>
        %parallel_loop3A_542 = arith.constant 64 : i32
        %parallel_loop3A_543 = vector.broadcast %parallel_loop3A_542 : i32 to vector<16xi32>
        %parallel_loop3A_544 = arith.addi %parallel_loop3A_526, %parallel_loop3A_543 : vector<16xi32>
        %parallel_loop3A_545 = tpu.vector_load_idx %arg7[%parallel_loop3A_544] : memref<8192xf32, #tpu.memory_space<vmem>>[vector<16xi32>], vector<16xf32>,
        %parallel_loop3A_546 = arith.mulf %parallel_loop3A_534, %parallel_loop3A_545 : vector<16xf32>
        %parallel_loop3A_547 = arith.constant 96 : i32
        %parallel_loop3A_548 = vector.broadcast %parallel_loop3A_547 : i32 to vector<16xi32>
        %parallel_loop3A_549 = arith.addi %parallel_loop3A_527, %parallel_loop3A_548 : vector<16xi32>
        %parallel_loop3A_550 = tpu.vector_load_idx %arg7[%parallel_loop3A_549] : memref<8192xf32, #tpu.memory_space<vmem>>[vector<16xi32>], vector<16xf32>,
        %parallel_loop3A_551 = arith.mulf %parallel_loop3A_504, %parallel_loop3A_550 : vector<16xf32>
        %parallel_loop3A_552 = arith.addf %parallel_loop3A_534, %parallel_loop3A_551 : vector<16xf32>
        %parallel_loop3A_553 = tpu.vector_load_idx %arg7[%parallel_loop3A_527] : memref<8192xf32, #tpu.memory_space<vmem>>[vector<16xi32>], vector<16xf32>,
        %parallel_loop3A_554 = arith.mulf %parallel_loop3A_551, %parallel_loop3A_553 : vector<16xf32>
        %parallel_loop3A_555 = arith.addf %parallel_loop3A_536, %parallel_loop3A_554 : vector<16xf32>
        %parallel_loop3A_556 = arith.constant 32 : i32
        %parallel_loop3A_557 = vector.broadcast %parallel_loop3A_556 : i32 to vector<16xi32>
        %parallel_loop3A_558 = arith.addi %parallel_loop3A_527, %parallel_loop3A_557 : vector<16xi32>
        %parallel_loop3A_559 = tpu.vector_load_idx %arg7[%parallel_loop3A_558] : memref<8192xf32, #tpu.memory_space<vmem>>[vector<16xi32>], vector<16xf32>,
        %parallel_loop3A_560 = arith.mulf %parallel_loop3A_551, %parallel_loop3A_559 : vector<16xf32>
        %parallel_loop3A_561 = arith.addf %parallel_loop3A_541, %parallel_loop3A_560 : vector<16xf32>
        %parallel_loop3A_562 = arith.constant 64 : i32
        %parallel_loop3A_563 = vector.broadcast %parallel_loop3A_562 : i32 to vector<16xi32>
        %parallel_loop3A_564 = arith.addi %parallel_loop3A_527, %parallel_loop3A_563 : vector<16xi32>
        %parallel_loop3A_565 = tpu.vector_load_idx %arg7[%parallel_loop3A_564] : memref<8192xf32, #tpu.memory_space<vmem>>[vector<16xi32>], vector<16xf32>,
        %parallel_loop3A_566 = arith.mulf %parallel_loop3A_551, %parallel_loop3A_565 : vector<16xf32>
        %parallel_loop3A_567 = arith.addf %parallel_loop3A_546, %parallel_loop3A_566 : vector<16xf32>
        %parallel_loop3A_568 = arith.constant 96 : i32
        %parallel_loop3A_569 = vector.broadcast %parallel_loop3A_568 : i32 to vector<16xi32>
        %parallel_loop3A_570 = arith.addi %parallel_loop3A_528, %parallel_loop3A_569 : vector<16xi32>
        %parallel_loop3A_571 = tpu.vector_load_idx %arg7[%parallel_loop3A_570] : memref<8192xf32, #tpu.memory_space<vmem>>[vector<16xi32>], vector<16xf32>,
        %parallel_loop3A_572 = arith.mulf %parallel_loop3A_510, %parallel_loop3A_571 : vector<16xf32>
        %parallel_loop3A_573 = arith.addf %parallel_loop3A_552, %parallel_loop3A_572 : vector<16xf32>
        %parallel_loop3A_574 = tpu.vector_load_idx %arg7[%parallel_loop3A_528] : memref<8192xf32, #tpu.memory_space<vmem>>[vector<16xi32>], vector<16xf32>,
        %parallel_loop3A_575 = arith.mulf %parallel_loop3A_572, %parallel_loop3A_574 : vector<16xf32>
        %parallel_loop3A_576 = arith.addf %parallel_loop3A_555, %parallel_loop3A_575 : vector<16xf32>
        %parallel_loop3A_577 = arith.constant 32 : i32
        %parallel_loop3A_578 = vector.broadcast %parallel_loop3A_577 : i32 to vector<16xi32>
        %parallel_loop3A_579 = arith.addi %parallel_loop3A_528, %parallel_loop3A_578 : vector<16xi32>
        %parallel_loop3A_580 = tpu.vector_load_idx %arg7[%parallel_loop3A_579] : memref<8192xf32, #tpu.memory_space<vmem>>[vector<16xi32>], vector<16xf32>,
        %parallel_loop3A_581 = arith.mulf %parallel_loop3A_572, %parallel_loop3A_580 : vector<16xf32>
        %parallel_loop3A_582 = arith.addf %parallel_loop3A_561, %parallel_loop3A_581 : vector<16xf32>
        %parallel_loop3A_583 = arith.constant 64 : i32
        %parallel_loop3A_584 = vector.broadcast %parallel_loop3A_583 : i32 to vector<16xi32>
        %parallel_loop3A_585 = arith.addi %parallel_loop3A_528, %parallel_loop3A_584 : vector<16xi32>
        %parallel_loop3A_586 = tpu.vector_load_idx %arg7[%parallel_loop3A_585] : memref<8192xf32, #tpu.memory_space<vmem>>[vector<16xi32>], vector<16xf32>,
        %parallel_loop3A_587 = arith.mulf %parallel_loop3A_572, %parallel_loop3A_586 : vector<16xf32>
        %parallel_loop3A_588 = arith.addf %parallel_loop3A_567, %parallel_loop3A_587 : vector<16xf32>
        %parallel_loop3A_589 = arith.constant 96 : i32
        %parallel_loop3A_590 = vector.broadcast %parallel_loop3A_589 : i32 to vector<16xi32>
        %parallel_loop3A_591 = arith.addi %parallel_loop3A_529, %parallel_loop3A_590 : vector<16xi32>
        %parallel_loop3A_592 = tpu.vector_load_idx %arg7[%parallel_loop3A_591] : memref<8192xf32, #tpu.memory_space<vmem>>[vector<16xi32>], vector<16xf32>,
        %parallel_loop3A_593 = arith.mulf %parallel_loop3A_516, %parallel_loop3A_592 : vector<16xf32>
        %parallel_loop3A_594 = arith.addf %parallel_loop3A_573, %parallel_loop3A_593 : vector<16xf32>
        %parallel_loop3A_595 = tpu.vector_load_idx %arg7[%parallel_loop3A_529] : memref<8192xf32, #tpu.memory_space<vmem>>[vector<16xi32>], vector<16xf32>,
        %parallel_loop3A_596 = arith.mulf %parallel_loop3A_593, %parallel_loop3A_595 : vector<16xf32>
        %parallel_loop3A_597 = arith.addf %parallel_loop3A_576, %parallel_loop3A_596 : vector<16xf32>
        %parallel_loop3A_598 = arith.constant 32 : i32
        %parallel_loop3A_599 = vector.broadcast %parallel_loop3A_598 : i32 to vector<16xi32>
        %parallel_loop3A_600 = arith.addi %parallel_loop3A_529, %parallel_loop3A_599 : vector<16xi32>
        %parallel_loop3A_601 = tpu.vector_load_idx %arg7[%parallel_loop3A_600] : memref<8192xf32, #tpu.memory_space<vmem>>[vector<16xi32>], vector<16xf32>,
        %parallel_loop3A_602 = arith.mulf %parallel_loop3A_593, %parallel_loop3A_601 : vector<16xf32>
        %parallel_loop3A_603 = arith.addf %parallel_loop3A_582, %parallel_loop3A_602 : vector<16xf32>
        %parallel_loop3A_604 = arith.constant 64 : i32
        %parallel_loop3A_605 = vector.broadcast %parallel_loop3A_604 : i32 to vector<16xi32>
        %parallel_loop3A_606 = arith.addi %parallel_loop3A_529, %parallel_loop3A_605 : vector<16xi32>
        %parallel_loop3A_607 = tpu.vector_load_idx %arg7[%parallel_loop3A_606] : memref<8192xf32, #tpu.memory_space<vmem>>[vector<16xi32>], vector<16xf32>,
        %parallel_loop3A_608 = arith.mulf %parallel_loop3A_593, %parallel_loop3A_607 : vector<16xf32>
        %parallel_loop3A_609 = arith.addf %parallel_loop3A_588, %parallel_loop3A_608 : vector<16xf32>
        %parallel_loop3A_610 = arith.constant 1.000000e+00 : f32
        %parallel_loop3A_611 = vector.broadcast %parallel_loop3A_610 : f32 to vector<16xf32>
        %parallel_loop3A_612 = arith.divf %parallel_loop3A_611, %parallel_loop3A_594 : vector<16xf32>
        %parallel_loop3A_613 = arith.mulf %parallel_loop3A_597, %parallel_loop3A_612 : vector<16xf32>
        %parallel_loop3A_614 = arith.constant 0 : i32
        %parallel_loop3A_615 = arith.index_cast %parallel_loop3A_614 : i32 to index
        %parallel_loop3A_616 = arith.index_cast %parallel_loop3A_522 : i32 to index
        %parallel_loop3A_617 = arith.index_cast %parallel_loop3A_518 : i32 to index
        %parallel_loop3A_618 = tpu.vector_load %arg11[%parallel_loop3A_615, %parallel_loop3A_616, %parallel_loop3A_617] {strides = array<i32>} : memref<3x8x1024xf32, #tpu.memory_space<vmem>>, vector<16xf32>,
        tpu.vector_store %arg11[%parallel_loop3A_615, %parallel_loop3A_616, %parallel_loop3A_617], %parallel_loop3A_613 {strides = array<i32>} : memref<3x8x1024xf32, #tpu.memory_space<vmem>>, vector<16xf32>,
        %parallel_loop3A_619 = arith.mulf %parallel_loop3A_603, %parallel_loop3A_612 : vector<16xf32>
        %parallel_loop3A_620 = arith.constant 1 : i32
        %parallel_loop3A_621 = arith.index_cast %parallel_loop3A_620 : i32 to index
        %parallel_loop3A_622 = arith.index_cast %parallel_loop3A_522 : i32 to index
        %parallel_loop3A_623 = arith.index_cast %parallel_loop3A_518 : i32 to index
        %parallel_loop3A_624 = tpu.vector_load %arg11[%parallel_loop3A_621, %parallel_loop3A_622, %parallel_loop3A_623] {strides = array<i32>} : memref<3x8x1024xf32, #tpu.memory_space<vmem>>, vector<16xf32>,
        tpu.vector_store %arg11[%parallel_loop3A_621, %parallel_loop3A_622, %parallel_loop3A_623], %parallel_loop3A_619 {strides = array<i32>} : memref<3x8x1024xf32, #tpu.memory_space<vmem>>, vector<16xf32>,
        %parallel_loop3A_625 = arith.mulf %parallel_loop3A_609, %parallel_loop3A_612 : vector<16xf32>
        %parallel_loop3A_626 = arith.constant 2 : i32
        %parallel_loop3A_627 = arith.index_cast %parallel_loop3A_626 : i32 to index
        %parallel_loop3A_628 = arith.index_cast %parallel_loop3A_522 : i32 to index
        %parallel_loop3A_629 = arith.index_cast %parallel_loop3A_518 : i32 to index
        %parallel_loop3A_630 = tpu.vector_load %arg11[%parallel_loop3A_627, %parallel_loop3A_628, %parallel_loop3A_629] {strides = array<i32>} : memref<3x8x1024xf32, #tpu.memory_space<vmem>>, vector<16xf32>,
        tpu.vector_store %arg11[%parallel_loop3A_627, %parallel_loop3A_628, %parallel_loop3A_629], %parallel_loop3A_625 {strides = array<i32>} : memref<3x8x1024xf32, #tpu.memory_space<vmem>>, vector<16xf32>,
      } {sc.loop_unroll_factor = 2 : i64, sc.parallel_access}
    } {sc.loop_unroll_factor = 1 : i64, sc.parallel_access}
    %add3A_205 = arith.constant 16 : i32
    %add3A_206 = arith.addi %mul3A_2, %add3A_205 : i32
    %dma_start3A_207 = arith.constant 0 : i32
    %dma_start3A_208 = arith.constant 0 : i32
    %dma_start3A_209 = arith.constant 0 : i32
    %dma_start3A_210 = arith.constant 0 : i32
    %dma_start3A_211 = tpu.memref_slice %arg11[%dma_start3A_207, %dma_start3A_209, %dma_start3A_210] : memref<3x8x1024xf32, #tpu.memory_space<vmem>> -> memref<1x8x1024xf32, #tpu.memory_space<vmem>>
    %dma_start3A_212 = tpu.memref_squeeze %dma_start3A_211 : memref<1x8x1024xf32, #tpu.memory_space<vmem>> -> memref<8x1024xf32, #tpu.memory_space<vmem>>
    %dma_start3A_213 = arith.constant 0 : i32
    %dma_start3A_214 = tpu.memref_slice %arg5[%dma_start3A_208, %add3A_206, %dma_start3A_213] : memref<3x1024x1024xf32, #tpu.memory_space<hbm>> -> memref<1x8x1024xf32, #tpu.memory_space<hbm>>
    %dma_start3A_215 = tpu.memref_squeeze %dma_start3A_214 : memref<1x8x1024xf32, #tpu.memory_space<hbm>> -> memref<8x1024xf32, #tpu.memory_space<hbm>>
    %dma_start3A_216 = arith.constant 0 : i32
    %dma_start3A_217 = tpu.memref_slice %arg5[%dma_start3A_208, %add3A_206, %dma_start3A_216] : memref<3x1024x1024xf32, #tpu.memory_space<hbm>> -> memref<1x8x1024xf32, #tpu.memory_space<hbm>>
    %dma_start3A_218 = tpu.memref_squeeze %dma_start3A_217 : memref<1x8x1024xf32, #tpu.memory_space<hbm>> -> memref<8x1024xf32, #tpu.memory_space<hbm>>
    %dma_start3A_219 = arith.constant 0 : i32
    %dma_start3A_220 = arith.constant 0 : i32
    %dma_start3A_221 = tpu.memref_slice %arg11[%dma_start3A_207, %dma_start3A_219, %dma_start3A_220] : memref<3x8x1024xf32, #tpu.memory_space<vmem>> -> memref<1x8x1024xf32, #tpu.memory_space<vmem>>
    %dma_start3A_222 = tpu.memref_squeeze %dma_start3A_221 : memref<1x8x1024xf32, #tpu.memory_space<vmem>> -> memref<8x1024xf32, #tpu.memory_space<vmem>>
    tpu.enqueue_dma source(%dma_start3A_222 : memref<8x1024xf32, #tpu.memory_space<vmem>>) target(%dma_start3A_218 : memref<8x1024xf32, #tpu.memory_space<hbm>>) target_semaphore(%arg13 : memref<!tpu.dma_semaphore, #tpu.memory_space<semaphore_mem>>)
    %add3A_223 = arith.constant 16 : i32
    %add3A_224 = arith.addi %mul3A_2, %add3A_223 : i32
    %dma_start3A_225 = arith.constant 1 : i32
    %dma_start3A_226 = arith.constant 1 : i32
    %dma_start3A_227 = arith.constant 0 : i32
    %dma_start3A_228 = arith.constant 0 : i32
    %dma_start3A_229 = tpu.memref_slice %arg11[%dma_start3A_225, %dma_start3A_227, %dma_start3A_228] : memref<3x8x1024xf32, #tpu.memory_space<vmem>> -> memref<1x8x1024xf32, #tpu.memory_space<vmem>>
    %dma_start3A_230 = tpu.memref_squeeze %dma_start3A_229 : memref<1x8x1024xf32, #tpu.memory_space<vmem>> -> memref<8x1024xf32, #tpu.memory_space<vmem>>
    %dma_start3A_231 = arith.constant 0 : i32
    %dma_start3A_232 = tpu.memref_slice %arg5[%dma_start3A_226, %add3A_224, %dma_start3A_231] : memref<3x1024x1024xf32, #tpu.memory_space<hbm>> -> memref<1x8x1024xf32, #tpu.memory_space<hbm>>
    %dma_start3A_233 = tpu.memref_squeeze %dma_start3A_232 : memref<1x8x1024xf32, #tpu.memory_space<hbm>> -> memref<8x1024xf32, #tpu.memory_space<hbm>>
    %dma_start3A_234 = arith.constant 0 : i32
    %dma_start3A_235 = tpu.memref_slice %arg5[%dma_start3A_226, %add3A_224, %dma_start3A_234] : memref<3x1024x1024xf32, #tpu.memory_space<hbm>> -> memref<1x8x1024xf32, #tpu.memory_space<hbm>>
    %dma_start3A_236 = tpu.memref_squeeze %dma_start3A_235 : memref<1x8x1024xf32, #tpu.memory_space<hbm>> -> memref<8x1024xf32, #tpu.memory_space<hbm>>
    %dma_start3A_237 = arith.constant 0 : i32
    %dma_start3A_238 = arith.constant 0 : i32
    %dma_start3A_239 = tpu.memref_slice %arg11[%dma_start3A_225, %dma_start3A_237, %dma_start3A_238] : memref<3x8x1024xf32, #tpu.memory_space<vmem>> -> memref<1x8x1024xf32, #tpu.memory_space<vmem>>
    %dma_start3A_240 = tpu.memref_squeeze %dma_start3A_239 : memref<1x8x1024xf32, #tpu.memory_space<vmem>> -> memref<8x1024xf32, #tpu.memory_space<vmem>>
    tpu.enqueue_dma source(%dma_start3A_240 : memref<8x1024xf32, #tpu.memory_space<vmem>>) target(%dma_start3A_236 : memref<8x1024xf32, #tpu.memory_space<hbm>>) target_semaphore(%arg13 : memref<!tpu.dma_semaphore, #tpu.memory_space<semaphore_mem>>)
    %add3A_241 = arith.constant 16 : i32
    %add3A_242 = arith.addi %mul3A_2, %add3A_241 : i32
    %dma_start3A_243 = arith.constant 2 : i32
    %dma_start3A_244 = arith.constant 2 : i32
    %dma_start3A_245 = arith.constant 0 : i32
    %dma_start3A_246 = arith.constant 0 : i32
    %dma_start3A_247 = tpu.memref_slice %arg11[%dma_start3A_243, %dma_start3A_245, %dma_start3A_246] : memref<3x8x1024xf32, #tpu.memory_space<vmem>> -> memref<1x8x1024xf32, #tpu.memory_space<vmem>>
    %dma_start3A_248 = tpu.memref_squeeze %dma_start3A_247 : memref<1x8x1024xf32, #tpu.memory_space<vmem>> -> memref<8x1024xf32, #tpu.memory_space<vmem>>
    %dma_start3A_249 = arith.constant 0 : i32
    %dma_start3A_250 = tpu.memref_slice %arg5[%dma_start3A_244, %add3A_242, %dma_start3A_249] : memref<3x1024x1024xf32, #tpu.memory_space<hbm>> -> memref<1x8x1024xf32, #tpu.memory_space<hbm>>
    %dma_start3A_251 = tpu.memref_squeeze %dma_start3A_250 : memref<1x8x1024xf32, #tpu.memory_space<hbm>> -> memref<8x1024xf32, #tpu.memory_space<hbm>>
    %dma_start3A_252 = arith.constant 0 : i32
    %dma_start3A_253 = tpu.memref_slice %arg5[%dma_start3A_244, %add3A_242, %dma_start3A_252] : memref<3x1024x1024xf32, #tpu.memory_space<hbm>> -> memref<1x8x1024xf32, #tpu.memory_space<hbm>>
    %dma_start3A_254 = tpu.memref_squeeze %dma_start3A_253 : memref<1x8x1024xf32, #tpu.memory_space<hbm>> -> memref<8x1024xf32, #tpu.memory_space<hbm>>
    %dma_start3A_255 = arith.constant 0 : i32
    %dma_start3A_256 = arith.constant 0 : i32
    %dma_start3A_257 = tpu.memref_slice %arg11[%dma_start3A_243, %dma_start3A_255, %dma_start3A_256] : memref<3x8x1024xf32, #tpu.memory_space<vmem>> -> memref<1x8x1024xf32, #tpu.memory_space<vmem>>
    %dma_start3A_258 = tpu.memref_squeeze %dma_start3A_257 : memref<1x8x1024xf32, #tpu.memory_space<vmem>> -> memref<8x1024xf32, #tpu.memory_space<vmem>>
    tpu.enqueue_dma source(%dma_start3A_258 : memref<8x1024xf32, #tpu.memory_space<vmem>>) target(%dma_start3A_254 : memref<8x1024xf32, #tpu.memory_space<hbm>>) target_semaphore(%arg13 : memref<!tpu.dma_semaphore, #tpu.memory_space<semaphore_mem>>)
    %dma_wait3A_259 = arith.constant 0 : i32
    %dma_wait3A_260 = arith.constant 0 : i32
    %dma_wait3A_261 = arith.constant 0 : i32
    %dma_wait3A_262 = arith.constant 0 : i32
    %dma_wait3A_263 = tpu.memref_slice %arg12[%dma_wait3A_259, %dma_wait3A_261, %dma_wait3A_262] : memref<3x8x1024xf32, #tpu.memory_space<vmem>> -> memref<1x8x1024xf32, #tpu.memory_space<vmem>>
    %dma_wait3A_264 = tpu.memref_squeeze %dma_wait3A_263 : memref<1x8x1024xf32, #tpu.memory_space<vmem>> -> memref<8x1024xf32, #tpu.memory_space<vmem>>
    %dma_wait3A_265 = arith.constant 0 : i32
    %dma_wait3A_266 = tpu.memref_slice %arg5[%dma_wait3A_260, %add3A_102, %dma_wait3A_265] : memref<3x1024x1024xf32, #tpu.memory_space<hbm>> -> memref<1x8x1024xf32, #tpu.memory_space<hbm>>
    %dma_wait3A_267 = tpu.memref_squeeze %dma_wait3A_266 : memref<1x8x1024xf32, #tpu.memory_space<hbm>> -> memref<8x1024xf32, #tpu.memory_space<hbm>>
    %dma_wait3A_268 = arith.constant 0 : i32
    %dma_wait3A_269 = tpu.memref_slice %arg5[%dma_wait3A_260, %add3A_102, %dma_wait3A_268] : memref<3x1024x1024xf32, #tpu.memory_space<hbm>> -> memref<1x8x1024xf32, #tpu.memory_space<hbm>>
    %dma_wait3A_270 = tpu.memref_squeeze %dma_wait3A_269 : memref<1x8x1024xf32, #tpu.memory_space<hbm>> -> memref<8x1024xf32, #tpu.memory_space<hbm>>
    %dma_wait3A_271 = arith.constant 0 : i32
    %dma_wait3A_272 = arith.constant 0 : i32
    %dma_wait3A_273 = tpu.memref_slice %arg12[%dma_wait3A_259, %dma_wait3A_271, %dma_wait3A_272] : memref<3x8x1024xf32, #tpu.memory_space<vmem>> -> memref<1x8x1024xf32, #tpu.memory_space<vmem>>
    %dma_wait3A_274 = tpu.memref_squeeze %dma_wait3A_273 : memref<1x8x1024xf32, #tpu.memory_space<vmem>> -> memref<8x1024xf32, #tpu.memory_space<vmem>>
    tpu.wait_dma2 semaphore(%arg13 : memref<!tpu.dma_semaphore, #tpu.memory_space<semaphore_mem>>) src(%dma_wait3A_274 : memref<8x1024xf32, #tpu.memory_space<vmem>>) dst(%dma_wait3A_270 : memref<8x1024xf32, #tpu.memory_space<hbm>>)
    %dma_wait3A_275 = arith.constant 1 : i32
    %dma_wait3A_276 = arith.constant 1 : i32
    %dma_wait3A_277 = arith.constant 0 : i32
    %dma_wait3A_278 = arith.constant 0 : i32
    %dma_wait3A_279 = tpu.memref_slice %arg12[%dma_wait3A_275, %dma_wait3A_277, %dma_wait3A_278] : memref<3x8x1024xf32, #tpu.memory_space<vmem>> -> memref<1x8x1024xf32, #tpu.memory_space<vmem>>
    %dma_wait3A_280 = tpu.memref_squeeze %dma_wait3A_279 : memref<1x8x1024xf32, #tpu.memory_space<vmem>> -> memref<8x1024xf32, #tpu.memory_space<vmem>>
    %dma_wait3A_281 = arith.constant 0 : i32
    %dma_wait3A_282 = tpu.memref_slice %arg5[%dma_wait3A_276, %add3A_120, %dma_wait3A_281] : memref<3x1024x1024xf32, #tpu.memory_space<hbm>> -> memref<1x8x1024xf32, #tpu.memory_space<hbm>>
    %dma_wait3A_283 = tpu.memref_squeeze %dma_wait3A_282 : memref<1x8x1024xf32, #tpu.memory_space<hbm>> -> memref<8x1024xf32, #tpu.memory_space<hbm>>
    %dma_wait3A_284 = arith.constant 0 : i32
    %dma_wait3A_285 = tpu.memref_slice %arg5[%dma_wait3A_276, %add3A_120, %dma_wait3A_284] : memref<3x1024x1024xf32, #tpu.memory_space<hbm>> -> memref<1x8x1024xf32, #tpu.memory_space<hbm>>
    %dma_wait3A_286 = tpu.memref_squeeze %dma_wait3A_285 : memref<1x8x1024xf32, #tpu.memory_space<hbm>> -> memref<8x1024xf32, #tpu.memory_space<hbm>>
    %dma_wait3A_287 = arith.constant 0 : i32
    %dma_wait3A_288 = arith.constant 0 : i32
    %dma_wait3A_289 = tpu.memref_slice %arg12[%dma_wait3A_275, %dma_wait3A_287, %dma_wait3A_288] : memref<3x8x1024xf32, #tpu.memory_space<vmem>> -> memref<1x8x1024xf32, #tpu.memory_space<vmem>>
    %dma_wait3A_290 = tpu.memref_squeeze %dma_wait3A_289 : memref<1x8x1024xf32, #tpu.memory_space<vmem>> -> memref<8x1024xf32, #tpu.memory_space<vmem>>
    tpu.wait_dma2 semaphore(%arg13 : memref<!tpu.dma_semaphore, #tpu.memory_space<semaphore_mem>>) src(%dma_wait3A_290 : memref<8x1024xf32, #tpu.memory_space<vmem>>) dst(%dma_wait3A_286 : memref<8x1024xf32, #tpu.memory_space<hbm>>)
    %dma_wait3A_291 = arith.constant 2 : i32
    %dma_wait3A_292 = arith.constant 2 : i32
    %dma_wait3A_293 = arith.constant 0 : i32
    %dma_wait3A_294 = arith.constant 0 : i32
    %dma_wait3A_295 = tpu.memref_slice %arg12[%dma_wait3A_291, %dma_wait3A_293, %dma_wait3A_294] : memref<3x8x1024xf32, #tpu.memory_space<vmem>> -> memref<1x8x1024xf32, #tpu.memory_space<vmem>>
    %dma_wait3A_296 = tpu.memref_squeeze %dma_wait3A_295 : memref<1x8x1024xf32, #tpu.memory_space<vmem>> -> memref<8x1024xf32, #tpu.memory_space<vmem>>
    %dma_wait3A_297 = arith.constant 0 : i32
    %dma_wait3A_298 = tpu.memref_slice %arg5[%dma_wait3A_292, %add3A_138, %dma_wait3A_297] : memref<3x1024x1024xf32, #tpu.memory_space<hbm>> -> memref<1x8x1024xf32, #tpu.memory_space<hbm>>
    %dma_wait3A_299 = tpu.memref_squeeze %dma_wait3A_298 : memref<1x8x1024xf32, #tpu.memory_space<hbm>> -> memref<8x1024xf32, #tpu.memory_space<hbm>>
    %dma_wait3A_300 = arith.constant 0 : i32
    %dma_wait3A_301 = tpu.memref_slice %arg5[%dma_wait3A_292, %add3A_138, %dma_wait3A_300] : memref<3x1024x1024xf32, #tpu.memory_space<hbm>> -> memref<1x8x1024xf32, #tpu.memory_space<hbm>>
    %dma_wait3A_302 = tpu.memref_squeeze %dma_wait3A_301 : memref<1x8x1024xf32, #tpu.memory_space<hbm>> -> memref<8x1024xf32, #tpu.memory_space<hbm>>
    %dma_wait3A_303 = arith.constant 0 : i32
    %dma_wait3A_304 = arith.constant 0 : i32
    %dma_wait3A_305 = tpu.memref_slice %arg12[%dma_wait3A_291, %dma_wait3A_303, %dma_wait3A_304] : memref<3x8x1024xf32, #tpu.memory_space<vmem>> -> memref<1x8x1024xf32, #tpu.memory_space<vmem>>
    %dma_wait3A_306 = tpu.memref_squeeze %dma_wait3A_305 : memref<1x8x1024xf32, #tpu.memory_space<vmem>> -> memref<8x1024xf32, #tpu.memory_space<vmem>>
    tpu.wait_dma2 semaphore(%arg13 : memref<!tpu.dma_semaphore, #tpu.memory_space<semaphore_mem>>) src(%dma_wait3A_306 : memref<8x1024xf32, #tpu.memory_space<vmem>>) dst(%dma_wait3A_302 : memref<8x1024xf32, #tpu.memory_space<hbm>>)
    %parallel_loop3A_307 = arith.constant 0 : i32
    %parallel_loop3A_308 = arith.constant 64 : i32
    %parallel_loop3A_309 = arith.constant 1 : i32
    scf.for %parallel_loop3A_460 = %parallel_loop3A_307 to %parallel_loop3A_308 step %parallel_loop3A_309  : i32 {
      %parallel_loop3A_461 = arith.constant 4 : i32
      %parallel_loop3A_462 = arith.muli %parallel_loop3A_460, %parallel_loop3A_461 : i32
      %parallel_loop3A_463 = arith.constant 0 : i32
      %parallel_loop3A_464 = arith.addi %parallel_loop3A_462, %parallel_loop3A_463 : i32
      %parallel_loop3A_465 = arith.constant 16 : i32
      %parallel_loop3A_466 = arith.muli %parallel_loop3A_464, %parallel_loop3A_465 : i32
      %parallel_loop3A_467 = arith.index_cast %parallel_loop3A_466 : i32 to index
      %parallel_loop3A_468 = tpu.vector_load %arg10[%parallel_loop3A_467] {strides = array<i32>} : memref<4096xi32, #tpu.memory_space<vmem>>, vector<16xi32>,
      %parallel_loop3A_469 = arith.constant 4 : i32
      %parallel_loop3A_470 = arith.muli %parallel_loop3A_460, %parallel_loop3A_469 : i32
      %parallel_loop3A_471 = arith.constant 1 : i32
      %parallel_loop3A_472 = arith.addi %parallel_loop3A_470, %parallel_loop3A_471 : i32
      %parallel_loop3A_473 = arith.constant 16 : i32
      %parallel_loop3A_474 = arith.muli %parallel_loop3A_472, %parallel_loop3A_473 : i32
      %parallel_loop3A_475 = arith.index_cast %parallel_loop3A_474 : i32 to index
      %parallel_loop3A_476 = tpu.vector_load %arg10[%parallel_loop3A_475] {strides = array<i32>} : memref<4096xi32, #tpu.memory_space<vmem>>, vector<16xi32>,
      %parallel_loop3A_477 = arith.constant 4 : i32
      %parallel_loop3A_478 = arith.muli %parallel_loop3A_460, %parallel_loop3A_477 : i32
      %parallel_loop3A_479 = arith.constant 2 : i32
      %parallel_loop3A_480 = arith.addi %parallel_loop3A_478, %parallel_loop3A_479 : i32
      %parallel_loop3A_481 = arith.constant 16 : i32
      %parallel_loop3A_482 = arith.muli %parallel_loop3A_480, %parallel_loop3A_481 : i32
      %parallel_loop3A_483 = arith.index_cast %parallel_loop3A_482 : i32 to index
      %parallel_loop3A_484 = tpu.vector_load %arg10[%parallel_loop3A_483] {strides = array<i32>} : memref<4096xi32, #tpu.memory_space<vmem>>, vector<16xi32>,
      %parallel_loop3A_485 = arith.constant 4 : i32
      %parallel_loop3A_486 = arith.muli %parallel_loop3A_460, %parallel_loop3A_485 : i32
      %parallel_loop3A_487 = arith.constant 3 : i32
      %parallel_loop3A_488 = arith.addi %parallel_loop3A_486, %parallel_loop3A_487 : i32
      %parallel_loop3A_489 = arith.constant 16 : i32
      %parallel_loop3A_490 = arith.muli %parallel_loop3A_488, %parallel_loop3A_489 : i32
      %parallel_loop3A_491 = arith.index_cast %parallel_loop3A_490 : i32 to index
      %parallel_loop3A_492 = tpu.vector_load %arg10[%parallel_loop3A_491] {strides = array<i32>} : memref<4096xi32, #tpu.memory_space<vmem>>, vector<16xi32>,
      %parallel_loop3A_493 = arith.constant 16 : i32
      %parallel_loop3A_494 = arith.muli %parallel_loop3A_460, %parallel_loop3A_493 : i32
      %parallel_loop3A_495 = arith.constant 0 : i32
      %parallel_loop3A_496 = arith.index_cast %parallel_loop3A_495 : i32 to index
      %parallel_loop3A_497 = arith.index_cast %parallel_loop3A_494 : i32 to index
      %parallel_loop3A_498 = tpu.vector_load %arg9[%parallel_loop3A_496, %parallel_loop3A_497] {strides = array<i32>} : memref<4x1024xf32, #tpu.memory_space<vmem>>, vector<16xf32>,
      %parallel_loop3A_499 = arith.constant 16 : i32
      %parallel_loop3A_500 = arith.muli %parallel_loop3A_460, %parallel_loop3A_499 : i32
      %parallel_loop3A_501 = arith.constant 1 : i32
      %parallel_loop3A_502 = arith.index_cast %parallel_loop3A_501 : i32 to index
      %parallel_loop3A_503 = arith.index_cast %parallel_loop3A_500 : i32 to index
      %parallel_loop3A_504 = tpu.vector_load %arg9[%parallel_loop3A_502, %parallel_loop3A_503] {strides = array<i32>} : memref<4x1024xf32, #tpu.memory_space<vmem>>, vector<16xf32>,
      %parallel_loop3A_505 = arith.constant 16 : i32
      %parallel_loop3A_506 = arith.muli %parallel_loop3A_460, %parallel_loop3A_505 : i32
      %parallel_loop3A_507 = arith.constant 2 : i32
      %parallel_loop3A_508 = arith.index_cast %parallel_loop3A_507 : i32 to index
      %parallel_loop3A_509 = arith.index_cast %parallel_loop3A_506 : i32 to index
      %parallel_loop3A_510 = tpu.vector_load %arg9[%parallel_loop3A_508, %parallel_loop3A_509] {strides = array<i32>} : memref<4x1024xf32, #tpu.memory_space<vmem>>, vector<16xf32>,
      %parallel_loop3A_511 = arith.constant 16 : i32
      %parallel_loop3A_512 = arith.muli %parallel_loop3A_460, %parallel_loop3A_511 : i32
      %parallel_loop3A_513 = arith.constant 3 : i32
      %parallel_loop3A_514 = arith.index_cast %parallel_loop3A_513 : i32 to index
      %parallel_loop3A_515 = arith.index_cast %parallel_loop3A_512 : i32 to index
      %parallel_loop3A_516 = tpu.vector_load %arg9[%parallel_loop3A_514, %parallel_loop3A_515] {strides = array<i32>} : memref<4x1024xf32, #tpu.memory_space<vmem>>, vector<16xf32>,
      %parallel_loop3A_517 = arith.constant 16 : i32
      %parallel_loop3A_518 = arith.muli %parallel_loop3A_460, %parallel_loop3A_517 : i32
      %parallel_loop3A_519 = arith.constant 0 : i32
      %parallel_loop3A_520 = arith.constant 8 : i32
      %parallel_loop3A_521 = arith.constant 1 : i32
      scf.for %parallel_loop3A_522 = %parallel_loop3A_519 to %parallel_loop3A_520 step %parallel_loop3A_521  : i32 {
        %parallel_loop3A_523 = arith.constant 24 : i32
        %parallel_loop3A_524 = arith.addi %parallel_loop3A_523, %parallel_loop3A_522 : i32
        %parallel_loop3A_525 = vector.broadcast %parallel_loop3A_524 : i32 to vector<16xi32>
        %parallel_loop3A_526 = arith.addi %parallel_loop3A_468, %parallel_loop3A_525 : vector<16xi32>
        %parallel_loop3A_527 = arith.addi %parallel_loop3A_476, %parallel_loop3A_525 : vector<16xi32>
        %parallel_loop3A_528 = arith.addi %parallel_loop3A_484, %parallel_loop3A_525 : vector<16xi32>
        %parallel_loop3A_529 = arith.addi %parallel_loop3A_492, %parallel_loop3A_525 : vector<16xi32>
        %parallel_loop3A_530 = arith.constant 96 : i32
        %parallel_loop3A_531 = vector.broadcast %parallel_loop3A_530 : i32 to vector<16xi32>
        %parallel_loop3A_532 = arith.addi %parallel_loop3A_526, %parallel_loop3A_531 : vector<16xi32>
        %parallel_loop3A_533 = tpu.vector_load_idx %arg7[%parallel_loop3A_532] : memref<8192xf32, #tpu.memory_space<vmem>>[vector<16xi32>], vector<16xf32>,
        %parallel_loop3A_534 = arith.mulf %parallel_loop3A_498, %parallel_loop3A_533 : vector<16xf32>
        %parallel_loop3A_535 = tpu.vector_load_idx %arg7[%parallel_loop3A_526] : memref<8192xf32, #tpu.memory_space<vmem>>[vector<16xi32>], vector<16xf32>,
        %parallel_loop3A_536 = arith.mulf %parallel_loop3A_534, %parallel_loop3A_535 : vector<16xf32>
        %parallel_loop3A_537 = arith.constant 32 : i32
        %parallel_loop3A_538 = vector.broadcast %parallel_loop3A_537 : i32 to vector<16xi32>
        %parallel_loop3A_539 = arith.addi %parallel_loop3A_526, %parallel_loop3A_538 : vector<16xi32>
        %parallel_loop3A_540 = tpu.vector_load_idx %arg7[%parallel_loop3A_539] : memref<8192xf32, #tpu.memory_space<vmem>>[vector<16xi32>], vector<16xf32>,
        %parallel_loop3A_541 = arith.mulf %parallel_loop3A_534, %parallel_loop3A_540 : vector<16xf32>
        %parallel_loop3A_542 = arith.constant 64 : i32
        %parallel_loop3A_543 = vector.broadcast %parallel_loop3A_542 : i32 to vector<16xi32>
        %parallel_loop3A_544 = arith.addi %parallel_loop3A_526, %parallel_loop3A_543 : vector<16xi32>
        %parallel_loop3A_545 = tpu.vector_load_idx %arg7[%parallel_loop3A_544] : memref<8192xf32, #tpu.memory_space<vmem>>[vector<16xi32>], vector<16xf32>,
        %parallel_loop3A_546 = arith.mulf %parallel_loop3A_534, %parallel_loop3A_545 : vector<16xf32>
        %parallel_loop3A_547 = arith.constant 96 : i32
        %parallel_loop3A_548 = vector.broadcast %parallel_loop3A_547 : i32 to vector<16xi32>
        %parallel_loop3A_549 = arith.addi %parallel_loop3A_527, %parallel_loop3A_548 : vector<16xi32>
        %parallel_loop3A_550 = tpu.vector_load_idx %arg7[%parallel_loop3A_549] : memref<8192xf32, #tpu.memory_space<vmem>>[vector<16xi32>], vector<16xf32>,
        %parallel_loop3A_551 = arith.mulf %parallel_loop3A_504, %parallel_loop3A_550 : vector<16xf32>
        %parallel_loop3A_552 = arith.addf %parallel_loop3A_534, %parallel_loop3A_551 : vector<16xf32>
        %parallel_loop3A_553 = tpu.vector_load_idx %arg7[%parallel_loop3A_527] : memref<8192xf32, #tpu.memory_space<vmem>>[vector<16xi32>], vector<16xf32>,
        %parallel_loop3A_554 = arith.mulf %parallel_loop3A_551, %parallel_loop3A_553 : vector<16xf32>
        %parallel_loop3A_555 = arith.addf %parallel_loop3A_536, %parallel_loop3A_554 : vector<16xf32>
        %parallel_loop3A_556 = arith.constant 32 : i32
        %parallel_loop3A_557 = vector.broadcast %parallel_loop3A_556 : i32 to vector<16xi32>
        %parallel_loop3A_558 = arith.addi %parallel_loop3A_527, %parallel_loop3A_557 : vector<16xi32>
        %parallel_loop3A_559 = tpu.vector_load_idx %arg7[%parallel_loop3A_558] : memref<8192xf32, #tpu.memory_space<vmem>>[vector<16xi32>], vector<16xf32>,
        %parallel_loop3A_560 = arith.mulf %parallel_loop3A_551, %parallel_loop3A_559 : vector<16xf32>
        %parallel_loop3A_561 = arith.addf %parallel_loop3A_541, %parallel_loop3A_560 : vector<16xf32>
        %parallel_loop3A_562 = arith.constant 64 : i32
        %parallel_loop3A_563 = vector.broadcast %parallel_loop3A_562 : i32 to vector<16xi32>
        %parallel_loop3A_564 = arith.addi %parallel_loop3A_527, %parallel_loop3A_563 : vector<16xi32>
        %parallel_loop3A_565 = tpu.vector_load_idx %arg7[%parallel_loop3A_564] : memref<8192xf32, #tpu.memory_space<vmem>>[vector<16xi32>], vector<16xf32>,
        %parallel_loop3A_566 = arith.mulf %parallel_loop3A_551, %parallel_loop3A_565 : vector<16xf32>
        %parallel_loop3A_567 = arith.addf %parallel_loop3A_546, %parallel_loop3A_566 : vector<16xf32>
        %parallel_loop3A_568 = arith.constant 96 : i32
        %parallel_loop3A_569 = vector.broadcast %parallel_loop3A_568 : i32 to vector<16xi32>
        %parallel_loop3A_570 = arith.addi %parallel_loop3A_528, %parallel_loop3A_569 : vector<16xi32>
        %parallel_loop3A_571 = tpu.vector_load_idx %arg7[%parallel_loop3A_570] : memref<8192xf32, #tpu.memory_space<vmem>>[vector<16xi32>], vector<16xf32>,
        %parallel_loop3A_572 = arith.mulf %parallel_loop3A_510, %parallel_loop3A_571 : vector<16xf32>
        %parallel_loop3A_573 = arith.addf %parallel_loop3A_552, %parallel_loop3A_572 : vector<16xf32>
        %parallel_loop3A_574 = tpu.vector_load_idx %arg7[%parallel_loop3A_528] : memref<8192xf32, #tpu.memory_space<vmem>>[vector<16xi32>], vector<16xf32>,
        %parallel_loop3A_575 = arith.mulf %parallel_loop3A_572, %parallel_loop3A_574 : vector<16xf32>
        %parallel_loop3A_576 = arith.addf %parallel_loop3A_555, %parallel_loop3A_575 : vector<16xf32>
        %parallel_loop3A_577 = arith.constant 32 : i32
        %parallel_loop3A_578 = vector.broadcast %parallel_loop3A_577 : i32 to vector<16xi32>
        %parallel_loop3A_579 = arith.addi %parallel_loop3A_528, %parallel_loop3A_578 : vector<16xi32>
        %parallel_loop3A_580 = tpu.vector_load_idx %arg7[%parallel_loop3A_579] : memref<8192xf32, #tpu.memory_space<vmem>>[vector<16xi32>], vector<16xf32>,
        %parallel_loop3A_581 = arith.mulf %parallel_loop3A_572, %parallel_loop3A_580 : vector<16xf32>
        %parallel_loop3A_582 = arith.addf %parallel_loop3A_561, %parallel_loop3A_581 : vector<16xf32>
        %parallel_loop3A_583 = arith.constant 64 : i32
        %parallel_loop3A_584 = vector.broadcast %parallel_loop3A_583 : i32 to vector<16xi32>
        %parallel_loop3A_585 = arith.addi %parallel_loop3A_528, %parallel_loop3A_584 : vector<16xi32>
        %parallel_loop3A_586 = tpu.vector_load_idx %arg7[%parallel_loop3A_585] : memref<8192xf32, #tpu.memory_space<vmem>>[vector<16xi32>], vector<16xf32>,
        %parallel_loop3A_587 = arith.mulf %parallel_loop3A_572, %parallel_loop3A_586 : vector<16xf32>
        %parallel_loop3A_588 = arith.addf %parallel_loop3A_567, %parallel_loop3A_587 : vector<16xf32>
        %parallel_loop3A_589 = arith.constant 96 : i32
        %parallel_loop3A_590 = vector.broadcast %parallel_loop3A_589 : i32 to vector<16xi32>
        %parallel_loop3A_591 = arith.addi %parallel_loop3A_529, %parallel_loop3A_590 : vector<16xi32>
        %parallel_loop3A_592 = tpu.vector_load_idx %arg7[%parallel_loop3A_591] : memref<8192xf32, #tpu.memory_space<vmem>>[vector<16xi32>], vector<16xf32>,
        %parallel_loop3A_593 = arith.mulf %parallel_loop3A_516, %parallel_loop3A_592 : vector<16xf32>
        %parallel_loop3A_594 = arith.addf %parallel_loop3A_573, %parallel_loop3A_593 : vector<16xf32>
        %parallel_loop3A_595 = tpu.vector_load_idx %arg7[%parallel_loop3A_529] : memref<8192xf32, #tpu.memory_space<vmem>>[vector<16xi32>], vector<16xf32>,
        %parallel_loop3A_596 = arith.mulf %parallel_loop3A_593, %parallel_loop3A_595 : vector<16xf32>
        %parallel_loop3A_597 = arith.addf %parallel_loop3A_576, %parallel_loop3A_596 : vector<16xf32>
        %parallel_loop3A_598 = arith.constant 32 : i32
        %parallel_loop3A_599 = vector.broadcast %parallel_loop3A_598 : i32 to vector<16xi32>
        %parallel_loop3A_600 = arith.addi %parallel_loop3A_529, %parallel_loop3A_599 : vector<16xi32>
        %parallel_loop3A_601 = tpu.vector_load_idx %arg7[%parallel_loop3A_600] : memref<8192xf32, #tpu.memory_space<vmem>>[vector<16xi32>], vector<16xf32>,
        %parallel_loop3A_602 = arith.mulf %parallel_loop3A_593, %parallel_loop3A_601 : vector<16xf32>
        %parallel_loop3A_603 = arith.addf %parallel_loop3A_582, %parallel_loop3A_602 : vector<16xf32>
        %parallel_loop3A_604 = arith.constant 64 : i32
        %parallel_loop3A_605 = vector.broadcast %parallel_loop3A_604 : i32 to vector<16xi32>
        %parallel_loop3A_606 = arith.addi %parallel_loop3A_529, %parallel_loop3A_605 : vector<16xi32>
        %parallel_loop3A_607 = tpu.vector_load_idx %arg7[%parallel_loop3A_606] : memref<8192xf32, #tpu.memory_space<vmem>>[vector<16xi32>], vector<16xf32>,
        %parallel_loop3A_608 = arith.mulf %parallel_loop3A_593, %parallel_loop3A_607 : vector<16xf32>
        %parallel_loop3A_609 = arith.addf %parallel_loop3A_588, %parallel_loop3A_608 : vector<16xf32>
        %parallel_loop3A_610 = arith.constant 1.000000e+00 : f32
        %parallel_loop3A_611 = vector.broadcast %parallel_loop3A_610 : f32 to vector<16xf32>
        %parallel_loop3A_612 = arith.divf %parallel_loop3A_611, %parallel_loop3A_594 : vector<16xf32>
        %parallel_loop3A_613 = arith.mulf %parallel_loop3A_597, %parallel_loop3A_612 : vector<16xf32>
        %parallel_loop3A_614 = arith.constant 0 : i32
        %parallel_loop3A_615 = arith.index_cast %parallel_loop3A_614 : i32 to index
        %parallel_loop3A_616 = arith.index_cast %parallel_loop3A_522 : i32 to index
        %parallel_loop3A_617 = arith.index_cast %parallel_loop3A_518 : i32 to index
        %parallel_loop3A_618 = tpu.vector_load %arg12[%parallel_loop3A_615, %parallel_loop3A_616, %parallel_loop3A_617] {strides = array<i32>} : memref<3x8x1024xf32, #tpu.memory_space<vmem>>, vector<16xf32>,
        tpu.vector_store %arg12[%parallel_loop3A_615, %parallel_loop3A_616, %parallel_loop3A_617], %parallel_loop3A_613 {strides = array<i32>} : memref<3x8x1024xf32, #tpu.memory_space<vmem>>, vector<16xf32>,
        %parallel_loop3A_619 = arith.mulf %parallel_loop3A_603, %parallel_loop3A_612 : vector<16xf32>
        %parallel_loop3A_620 = arith.constant 1 : i32
        %parallel_loop3A_621 = arith.index_cast %parallel_loop3A_620 : i32 to index
        %parallel_loop3A_622 = arith.index_cast %parallel_loop3A_522 : i32 to index
        %parallel_loop3A_623 = arith.index_cast %parallel_loop3A_518 : i32 to index
        %parallel_loop3A_624 = tpu.vector_load %arg12[%parallel_loop3A_621, %parallel_loop3A_622, %parallel_loop3A_623] {strides = array<i32>} : memref<3x8x1024xf32, #tpu.memory_space<vmem>>, vector<16xf32>,
        tpu.vector_store %arg12[%parallel_loop3A_621, %parallel_loop3A_622, %parallel_loop3A_623], %parallel_loop3A_619 {strides = array<i32>} : memref<3x8x1024xf32, #tpu.memory_space<vmem>>, vector<16xf32>,
        %parallel_loop3A_625 = arith.mulf %parallel_loop3A_609, %parallel_loop3A_612 : vector<16xf32>
        %parallel_loop3A_626 = arith.constant 2 : i32
        %parallel_loop3A_627 = arith.index_cast %parallel_loop3A_626 : i32 to index
        %parallel_loop3A_628 = arith.index_cast %parallel_loop3A_522 : i32 to index
        %parallel_loop3A_629 = arith.index_cast %parallel_loop3A_518 : i32 to index
        %parallel_loop3A_630 = tpu.vector_load %arg12[%parallel_loop3A_627, %parallel_loop3A_628, %parallel_loop3A_629] {strides = array<i32>} : memref<3x8x1024xf32, #tpu.memory_space<vmem>>, vector<16xf32>,
        tpu.vector_store %arg12[%parallel_loop3A_627, %parallel_loop3A_628, %parallel_loop3A_629], %parallel_loop3A_625 {strides = array<i32>} : memref<3x8x1024xf32, #tpu.memory_space<vmem>>, vector<16xf32>,
      } {sc.loop_unroll_factor = 2 : i64, sc.parallel_access}
    } {sc.loop_unroll_factor = 1 : i64, sc.parallel_access}
    %add3A_310 = arith.constant 24 : i32
    %add3A_311 = arith.addi %mul3A_2, %add3A_310 : i32
    %dma_start3A_312 = arith.constant 0 : i32
    %dma_start3A_313 = arith.constant 0 : i32
    %dma_start3A_314 = arith.constant 0 : i32
    %dma_start3A_315 = arith.constant 0 : i32
    %dma_start3A_316 = tpu.memref_slice %arg12[%dma_start3A_312, %dma_start3A_314, %dma_start3A_315] : memref<3x8x1024xf32, #tpu.memory_space<vmem>> -> memref<1x8x1024xf32, #tpu.memory_space<vmem>>
    %dma_start3A_317 = tpu.memref_squeeze %dma_start3A_316 : memref<1x8x1024xf32, #tpu.memory_space<vmem>> -> memref<8x1024xf32, #tpu.memory_space<vmem>>
    %dma_start3A_318 = arith.constant 0 : i32
    %dma_start3A_319 = tpu.memref_slice %arg5[%dma_start3A_313, %add3A_311, %dma_start3A_318] : memref<3x1024x1024xf32, #tpu.memory_space<hbm>> -> memref<1x8x1024xf32, #tpu.memory_space<hbm>>
    %dma_start3A_320 = tpu.memref_squeeze %dma_start3A_319 : memref<1x8x1024xf32, #tpu.memory_space<hbm>> -> memref<8x1024xf32, #tpu.memory_space<hbm>>
    %dma_start3A_321 = arith.constant 0 : i32
    %dma_start3A_322 = tpu.memref_slice %arg5[%dma_start3A_313, %add3A_311, %dma_start3A_321] : memref<3x1024x1024xf32, #tpu.memory_space<hbm>> -> memref<1x8x1024xf32, #tpu.memory_space<hbm>>
    %dma_start3A_323 = tpu.memref_squeeze %dma_start3A_322 : memref<1x8x1024xf32, #tpu.memory_space<hbm>> -> memref<8x1024xf32, #tpu.memory_space<hbm>>
    %dma_start3A_324 = arith.constant 0 : i32
    %dma_start3A_325 = arith.constant 0 : i32
    %dma_start3A_326 = tpu.memref_slice %arg12[%dma_start3A_312, %dma_start3A_324, %dma_start3A_325] : memref<3x8x1024xf32, #tpu.memory_space<vmem>> -> memref<1x8x1024xf32, #tpu.memory_space<vmem>>
    %dma_start3A_327 = tpu.memref_squeeze %dma_start3A_326 : memref<1x8x1024xf32, #tpu.memory_space<vmem>> -> memref<8x1024xf32, #tpu.memory_space<vmem>>
    tpu.enqueue_dma source(%dma_start3A_327 : memref<8x1024xf32, #tpu.memory_space<vmem>>) target(%dma_start3A_323 : memref<8x1024xf32, #tpu.memory_space<hbm>>) target_semaphore(%arg13 : memref<!tpu.dma_semaphore, #tpu.memory_space<semaphore_mem>>)
    %add3A_328 = arith.constant 24 : i32
    %add3A_329 = arith.addi %mul3A_2, %add3A_328 : i32
    %dma_start3A_330 = arith.constant 1 : i32
    %dma_start3A_331 = arith.constant 1 : i32
    %dma_start3A_332 = arith.constant 0 : i32
    %dma_start3A_333 = arith.constant 0 : i32
    %dma_start3A_334 = tpu.memref_slice %arg12[%dma_start3A_330, %dma_start3A_332, %dma_start3A_333] : memref<3x8x1024xf32, #tpu.memory_space<vmem>> -> memref<1x8x1024xf32, #tpu.memory_space<vmem>>
    %dma_start3A_335 = tpu.memref_squeeze %dma_start3A_334 : memref<1x8x1024xf32, #tpu.memory_space<vmem>> -> memref<8x1024xf32, #tpu.memory_space<vmem>>
    %dma_start3A_336 = arith.constant 0 : i32
    %dma_start3A_337 = tpu.memref_slice %arg5[%dma_start3A_331, %add3A_329, %dma_start3A_336] : memref<3x1024x1024xf32, #tpu.memory_space<hbm>> -> memref<1x8x1024xf32, #tpu.memory_space<hbm>>
    %dma_start3A_338 = tpu.memref_squeeze %dma_start3A_337 : memref<1x8x1024xf32, #tpu.memory_space<hbm>> -> memref<8x1024xf32, #tpu.memory_space<hbm>>
    %dma_start3A_339 = arith.constant 0 : i32
    %dma_start3A_340 = tpu.memref_slice %arg5[%dma_start3A_331, %add3A_329, %dma_start3A_339] : memref<3x1024x1024xf32, #tpu.memory_space<hbm>> -> memref<1x8x1024xf32, #tpu.memory_space<hbm>>
    %dma_start3A_341 = tpu.memref_squeeze %dma_start3A_340 : memref<1x8x1024xf32, #tpu.memory_space<hbm>> -> memref<8x1024xf32, #tpu.memory_space<hbm>>
    %dma_start3A_342 = arith.constant 0 : i32
    %dma_start3A_343 = arith.constant 0 : i32
    %dma_start3A_344 = tpu.memref_slice %arg12[%dma_start3A_330, %dma_start3A_342, %dma_start3A_343] : memref<3x8x1024xf32, #tpu.memory_space<vmem>> -> memref<1x8x1024xf32, #tpu.memory_space<vmem>>
    %dma_start3A_345 = tpu.memref_squeeze %dma_start3A_344 : memref<1x8x1024xf32, #tpu.memory_space<vmem>> -> memref<8x1024xf32, #tpu.memory_space<vmem>>
    tpu.enqueue_dma source(%dma_start3A_345 : memref<8x1024xf32, #tpu.memory_space<vmem>>) target(%dma_start3A_341 : memref<8x1024xf32, #tpu.memory_space<hbm>>) target_semaphore(%arg13 : memref<!tpu.dma_semaphore, #tpu.memory_space<semaphore_mem>>)
    %add3A_346 = arith.constant 24 : i32
    %add3A_347 = arith.addi %mul3A_2, %add3A_346 : i32
    %dma_start3A_348 = arith.constant 2 : i32
    %dma_start3A_349 = arith.constant 2 : i32
    %dma_start3A_350 = arith.constant 0 : i32
    %dma_start3A_351 = arith.constant 0 : i32
    %dma_start3A_352 = tpu.memref_slice %arg12[%dma_start3A_348, %dma_start3A_350, %dma_start3A_351] : memref<3x8x1024xf32, #tpu.memory_space<vmem>> -> memref<1x8x1024xf32, #tpu.memory_space<vmem>>
    %dma_start3A_353 = tpu.memref_squeeze %dma_start3A_352 : memref<1x8x1024xf32, #tpu.memory_space<vmem>> -> memref<8x1024xf32, #tpu.memory_space<vmem>>
    %dma_start3A_354 = arith.constant 0 : i32
    %dma_start3A_355 = tpu.memref_slice %arg5[%dma_start3A_349, %add3A_347, %dma_start3A_354] : memref<3x1024x1024xf32, #tpu.memory_space<hbm>> -> memref<1x8x1024xf32, #tpu.memory_space<hbm>>
    %dma_start3A_356 = tpu.memref_squeeze %dma_start3A_355 : memref<1x8x1024xf32, #tpu.memory_space<hbm>> -> memref<8x1024xf32, #tpu.memory_space<hbm>>
    %dma_start3A_357 = arith.constant 0 : i32
    %dma_start3A_358 = tpu.memref_slice %arg5[%dma_start3A_349, %add3A_347, %dma_start3A_357] : memref<3x1024x1024xf32, #tpu.memory_space<hbm>> -> memref<1x8x1024xf32, #tpu.memory_space<hbm>>
    %dma_start3A_359 = tpu.memref_squeeze %dma_start3A_358 : memref<1x8x1024xf32, #tpu.memory_space<hbm>> -> memref<8x1024xf32, #tpu.memory_space<hbm>>
    %dma_start3A_360 = arith.constant 0 : i32
    %dma_start3A_361 = arith.constant 0 : i32
    %dma_start3A_362 = tpu.memref_slice %arg12[%dma_start3A_348, %dma_start3A_360, %dma_start3A_361] : memref<3x8x1024xf32, #tpu.memory_space<vmem>> -> memref<1x8x1024xf32, #tpu.memory_space<vmem>>
    %dma_start3A_363 = tpu.memref_squeeze %dma_start3A_362 : memref<1x8x1024xf32, #tpu.memory_space<vmem>> -> memref<8x1024xf32, #tpu.memory_space<vmem>>
    tpu.enqueue_dma source(%dma_start3A_363 : memref<8x1024xf32, #tpu.memory_space<vmem>>) target(%dma_start3A_359 : memref<8x1024xf32, #tpu.memory_space<hbm>>) target_semaphore(%arg13 : memref<!tpu.dma_semaphore, #tpu.memory_space<semaphore_mem>>)
    %dma_wait3A_364 = arith.constant 0 : i32
    %dma_wait3A_365 = arith.constant 0 : i32
    %dma_wait3A_366 = arith.constant 0 : i32
    %dma_wait3A_367 = arith.constant 0 : i32
    %dma_wait3A_368 = tpu.memref_slice %arg11[%dma_wait3A_364, %dma_wait3A_366, %dma_wait3A_367] : memref<3x8x1024xf32, #tpu.memory_space<vmem>> -> memref<1x8x1024xf32, #tpu.memory_space<vmem>>
    %dma_wait3A_369 = tpu.memref_squeeze %dma_wait3A_368 : memref<1x8x1024xf32, #tpu.memory_space<vmem>> -> memref<8x1024xf32, #tpu.memory_space<vmem>>
    %dma_wait3A_370 = arith.constant 0 : i32
    %dma_wait3A_371 = tpu.memref_slice %arg5[%dma_wait3A_365, %add3A_206, %dma_wait3A_370] : memref<3x1024x1024xf32, #tpu.memory_space<hbm>> -> memref<1x8x1024xf32, #tpu.memory_space<hbm>>
    %dma_wait3A_372 = tpu.memref_squeeze %dma_wait3A_371 : memref<1x8x1024xf32, #tpu.memory_space<hbm>> -> memref<8x1024xf32, #tpu.memory_space<hbm>>
    %dma_wait3A_373 = arith.constant 0 : i32
    %dma_wait3A_374 = tpu.memref_slice %arg5[%dma_wait3A_365, %add3A_206, %dma_wait3A_373] : memref<3x1024x1024xf32, #tpu.memory_space<hbm>> -> memref<1x8x1024xf32, #tpu.memory_space<hbm>>
    %dma_wait3A_375 = tpu.memref_squeeze %dma_wait3A_374 : memref<1x8x1024xf32, #tpu.memory_space<hbm>> -> memref<8x1024xf32, #tpu.memory_space<hbm>>
    %dma_wait3A_376 = arith.constant 0 : i32
    %dma_wait3A_377 = arith.constant 0 : i32
    %dma_wait3A_378 = tpu.memref_slice %arg11[%dma_wait3A_364, %dma_wait3A_376, %dma_wait3A_377] : memref<3x8x1024xf32, #tpu.memory_space<vmem>> -> memref<1x8x1024xf32, #tpu.memory_space<vmem>>
    %dma_wait3A_379 = tpu.memref_squeeze %dma_wait3A_378 : memref<1x8x1024xf32, #tpu.memory_space<vmem>> -> memref<8x1024xf32, #tpu.memory_space<vmem>>
    tpu.wait_dma2 semaphore(%arg13 : memref<!tpu.dma_semaphore, #tpu.memory_space<semaphore_mem>>) src(%dma_wait3A_379 : memref<8x1024xf32, #tpu.memory_space<vmem>>) dst(%dma_wait3A_375 : memref<8x1024xf32, #tpu.memory_space<hbm>>)
    %dma_wait3A_380 = arith.constant 1 : i32
    %dma_wait3A_381 = arith.constant 1 : i32
    %dma_wait3A_382 = arith.constant 0 : i32
    %dma_wait3A_383 = arith.constant 0 : i32
    %dma_wait3A_384 = tpu.memref_slice %arg11[%dma_wait3A_380, %dma_wait3A_382, %dma_wait3A_383] : memref<3x8x1024xf32, #tpu.memory_space<vmem>> -> memref<1x8x1024xf32, #tpu.memory_space<vmem>>
    %dma_wait3A_385 = tpu.memref_squeeze %dma_wait3A_384 : memref<1x8x1024xf32, #tpu.memory_space<vmem>> -> memref<8x1024xf32, #tpu.memory_space<vmem>>
    %dma_wait3A_386 = arith.constant 0 : i32
    %dma_wait3A_387 = tpu.memref_slice %arg5[%dma_wait3A_381, %add3A_224, %dma_wait3A_386] : memref<3x1024x1024xf32, #tpu.memory_space<hbm>> -> memref<1x8x1024xf32, #tpu.memory_space<hbm>>
    %dma_wait3A_388 = tpu.memref_squeeze %dma_wait3A_387 : memref<1x8x1024xf32, #tpu.memory_space<hbm>> -> memref<8x1024xf32, #tpu.memory_space<hbm>>
    %dma_wait3A_389 = arith.constant 0 : i32
    %dma_wait3A_390 = tpu.memref_slice %arg5[%dma_wait3A_381, %add3A_224, %dma_wait3A_389] : memref<3x1024x1024xf32, #tpu.memory_space<hbm>> -> memref<1x8x1024xf32, #tpu.memory_space<hbm>>
    %dma_wait3A_391 = tpu.memref_squeeze %dma_wait3A_390 : memref<1x8x1024xf32, #tpu.memory_space<hbm>> -> memref<8x1024xf32, #tpu.memory_space<hbm>>
    %dma_wait3A_392 = arith.constant 0 : i32
    %dma_wait3A_393 = arith.constant 0 : i32
    %dma_wait3A_394 = tpu.memref_slice %arg11[%dma_wait3A_380, %dma_wait3A_392, %dma_wait3A_393] : memref<3x8x1024xf32, #tpu.memory_space<vmem>> -> memref<1x8x1024xf32, #tpu.memory_space<vmem>>
    %dma_wait3A_395 = tpu.memref_squeeze %dma_wait3A_394 : memref<1x8x1024xf32, #tpu.memory_space<vmem>> -> memref<8x1024xf32, #tpu.memory_space<vmem>>
    tpu.wait_dma2 semaphore(%arg13 : memref<!tpu.dma_semaphore, #tpu.memory_space<semaphore_mem>>) src(%dma_wait3A_395 : memref<8x1024xf32, #tpu.memory_space<vmem>>) dst(%dma_wait3A_391 : memref<8x1024xf32, #tpu.memory_space<hbm>>)
    %dma_wait3A_396 = arith.constant 2 : i32
    %dma_wait3A_397 = arith.constant 2 : i32
    %dma_wait3A_398 = arith.constant 0 : i32
    %dma_wait3A_399 = arith.constant 0 : i32
    %dma_wait3A_400 = tpu.memref_slice %arg11[%dma_wait3A_396, %dma_wait3A_398, %dma_wait3A_399] : memref<3x8x1024xf32, #tpu.memory_space<vmem>> -> memref<1x8x1024xf32, #tpu.memory_space<vmem>>
    %dma_wait3A_401 = tpu.memref_squeeze %dma_wait3A_400 : memref<1x8x1024xf32, #tpu.memory_space<vmem>> -> memref<8x1024xf32, #tpu.memory_space<vmem>>
    %dma_wait3A_402 = arith.constant 0 : i32
    %dma_wait3A_403 = tpu.memref_slice %arg5[%dma_wait3A_397, %add3A_242, %dma_wait3A_402] : memref<3x1024x1024xf32, #tpu.memory_space<hbm>> -> memref<1x8x1024xf32, #tpu.memory_space<hbm>>
    %dma_wait3A_404 = tpu.memref_squeeze %dma_wait3A_403 : memref<1x8x1024xf32, #tpu.memory_space<hbm>> -> memref<8x1024xf32, #tpu.memory_space<hbm>>
    %dma_wait3A_405 = arith.constant 0 : i32
    %dma_wait3A_406 = tpu.memref_slice %arg5[%dma_wait3A_397, %add3A_242, %dma_wait3A_405] : memref<3x1024x1024xf32, #tpu.memory_space<hbm>> -> memref<1x8x1024xf32, #tpu.memory_space<hbm>>
    %dma_wait3A_407 = tpu.memref_squeeze %dma_wait3A_406 : memref<1x8x1024xf32, #tpu.memory_space<hbm>> -> memref<8x1024xf32, #tpu.memory_space<hbm>>
    %dma_wait3A_408 = arith.constant 0 : i32
    %dma_wait3A_409 = arith.constant 0 : i32
    %dma_wait3A_410 = tpu.memref_slice %arg11[%dma_wait3A_396, %dma_wait3A_408, %dma_wait3A_409] : memref<3x8x1024xf32, #tpu.memory_space<vmem>> -> memref<1x8x1024xf32, #tpu.memory_space<vmem>>
    %dma_wait3A_411 = tpu.memref_squeeze %dma_wait3A_410 : memref<1x8x1024xf32, #tpu.memory_space<vmem>> -> memref<8x1024xf32, #tpu.memory_space<vmem>>
    tpu.wait_dma2 semaphore(%arg13 : memref<!tpu.dma_semaphore, #tpu.memory_space<semaphore_mem>>) src(%dma_wait3A_411 : memref<8x1024xf32, #tpu.memory_space<vmem>>) dst(%dma_wait3A_407 : memref<8x1024xf32, #tpu.memory_space<hbm>>)
    %dma_wait3A_412 = arith.constant 0 : i32
    %dma_wait3A_413 = arith.constant 0 : i32
    %dma_wait3A_414 = arith.constant 0 : i32
    %dma_wait3A_415 = arith.constant 0 : i32
    %dma_wait3A_416 = tpu.memref_slice %arg12[%dma_wait3A_412, %dma_wait3A_414, %dma_wait3A_415] : memref<3x8x1024xf32, #tpu.memory_space<vmem>> -> memref<1x8x1024xf32, #tpu.memory_space<vmem>>
    %dma_wait3A_417 = tpu.memref_squeeze %dma_wait3A_416 : memref<1x8x1024xf32, #tpu.memory_space<vmem>> -> memref<8x1024xf32, #tpu.memory_space<vmem>>
    %dma_wait3A_418 = arith.constant 0 : i32
    %dma_wait3A_419 = tpu.memref_slice %arg5[%dma_wait3A_413, %add3A_311, %dma_wait3A_418] : memref<3x1024x1024xf32, #tpu.memory_space<hbm>> -> memref<1x8x1024xf32, #tpu.memory_space<hbm>>
    %dma_wait3A_420 = tpu.memref_squeeze %dma_wait3A_419 : memref<1x8x1024xf32, #tpu.memory_space<hbm>> -> memref<8x1024xf32, #tpu.memory_space<hbm>>
    %dma_wait3A_421 = arith.constant 0 : i32
    %dma_wait3A_422 = tpu.memref_slice %arg5[%dma_wait3A_413, %add3A_311, %dma_wait3A_421] : memref<3x1024x1024xf32, #tpu.memory_space<hbm>> -> memref<1x8x1024xf32, #tpu.memory_space<hbm>>
    %dma_wait3A_423 = tpu.memref_squeeze %dma_wait3A_422 : memref<1x8x1024xf32, #tpu.memory_space<hbm>> -> memref<8x1024xf32, #tpu.memory_space<hbm>>
    %dma_wait3A_424 = arith.constant 0 : i32
    %dma_wait3A_425 = arith.constant 0 : i32
    %dma_wait3A_426 = tpu.memref_slice %arg12[%dma_wait3A_412, %dma_wait3A_424, %dma_wait3A_425] : memref<3x8x1024xf32, #tpu.memory_space<vmem>> -> memref<1x8x1024xf32, #tpu.memory_space<vmem>>
    %dma_wait3A_427 = tpu.memref_squeeze %dma_wait3A_426 : memref<1x8x1024xf32, #tpu.memory_space<vmem>> -> memref<8x1024xf32, #tpu.memory_space<vmem>>
    tpu.wait_dma2 semaphore(%arg13 : memref<!tpu.dma_semaphore, #tpu.memory_space<semaphore_mem>>) src(%dma_wait3A_427 : memref<8x1024xf32, #tpu.memory_space<vmem>>) dst(%dma_wait3A_423 : memref<8x1024xf32, #tpu.memory_space<hbm>>)
    %dma_wait3A_428 = arith.constant 1 : i32
    %dma_wait3A_429 = arith.constant 1 : i32
    %dma_wait3A_430 = arith.constant 0 : i32
    %dma_wait3A_431 = arith.constant 0 : i32
    %dma_wait3A_432 = tpu.memref_slice %arg12[%dma_wait3A_428, %dma_wait3A_430, %dma_wait3A_431] : memref<3x8x1024xf32, #tpu.memory_space<vmem>> -> memref<1x8x1024xf32, #tpu.memory_space<vmem>>
    %dma_wait3A_433 = tpu.memref_squeeze %dma_wait3A_432 : memref<1x8x1024xf32, #tpu.memory_space<vmem>> -> memref<8x1024xf32, #tpu.memory_space<vmem>>
    %dma_wait3A_434 = arith.constant 0 : i32
    %dma_wait3A_435 = tpu.memref_slice %arg5[%dma_wait3A_429, %add3A_329, %dma_wait3A_434] : memref<3x1024x1024xf32, #tpu.memory_space<hbm>> -> memref<1x8x1024xf32, #tpu.memory_space<hbm>>
    %dma_wait3A_436 = tpu.memref_squeeze %dma_wait3A_435 : memref<1x8x1024xf32, #tpu.memory_space<hbm>> -> memref<8x1024xf32, #tpu.memory_space<hbm>>
    %dma_wait3A_437 = arith.constant 0 : i32
    %dma_wait3A_438 = tpu.memref_slice %arg5[%dma_wait3A_429, %add3A_329, %dma_wait3A_437] : memref<3x1024x1024xf32, #tpu.memory_space<hbm>> -> memref<1x8x1024xf32, #tpu.memory_space<hbm>>
    %dma_wait3A_439 = tpu.memref_squeeze %dma_wait3A_438 : memref<1x8x1024xf32, #tpu.memory_space<hbm>> -> memref<8x1024xf32, #tpu.memory_space<hbm>>
    %dma_wait3A_440 = arith.constant 0 : i32
    %dma_wait3A_441 = arith.constant 0 : i32
    %dma_wait3A_442 = tpu.memref_slice %arg12[%dma_wait3A_428, %dma_wait3A_440, %dma_wait3A_441] : memref<3x8x1024xf32, #tpu.memory_space<vmem>> -> memref<1x8x1024xf32, #tpu.memory_space<vmem>>
    %dma_wait3A_443 = tpu.memref_squeeze %dma_wait3A_442 : memref<1x8x1024xf32, #tpu.memory_space<vmem>> -> memref<8x1024xf32, #tpu.memory_space<vmem>>
    tpu.wait_dma2 semaphore(%arg13 : memref<!tpu.dma_semaphore, #tpu.memory_space<semaphore_mem>>) src(%dma_wait3A_443 : memref<8x1024xf32, #tpu.memory_space<vmem>>) dst(%dma_wait3A_439 : memref<8x1024xf32, #tpu.memory_space<hbm>>)
    %dma_wait3A_444 = arith.constant 2 : i32
    %dma_wait3A_445 = arith.constant 2 : i32
    %dma_wait3A_446 = arith.constant 0 : i32
    %dma_wait3A_447 = arith.constant 0 : i32
    %dma_wait3A_448 = tpu.memref_slice %arg12[%dma_wait3A_444, %dma_wait3A_446, %dma_wait3A_447] : memref<3x8x1024xf32, #tpu.memory_space<vmem>> -> memref<1x8x1024xf32, #tpu.memory_space<vmem>>
    %dma_wait3A_449 = tpu.memref_squeeze %dma_wait3A_448 : memref<1x8x1024xf32, #tpu.memory_space<vmem>> -> memref<8x1024xf32, #tpu.memory_space<vmem>>
    %dma_wait3A_450 = arith.constant 0 : i32
    %dma_wait3A_451 = tpu.memref_slice %arg5[%dma_wait3A_445, %add3A_347, %dma_wait3A_450] : memref<3x1024x1024xf32, #tpu.memory_space<hbm>> -> memref<1x8x1024xf32, #tpu.memory_space<hbm>>
    %dma_wait3A_452 = tpu.memref_squeeze %dma_wait3A_451 : memref<1x8x1024xf32, #tpu.memory_space<hbm>> -> memref<8x1024xf32, #tpu.memory_space<hbm>>
    %dma_wait3A_453 = arith.constant 0 : i32
    %dma_wait3A_454 = tpu.memref_slice %arg5[%dma_wait3A_445, %add3A_347, %dma_wait3A_453] : memref<3x1024x1024xf32, #tpu.memory_space<hbm>> -> memref<1x8x1024xf32, #tpu.memory_space<hbm>>
    %dma_wait3A_455 = tpu.memref_squeeze %dma_wait3A_454 : memref<1x8x1024xf32, #tpu.memory_space<hbm>> -> memref<8x1024xf32, #tpu.memory_space<hbm>>
    %dma_wait3A_456 = arith.constant 0 : i32
    %dma_wait3A_457 = arith.constant 0 : i32
    %dma_wait3A_458 = tpu.memref_slice %arg12[%dma_wait3A_444, %dma_wait3A_456, %dma_wait3A_457] : memref<3x8x1024xf32, #tpu.memory_space<vmem>> -> memref<1x8x1024xf32, #tpu.memory_space<vmem>>
    %dma_wait3A_459 = tpu.memref_squeeze %dma_wait3A_458 : memref<1x8x1024xf32, #tpu.memory_space<vmem>> -> memref<8x1024xf32, #tpu.memory_space<vmem>>
    tpu.wait_dma2 semaphore(%arg13 : memref<!tpu.dma_semaphore, #tpu.memory_space<semaphore_mem>>) src(%dma_wait3A_459 : memref<8x1024xf32, #tpu.memory_space<vmem>>) dst(%dma_wait3A_455 : memref<8x1024xf32, #tpu.memory_space<hbm>>)
    return
  }
}

</mosaic_0001>

<sc_bundles>
// kernel: _sc_eval.3.cloned.1.call-start
scs
__scs_entry_jumppad:
0x0: {  	(pc) =	sbr.rel $0x88, $3  }
0x1: {  	(tag) =	ssettag $0x0;
	lr =	simm.s32 $0x1  }
0x2: {  	[smem:$0x3F9E] =	sst lr;
	_ =	strace $0xD0000000  }
0x3: {  	_ = 	snop  }
0x4: {  	_ = 	snop  }
0x5: {  	_ = 	snop  }
0x6: {  	_ = 	snop  }
0x7: {  	_ = 	snop  }
__scs_overlays_trampoline_lowered:
0x8: {  	[smem:$0x3FAD] =	sst s0  }
0x9: {  	[smem:$0x3FAE] =	sst s1  }
0xa: {  	[smem:$0x3FAF] =	sst s2  }
0xb: {  	[smem:$0x3FB0] =	sst s3  }
0xc: {  	[smem:$0x3FB1] =	sst s4  }
0xd: {  	[smem:$0x3FB2] =	sst s5  }
0xe: {  	[smem:$0x3FB3] =	sst s6  }
0xf: {  	[smem:$0x3FB4] =	sst s7  }
0x10: {  	[smem:$0x3FB5] =	sst s8  }
0x11: {  	[smem:$0x3FB6] =	sst s9;
	s0 =	simm.s32 @!p0 $0x0  }
0x12: {  	s1 =	sld [smem:$0x3F9C];
	s0 =	simm.s32 @p0 $0x1  }
0x13: {  	[smem:$0x3FB7] =	sst s0;
	s0 =	simm.s32 @!p1 $0x0  }
0x14: {  	s2 =	sld [smem:$0x3F9B];
	s0 =	simm.s32 @p1 $0x1  }
0x15: {  	[smem:$0x3FB8] =	sst s0;
	s0 =	simm.s32 @!p2 $0x0  }
0x16: {  	s3 =	sld [smem:$0x3FDB];
	s0 =	simm.s32 @p2 $0x1  }
0x17: {  	s4 =	simm.s32 $0x1BF5;
	[smem:$0x3FBA] =	sst s0  }
0x18: {  	s0 =	sld [smem:$0x3F9D];
	_ =	swait.ge [sflag:s4], $0x0  }
0x19: {  	s7 =	sld [smem:$0x3F9E]  }
0x1a: {  	s8 =	sadd.s32 $0xFFFFE003, lr  }
0x1b: {  	s9 =	sadd.s32 $0xFFFFFEF7, lr;
	s5 =	simm.s32 $0xFFFFFFFF;
	p2 =	slt.u32 s8, $0xFFFFF086  }
0x1c: {  	p1 =	slt.u32 s9, $0xF7A;
	s5 =	simm.s32 @!p2 $0x0  }
0x1d: {  	s5 =	simm.s32 @p1 $0x1;
	p0 =	seq.s32 s7, s2  }
0x1e: {  	s7 =	smul.u32 @!p0 $0xF7A, s2;
	p2 =	seq.s32 @!p0 s5, $0x0  }
0x1f: {  	s9 =	smul.u32 $0xF7A, s1;
	s8 =	simm.s32 @!p0 $0x1BF5;
	p2 =	por !p2, p0  }
0x20: {  	[sflag:s8] =	ssyncset.s32 @!p0 $0xFFFFF086;
	s6 =	sadd.s32 @!p0 s3, s7;
	s7 =	simm.s32 @!p0 $0x108  }
0x21: {  	s3 =	sadd.s32 s3, s9;
	s6 =	sadd.s32 @!p0 $0x88, s6;
	s7 =	simm.s32 @p2 $0x1082  }
0x22: {  	[simem:s7], [sflag:s8] =	dma.local @!p0 [hbm:s6], $0xF7A  }
0x23: {  	s9 =	sor.u32 $0xD0000000, s2;
	s6 =	simm.s32 $0x108;
	_ =	swait.ge @!p0 [sflag:s8], $0x0  }
0x24: {  	s3 =	sadd.s32 $0x88, s3;
	s6 =	simm.s32 @!p1 $0x1082;
	[sflag:s4] =	ssyncset.s32 $0xFFFFF086  }
0x25: {  	[simem:s6], [sflag:s4] =	dma.local [hbm:s3], $0xF7A  }
0x26: {  	[smem:$0x3F9E] =	sst s1;
	(tag) =	ssettag s2;
	_ =	strace s9  }
0x27: {  	s1 =	sld [smem:$0x3FAE]  }
0x28: {  	s2 =	sld [smem:$0x3FAF]  }
0x29: {  	s4 =	sld [smem:$0x3FB1]  }
0x2a: {  	p0 =	seq.s32 s5, $0x0;
	s5 =	sld [smem:$0x3FB2]  }
0x2b: {  	s6 =	sld [smem:$0x3FB3]  }
0x2c: {  	s7 =	sld [smem:$0x3FB4]  }
0x2d: {  	s3 =	simm.s32 $0x108;
	s8 =	sld [smem:$0x3FB5]  }
0x2e: {  	s3 =	simm.s32 @!p0 $0x1082;
	s9 =	sld [smem:$0x3FB6]  }
0x2f: {  	lr =	sadd.s32 s0, s3;
	s0 =	sld [smem:$0x3FAD]  }
0x30: {  	s3 =	sld [smem:$0x3FB0]  }
0x31: {  	[smem:$0x3FB9] =	sst s10  }
0x32: {  	s10 =	sld [smem:$0x3FB7];
	_ =	sdelay $0x3  }
0x33: {  	p0 =	seq.s32 s10, $0x1;
	s10 =	sld [smem:$0x3FB9];
	_ =	sdelay $0x3  }
0x34: {  	[smem:$0x3FB9] =	sst s10  }
0x35: {  	s10 =	sld [smem:$0x3FB8];
	_ =	sdelay $0x3  }
0x36: {  	p1 =	seq.s32 s10, $0x1;
	s10 =	sld [smem:$0x3FB9];
	_ =	sdelay $0x3  }
0x37: {  	[smem:$0x3FB9] =	sst s10  }
0x38: {  	s10 =	sld [smem:$0x3FBA]  }
0x39: {  	_ = 	snop;
	(pc) =	sbr.ind lr, $3  }
0x3a: {  	_ = 	snop  }
0x3b: {  	_ = 	snop  }
0x3c: {  	p2 =	seq.s32 s10, $0x1;
	s10 =	sld [smem:$0x3FB9]  }
0x3d: {  	_ =	shalt  }
0x3e: {  	_ =	shalt  }
0x3f: {  	_ =	shalt  }
0x40: {  	_ =	shalt  }
0x41: {  	_ =	shalt  }
0x42: {  	_ =	shalt  }
0x43: {  	_ =	shalt  }
0x44: {  	_ =	shalt  }
0x45: {  	_ =	shalt  }
0x46: {  	_ =	shalt  }
0x47: {  	_ =	shalt  }
0x48: {  	_ =	shalt  }
0x49: {  	_ =	shalt  }
0x4a: {  	_ =	shalt  }
0x4b: {  	_ =	shalt  }
0x4c: {  	_ =	shalt  }
0x4d: {  	_ =	shalt  }
0x4e: {  	_ =	shalt  }
0x4f: {  	_ =	shalt  }
0x50: {  	_ =	shalt  }
0x51: {  	_ =	shalt  }
0x52: {  	_ =	shalt  }
0x53: {  	_ =	shalt  }
0x54: {  	_ =	shalt  }
0x55: {  	_ =	shalt  }
0x56: {  	_ =	shalt  }
0x57: {  	_ =	shalt  }
0x58: {  	_ =	shalt  }
0x59: {  	_ =	shalt  }
0x5a: {  	_ =	shalt  }
0x5b: {  	_ =	shalt  }
0x5c: {  	_ =	shalt  }
0x5d: {  	_ =	shalt  }
0x5e: {  	_ =	shalt  }
0x5f: {  	_ =	shalt  }
0x60: {  	_ =	shalt  }
0x61: {  	_ =	shalt  }
0x62: {  	_ =	shalt  }
0x63: {  	_ =	shalt  }
0x64: {  	_ =	shalt  }
0x65: {  	_ =	shalt  }
0x66: {  	_ =	shalt  }
0x67: {  	_ =	shalt  }
0x68: {  	_ =	shalt  }
0x69: {  	_ =	shalt  }
0x6a: {  	_ =	shalt  }
0x6b: {  	_ =	shalt  }
0x6c: {  	_ =	shalt  }
0x6d: {  	_ =	shalt  }
0x6e: {  	_ =	shalt  }
0x6f: {  	_ =	shalt  }
0x70: {  	_ =	shalt  }
0x71: {  	_ =	shalt  }
0x72: {  	_ =	shalt  }
0x73: {  	_ =	shalt  }
0x74: {  	_ =	shalt  }
0x75: {  	_ =	shalt  }
0x76: {  	_ =	shalt  }
0x77: {  	_ =	shalt  }
0x78: {  	_ =	shalt  }
0x79: {  	_ =	shalt  }
0x7a: {  	_ =	shalt  }
0x7b: {  	_ =	shalt  }
0x7c: {  	_ =	shalt  }
0x7d: {  	_ =	shalt  }
0x7e: {  	_ =	shalt  }
0x7f: {  	_ =	shalt  }
0x80: {  	_ =	shalt  }
0x81: {  	_ =	shalt  }
0x82: {  	_ =	shalt  }
0x83: {  	_ =	shalt  }
0x84: {  	_ =	shalt  }
0x85: {  	_ =	shalt  }
0x86: {  	_ =	shalt  }
0x87: {  	_ =	shalt  }
.Lfunc_end0:
.L_simem_size_0:
called_computation_lowered:
.L_overlay_start_0:
0x88: {  	s2 =	sld [smem:$0x3FD9]  }
0x89: {  	s3 =	sld [smem:$0x3FFE];
	_ =	sdelay $0x1  }
0x8a: {  	s1 =	srdreg.scid  }
0x8b: {  	s0 =	sand.u32 $0x1, s1  }
0x8c: {  	s18 =	sshll.u32 s0, $0xA;
	s2 =	sadd.s32 s3, s2  }
0x8d: {  	s2 =	sadd.s32 s2, s18  }
0x8e: {  	[smem:$0x3FC5] =	sst s2  }
0x8f: {  	_ = 	snop  }
0x90: {  	s2 =	sld [smem:$0x3FC9]  }
0x91: {  	s19 =	sld [smem:$0x3FC8]  }
0x92: {  	s4 =	sld [smem:$0x3FC7]  }
0x93: {  	s5 =	sld [smem:$0x3FD0];
	(tm) =	ssettm $0x1  }
0x94: {  	s6 =	sld [smem:$0x3FFB];
	_ =	sdelay $0x3  }
0x95: {  	_ =	strace s6  }
0x96: {  	s6 =	sld [smem:$0x3FFC];
	_ =	sdelay $0x3  }
0x97: {  	_ =	strace s6  }
0x98: {  	s6 =	sld [smem:$0x3FFD];
	_ =	sdelay $0x3  }
0x99: {  	_ =	strace s6  }
0x9a: {  	_ =	strace $0x8FFFFFFF  }
0x9b: {  	s20 =	sld [smem:$0x3FDB];
	_ =	sdelay $0x1  }
0x9c: {  	s7 =	simm.s32 $_scs_section_size  }
0x9d: {  	s8 =	simm.s32 $_size__tile_overlayer_lowered;
	s9 =	simm.s32 $_tile_overlayer_lowered  }
0x9e: {  	s23 =	simm.s32 $0x1BFF;
	s22 =	sshll.u32 s9, $0x1;
	s6 =	sadd.s32 s7, s20  }
0x9f: {  	s10 =	simm.s32 $0x0;
	s21 =	sshll.u32 s8, $0x1;
	s8 =	sadd.s32 s22, s6  }
0xa0: {  	[timem:s10], [sflag:s23] =	dma.local [hbm:s8], s21  }
0xa1: {  	_ =	swait.ge [sflag:s23], s21  }
0xa2: {  	s7 =	ssub.s32 $0x0, s21;
	[sflag:s23] =	ssyncset.done $0x0  }
0xa3: {  	[sflag:s23] =	ssyncadd.s32 s7;
	_ =	sdelay $0x1  }
0xa4: {  	s24 =	simm.s32 $0x1B8B  }
0xa5: {  	_ =	swait.ge [sflag:s24], $0x1  }
0xa6: {  	[sflag:s24] =	ssyncset.done $0x0  }
0xa7: {  	s25 =	simm.s32 $0x1B8E;
	[sflag:s24] =	ssyncadd.s32 $0xFFFFFFFF  }
0xa8: {  	s26 =	simm.s32 $execute0_lowered;
	[smem:$0x3FD2] =	sst s25  }
0xa9: {  	s7 =	sshll.u32 s26, $0x1;
	_ =	strace $0x80000046;
	[dreg:$0x1] =	wrdreg $0xFFFFFFFF  }
0xaa: {  	s28 =	simm.s32 $_size_execute0_lowered;
	s6 =	sadd.s32 s6, s7;
	[dreg:$0x0] =	wrdreg $0x0  }
0xab: {  	s7 =	sshll.u32 s28, $0x1;
	[dreg:$0x2] =	wrdreg s6  }
0xac: {  	[dreg:$0x3] =	wrdreg s7  }
0xad: {  	[dreg:$0x4] =	wrdreg $0xC0  }
0xae: {  	_ =	task [dreg:s10], $0x5FFFF  }
0xaf: {  	[dreg:$0x1] =	wrdreg $0xFFFFFFFF  }
0xb0: {  	[dreg:$0x0] =	wrdreg $0x60  }
0xb1: {  	[dreg:$0x2] =	wrdreg s2  }
0xb2: {  	[dreg:$0x3] =	wrdreg s19  }
0xb3: {  	[dreg:$0x4] =	wrdreg s4  }
0xb4: {  	[dreg:$0x5] =	wrdreg s5  }
0xb5: {  	[dreg:$0x6] =	wrdreg $0x9  }
0xb6: {  	_ =	task.clear_ibuf [dreg:s10], $0x7FFFF;
	_ =	strace $0x90000046  }
0xb7: {  	s29 =	simm.s32 $0x9;
	_ =	strace $0x80000048  }
0xb8: {  	_ =	swait.ge [sflag:s29], $0x1  }
0xb9: {  	[sflag:s29] =	ssyncadd.s32 $0xFFFFFFFF  }
0xba: {  	_ =	strace $0x90000048  }
0xbb: {  	_ =	sfence  }
0xbc: {  	s30 =	sld [smem:$0x0];
	_ =	sdelay $0x2  }
0xbd: {  	s31 =	sshll.u32 s1, $0xD;
	s1 =	sshrl.u32 s1, $0x2  }
0xbe: {  	s3 =	sand.u32 $0x4000, s31;
	s1 =	sadd.s32 s1, s30  }
0xbf: {  	s0 =	sor.u32 s3, s0;
	s1 =	sshll.u32 s1, $0x11  }
0xc0: {  	s0 =	sor.u32 s1, s0  }
0xc1: {  	s0 =	sadd.s32 $0x8F2B, s0  }
0xc2: {  	[sflag:s0] =	ssyncadd.remote.s32 $0x1  }
0xc3: {  	_ =	sfence.sel $0xFFFF  }
0xc4: {  	[dreg:$0x0] =	wrdreg $0xFFFFFFFF;
	(pc) =	sbr.abs _section_cstart, $3  }
0xc5: {  	[dreg:$0x1] =	wrdreg $0xFFFFFFFF  }
0xc6: {  	_ =	task.clear_ibuf [dreg:s10], $0x2FFFF;
	_ =	strace $0x9FFFFFFF  }
0xc7: {  	(tm) =	ssettm $0x7FFFFFFF  }
tec
execute0_lowered:
.L_overlay_start_1:
0x0: {  	(tag) =	ssettag $0x1  }
0x1: {  	s0 =	rddreg [dreg:$0x0]  }
0x2: {  	s1 =	rddreg [dreg:$0x3]  }
0x3: {  	s3 =	simm.s32 $0x0;
	s2 =	srdreg.scid;
	s6 =	stileid.u32  }
0x4: {  	s22 =	simm.s32 $0x2;
	s25 =	simm.s32 $0x8000;
	[smem:$0x7FF] =	sst s3  }
0x5: {  	s2 =	sand.u32 $0x1, s2;
	s5 =	sshll.u32 s6, $0x6;
	s6 =	sshll.u32 s6, $0xD  }
0x6: {  	_ =	strace $0x80000047;
	s4 =	ssub.s32 $0x2, s2;
	s7 =	sshll.u32 s2, $0xC  }
0x7: {  	s9 =	sand.u32 $0x380, s5;
	s31 =	sshll.u32 s2, $0x5;
	s8 =	sshrl.u32 s4, $0x1  }
0x8: {  	s6 =	sor.u32 s7, s6;
	s0 =	sadd.s32 s0, s9;
	s4 =	ssub.s32 s4, s8  }
0x9: {  	[dreg:$0x5] =	wrdreg s0;
	s6 =	sadd.s32 s1, s6;
	s0 =	sor.u32 s31, s5  }
0xa: {  	s1 =	simm.s32 $0x0;
	s29 =	sadd.s32 $0x20000, s6;
	s30 =	sadd.s32 $0x40000, s6  }
0xb: {  	s9 =	sadd.s32 $0x400, s6;
	s10 =	sadd.s32 $0x20400, s6;
	s11 =	sadd.s32 $0x40400, s6  }
0xc: {  	s12 =	sadd.s32 $0x800, s6;
	s13 =	sadd.s32 $0x20800, s6;
	s14 =	sadd.s32 $0x40800, s6  }
0xd: {  	s15 =	sadd.s32 $0xC00, s6;
	s16 =	sadd.s32 $0x20C00, s6;
	s17 =	sadd.s32 $0x40C00, s6  }
0xe: {  	s18 =	smax.u32 s4, $0x1;
	s0 =	sand.u32 $0x60, s0;
	[dreg:$0x6] =	wrdreg s29  }
0xf: {  	s4 =	simm.s32 $0x1;
	[dreg:$0x7] =	wrdreg s30;
	s0 =	sor.u32 $0x100, s0  }
.LBB2_1:
0x10: {  	s2 =	rddreg [dreg:$0x5];
	s5 =	simm.s32 $0x400;
	s7 =	simm.s32 $0x2000  }
0x11: {  	[tilespmem:s3], [sflag:$0x2] =	stream.strided.gather [hbm4b:s2+s5], $0x8000, s7, s5, $0x38;
	[tilespmem:$0x18400] =	vst v63  }
0x12: {  	_ =	swait.ge [sflag:s22], $0x8000  }
0x13: {  	[sflag:s22] =	ssyncset.done $0x0  }
0x14: {  	[sflag:s22] =	ssyncadd.s32 $0xFFFF8000  }
0x15: {  	s23 =	simm.s32 $0xA000;
	s21 =	rddreg [dreg:$0x1]  }
0x16: {  	[tilespmem:s23], [sflag:$0x2] =	stream.linear.gather [hbm4b:s21+s3], $0x400, $0x38;
	[tilespmem:$0x18400] =	vst v63  }
0x17: {  	_ =	swait.ge [sflag:s22], $0x400  }
0x18: {  	[sflag:s22] =	ssyncset.done $0x0  }
0x19: {  	[sflag:s22] =	ssyncadd.s32 $0xFFFFFC00  }
0x1a: {  	s26 =	simm.s32 $0xA400;
	s24 =	rddreg [dreg:$0x2]  }
0x1b: {  	[tilespmem:s26], [sflag:$0x2] =	stream.linear.gather [hbm4b:s24+s3], $0x1000, $0x38;
	[tilespmem:$0x18400] =	vst v63  }
0x1c: {  	_ =	swait.ge [sflag:s22], $0x1000  }
0x1d: {  	[sflag:s22] =	ssyncset.done $0x0  }
0x1e: {  	[sflag:s22] =	ssyncadd.s32 $0xFFFFF000  }
0x1f: {  	v0 =	vld [tilespmem:s0+$0xFFFFFF00];
	_ =	sdelay $0x3  }
0x20: {  	s2 =	simm.s32 $0x0  }
0x21: {  	[tilespmem:s2+$0x8000] =	vst v0  }
0x22: {  	v0 =	vld [tilespmem:s0+$0xFFFFFF10]  }
0x23: {  	s21 =	sadd.s32 $0x200, s0  }
0x24: {  	v1 =	vld [tilespmem:s21+$0xFFFFFF00];
	_ =	sdelay $0x2  }
0x25: {  	[tilespmem:s2+$0x8010] =	vst v0  }
0x26: {  	s20 =	simm.s32 $0x80;
	v0 =	vld [tilespmem:s0+$0xFFFFFF80]  }
0x27: {  	[tilespmem:s20+$0x8000] =	vst v1  }
0x28: {  	v1 =	vld [tilespmem:s21+$0xFFFFFF10]  }
0x29: {  	s24 =	sadd.s32 $0x200, s21  }
0x2a: {  	v2 =	vld [tilespmem:s24+$0xFFFFFF00]  }
0x2b: {  	[tilespmem:s2+$0x8020] =	vst v0  }
0x2c: {  	v0 =	vld [tilespmem:s0+$0xFFFFFF90]  }
0x2d: {  	[tilespmem:s20+$0x8010] =	vst v1  }
0x2e: {  	s23 =	simm.s32 $0x100;
	v1 =	vld [tilespmem:s21+$0xFFFFFF80]  }
0x2f: {  	[tilespmem:s23+$0x8000] =	vst v2  }
0x30: {  	s28 =	sadd.s32 $0x200, s24;
	v2 =	vld [tilespmem:s24+$0xFFFFFF10]  }
0x31: {  	[tilespmem:s2+$0x8030] =	vst v0;
	v0 =	vld [tilespmem:s28+$0xFFFFFF00]  }
0x32: {  	v3 =	vld [tilespmem:s0+$0x0]  }
0x33: {  	[tilespmem:s20+$0x8020] =	vst v1  }
0x34: {  	v1 =	vld [tilespmem:s21+$0xFFFFFF90]  }
0x35: {  	s26 =	simm.s32 $0x180;
	[tilespmem:s23+$0x8010] =	vst v2  }
0x36: {  	v2 =	vld [tilespmem:s24+$0xFFFFFF80];
	[tilespmem:s26+$0x8000] =	vst v0  }
0x37: {  	v0 =	vld [tilespmem:s28+$0xFFFFFF10];
	[tilespmem:s2+$0x8040] =	vst v3  }
0x38: {  	s29 =	sadd.s32 $0x200, s28;
	v3 =	vld [tilespmem:s0+$0x10]  }
0x39: {  	[tilespmem:s20+$0x8030] =	vst v1;
	v1 =	vld [tilespmem:s29+$0xFFFFFF00]  }
0x3a: {  	v4 =	vld [tilespmem:s21+$0x0]  }
0x3b: {  	[tilespmem:s23+$0x8020] =	vst v2  }
0x3c: {  	v2 =	vld [tilespmem:s24+$0xFFFFFF90];
	[tilespmem:s26+$0x8010] =	vst v0  }
0x3d: {  	s30 =	simm.s32 $0x200;
	v5 =	vld [tilespmem:s28+$0xFFFFFF80];
	[tilespmem:s2+$0x8050] =	vst v3  }
0x3e: {  	[tilespmem:s30+$0x8000] =	vst v1;
	v0 =	vld [tilespmem:s0+$0x80]  }
0x3f: {  	[tilespmem:s20+$0x8040] =	vst v4;
	v3 =	vld [tilespmem:s29+$0xFFFFFF10]  }
0x40: {  	s31 =	sadd.s32 $0x200, s29;
	v1 =	vld [tilespmem:s21+$0x10]  }
0x41: {  	[tilespmem:s23+$0x8030] =	vst v2;
	v4 =	vld [tilespmem:s31+$0xFFFFFF00]  }
0x42: {  	s19 =	smov.u32 s0;
	s7 =	simm.s32 $0xA00;
	s5 =	simm.s32 $0xC00;
	v2 =	vld [tilespmem:s24+$0x0];
	[tilespmem:s26+$0x8020] =	vst v5  }
.LBB2_2:
0x43: {  	p0 =	sne.s32 s5, $0x7E00;
	v5 =	vld [tilespmem:s28+$0xFFFFFF90];
	[tilespmem:s2+$0x8060] =	vst v0  }
0x44: {  	[tilespmem:s30+$0x8010] =	vst v3;
	v6 =	vld [tilespmem:s19+$0x90];
	s19 =	smov.u32 s21;
	s21 =	smov.u32 s24;
	s24 =	smov.u32 s28  }
0x45: {  	s8 =	sshra.s32 s7, $0x2;
	s28 =	smov.u32 s29;
	v7 =	vld [tilespmem:s29+$0xFFFFFF80];
	[tilespmem:s20+$0x8050] =	vst v1;
	s29 =	smov.u32 s31  }
.Ltmp0:
0x46: {  	s7 =	smov.u32 s5;
	[tilespmem:s8+$0x8000] =	vst v4;
	v0 =	vld [tilespmem:s19+$0x80];
	(pc) =	sbr.rel @p0 .LBB2_2-.Ltmp0, $4  }
0x47: {  	v3 =	vld [tilespmem:s31+$0xFFFFFF10];
	[tilespmem:s23+$0x8040] =	vst v2  }
0x48: {  	s31 =	sadd.s32 $0x200, s31;
	[tilespmem:s26+$0x8030] =	vst v5;
	v1 =	vld [tilespmem:s21+$0x10]  }
0x49: {  	v4 =	vld [tilespmem:s31+$0xFFFFFF00];
	[tilespmem:s2+$0x8070] =	vst v6;
	s2 =	smov.u32 s20;
	s20 =	smov.u32 s23;
	s23 =	smov.u32 s26  }
0x4a: {  	s5 =	sadd.s32 $0x200, s5;
	s26 =	smov.u32 s30;
	[tilespmem:s30+$0x8020] =	vst v7;
	v2 =	vld [tilespmem:s24+$0x0];
	s30 =	smov.u32 s8  }
0x4b: {  	_ =	sdelay $0x1  }
0x4c: {  	s5 =	sshra.s32 s7, $0x2  }
0x4d: {  	[tilespmem:s5+$0x8000] =	vst v4  }
0x4e: {  	v4 =	vld [tilespmem:s31+$0xFFFFFF10];
	_ =	sdelay $0x3  }
0x4f: {  	[tilespmem:s30+$0x8010] =	vst v3  }
0x50: {  	v3 =	vld [tilespmem:s29+$0xFFFFFF80];
	[tilespmem:s5+$0x8010] =	vst v4  }
0x51: {  	v4 =	vld [tilespmem:s31+$0xFFFFFF80];
	_ =	sdelay $0x3  }
0x52: {  	v5 =	vld [tilespmem:s28+$0xFFFFFF90];
	[tilespmem:s30+$0x8020] =	vst v3  }
0x53: {  	v3 =	vld [tilespmem:s29+$0xFFFFFF90];
	[tilespmem:s5+$0x8020] =	vst v4  }
0x54: {  	v4 =	vld [tilespmem:s31+$0xFFFFFF90];
	_ =	sdelay $0x2  }
0x55: {  	[tilespmem:s26+$0x8030] =	vst v5  }
0x56: {  	v5 =	vld [tilespmem:s28+$0x0];
	[tilespmem:s30+$0x8030] =	vst v3  }
0x57: {  	v3 =	vld [tilespmem:s29+$0x0];
	[tilespmem:s5+$0x8030] =	vst v4  }
0x58: {  	v4 =	vld [tilespmem:s31+$0x0];
	_ =	sdelay $0x1  }
0x59: {  	[tilespmem:s23+$0x8040] =	vst v2  }
0x5a: {  	v2 =	vld [tilespmem:s24+$0x10];
	[tilespmem:s26+$0x8040] =	vst v5  }
0x5b: {  	v5 =	vld [tilespmem:s28+$0x10];
	[tilespmem:s30+$0x8040] =	vst v3  }
0x5c: {  	v3 =	vld [tilespmem:s29+$0x10];
	[tilespmem:s5+$0x8040] =	vst v4  }
0x5d: {  	v4 =	vld [tilespmem:s31+$0x10]  }
0x5e: {  	[tilespmem:s20+$0x8050] =	vst v1  }
0x5f: {  	v1 =	vld [tilespmem:s21+$0x80];
	[tilespmem:s23+$0x8050] =	vst v2  }
0x60: {  	v2 =	vld [tilespmem:s24+$0x80];
	[tilespmem:s26+$0x8050] =	vst v5  }
0x61: {  	v5 =	vld [tilespmem:s28+$0x80];
	[tilespmem:s30+$0x8050] =	vst v3  }
0x62: {  	v3 =	vld [tilespmem:s29+$0x80];
	[tilespmem:s5+$0x8050] =	vst v4  }
0x63: {  	[tilespmem:s2+$0x8060] =	vst v0;
	v0 =	vld [tilespmem:s31+$0x80]  }
0x64: {  	v63 =	vld [tilespmem:s19+$0x90];
	[tilespmem:s20+$0x8060] =	vst v1  }
0x65: {  	v1 =	vld [tilespmem:s21+$0x90];
	[tilespmem:s23+$0x8060] =	vst v2  }
0x66: {  	v2 =	vld [tilespmem:s24+$0x90];
	[tilespmem:s26+$0x8060] =	vst v5  }
0x67: {  	v5 =	vld [tilespmem:s28+$0x90];
	[tilespmem:s30+$0x8060] =	vst v3  }
0x68: {  	v3 =	vld [tilespmem:s29+$0x90];
	[tilespmem:s5+$0x8060] =	vst v0  }
0x69: {  	[tilespmem:s2+$0x8070] =	vst v63;
	v0 =	vld [tilespmem:s31+$0x90]  }
0x6a: {  	[tilespmem:s20+$0x8070] =	vst v1  }
0x6b: {  	[tilespmem:s23+$0x8070] =	vst v2  }
0x6c: {  	[tilespmem:s26+$0x8070] =	vst v5  }
0x6d: {  	[tilespmem:s30+$0x8070] =	vst v3  }
0x6e: {  	s31 =	simm.s32 $0x0;
	[tilespmem:s5+$0x8070] =	vst v0  }
0x6f: {  	v0 =	vld [tilespmem:s31+$0xA000];
	_ =	sdelay $0x4  }
0x70: {  	v1 =	vshll.u32 v0, $0x7  }
0x71: {  	s5 =	simm.s32 $0xB420;
	v0 =	vadd.s32 $0xFFFFFF80, v1  }
0x72: {  	s8 =	simm.s32 $0x10;
	[tilespmem:s5+$0x0] =	vst v0;
	v0 =	vadd.s32 $0xFFFFFF00, v1  }
0x73: {  	[tilespmem:s5+$0xFFFFFFF0] =	vst v0;
	v0 =	vld [tilespmem:s8+$0xA000];
	_ =	sdelay $0x2  }
0x74: {  	v2 =	vadd.s32 $0xFFFFFE80, v1;
	[tilespmem:s5+$0x10] =	vst v1  }
0x75: {  	s7 =	simm.s32 $0x80;
	s2 =	simm.s32 $0x0;
	[tilespmem:s5+$0xFFFFFFE0] =	vst v2  }
.LBB2_4:
0x76: {  	s8 =	sshra.s32 s7, $0x2;
	p0 =	sne.s32 s7, $0xFC0;
	s7 =	sadd.s32 $0x40, s7;
	v1 =	vshll.u32 v0, $0x7  }
.Ltmp1:
0x77: {  	s5 =	sadd.s32 $0x40, s5;
	v0 =	vld [tilespmem:s8+$0xA000];
	v2 =	vadd.s32 $0xFFFFFE80, v1;
	v3 =	vadd.s32 $0xFFFFFF00, v1;
	v4 =	vadd.s32 $0xFFFFFF80, v1;
	(pc) =	sbr.rel @p0 .LBB2_4-.Ltmp1, $4  }
0x78: {  	[tilespmem:s5+$0x0] =	vst v4  }
0x79: {  	[tilespmem:s5+$0xFFFFFFE0] =	vst v2  }
0x7a: {  	[tilespmem:s5+$0xFFFFFFF0] =	vst v3  }
0x7b: {  	[tilespmem:s5+$0x10] =	vst v1  }
0x7c: {  	v0 =	vshll.u32 v0, $0x7;
	s5 =	sadd.s32 $0x40, s5  }
0x7d: {  	v1 =	vadd.s32 $0xFFFFFF80, v0;
	[tilespmem:s5+$0x10] =	vst v0  }
0x7e: {  	v2 =	vadd.s32 $0xFFFFFE80, v0;
	[tilespmem:s5+$0x0] =	vst v1  }
0x7f: {  	s20 =	simm.s32 $0x0;
	s26 =	simm.s32 $0xC400;
	s28 =	simm.s32 $0xE400;
	v63 =	vadd.s32 $0xFFFFFF00, v0;
	[tilespmem:s5+$0xFFFFFFE0] =	vst v2  }
0x80: {  	s29 =	simm.s32 $0x10400;
	s30 =	simm.s32 $0x12400;
	s31 =	simm.s32 $0x14400;
	[tilespmem:s5+$0xFFFFFFF0] =	vst v63  }
.LBB2_6:
0x81: {  	s5 =	sshll.u32 s20, $0x6  }
0x82: {  	s7 =	sand.u32 $0x3FFFFFC0, s5  }
0x83: {  	v4 =	vld [tilespmem:s7+$0xB430]  }
0x84: {  	v5 =	vld [tilespmem:s7+$0xB420]  }
0x85: {  	v8 =	vld [tilespmem:s7+$0xB400]  }
0x86: {  	s8 =	sshll.u32 s20, $0x4;
	v7 =	vld [tilespmem:s7+$0xB410]  }
0x87: {  	s5 =	sand.u32 $0x3FFFFE00, s5;
	s7 =	sand.u32 $0x70, s8;
	s8 =	simm.s32 $0x0  }
0x88: {  	s5 =	sor.u32 s7, s5;
	v10 =	vadd.s32 s8, v4  }
0x89: {  	v2 =	vld [tilespmem:s5+$0xA400];
	v6 =	vadd.s32 s8, v5  }
0x8a: {  	v3 =	vld [tilespmem:s5+$0xA480];
	v11 =	vadd.s32 s8, v8  }
0x8b: {  	v1 =	vld [tilespmem:s5+$0xA500];
	v14 =	vadd.s32 s8, v7  }
0x8c: {  	v0 =	vld [tilespmem:s5+$0xA580];
	v9 =	vadd.s32 $0x60, v10  }
0x8d: {  	v12 =	vadd.s32 $0x60, v6;
	v15 =	vld.idx.msk [tilespmem:v10+s25+$0x0], $0xffff  }
0x8e: {  	s19 =	simm.s32 $0x1;
	v13 =	vadd.s32 $0x60, v11;
	v17 =	vld.idx.msk [tilespmem:v6+s25+$0x0], $0xffff  }
0x8f: {  	v20 =	vadd.s32 s19, v8;
	v16 =	vadd.s32 $0x60, v14;
	v18 =	vld.idx.msk [tilespmem:v11+s25+$0x0], $0xffff  }
0x90: {  	v22 =	vadd.s32 s19, v7;
	v19 =	vadd.s32 $0x60, v20;
	v21 =	vld.idx.msk [tilespmem:v14+s25+$0x0], $0xffff  }
0x91: {  	v23 =	vld.idx.msk [tilespmem:v9+s25+$0x0], $0xffff;
	v9 =	vadd.s32 $0x60, v22  }
0x92: {  	v25 =	vadd.s32 s19, v5;
	v12 =	vld.idx.msk [tilespmem:v12+s25+$0x0], $0xffff  }
0x93: {  	v26 =	vadd.s32 $0x60, v25;
	v13 =	vld.idx.msk [tilespmem:v13+s25+$0x0], $0xffff  }
0x94: {  	v28 =	vadd.s32 s19, v4;
	v24 =	vadd.s32 $0x20, v10;
	v16 =	vld.idx.msk [tilespmem:v16+s25+$0x0], $0xffff  }
0x95: {  	v29 =	vadd.s32 $0x60, v28;
	v19 =	vld.idx.msk [tilespmem:v19+s25+$0x0], $0xffff  }
0x96: {  	v27 =	vadd.s32 $0x20, v6;
	v31 =	vld.idx.msk [tilespmem:v9+s25+$0x0], $0xffff  }
0x97: {  	v36 =	vadd.s32 $0x40, v20;
	v60 =	vld.idx.msk [tilespmem:v25+s25+$0x0], $0xffff  }
0x98: {  	v30 =	vadd.s32 $0x40, v6;
	v32 =	vadd.s32 $0x20, v11;
	v11 =	vadd.s32 $0x40, v11;
	v26 =	vld.idx.msk [tilespmem:v26+s25+$0x0], $0xffff  }
0x99: {  	v33 =	vadd.s32 $0x20, v14;
	v38 =	vadd.s32 $0x40, v22;
	v24 =	vld.idx.msk [tilespmem:v24+s25+$0x0], $0xffff;
	v34 =	vmul.f32 v13, v2  }
0x9a: {  	v51 =	vadd.s32 $0x40, v25;
	v29 =	vld.idx.msk [tilespmem:v29+s25+$0x0], $0xffff;
	v35 =	vmul.f32 v12, v1;
	v37 =	vmul.f32 v16, v3  }
0x9b: {  	v40 =	vadd.s32 $0x40, v28;
	v27 =	vld.idx.msk [tilespmem:v27+s25+$0x0], $0xffff;
	v13 =	vmul.f32 v19, v2;
	v12 =	vmul.f32 v31, v3  }
0x9c: {  	v56 =	vadd.s32 $0x20, v28;
	v14 =	vadd.s32 $0x40, v14;
	v36 =	vld.idx.msk [tilespmem:v36+s25+$0x0], $0xffff;
	v19 =	vadd.f32 v37, v34  }
0x9d: {  	v57 =	vadd.s32 $0x20, v25;
	v11 =	vld.idx.msk [tilespmem:v11+s25+$0x0], $0xffff;
	v16 =	vmul.f32 v26, v1;
	v39 =	vadd.f32 v12, v13  }
0x9e: {  	v59 =	vadd.s32 $0x20, v20;
	v23 =	vmul.f32 v23, v0;
	v26 =	vld.idx.msk [tilespmem:v33+s25+$0x0], $0xffff;
	v52 =	vadd.f32 v35, v19  }
0x9f: {  	v10 =	vadd.s32 $0x40, v10;
	v19 =	vmul.f32 v29, v0;
	v31 =	vld.idx.msk [tilespmem:v32+s25+$0x0], $0xffff;
	v39 =	vadd.f32 v16, v39  }
0xa0: {  	v15 =	vmul.f32 v15, v23;
	v24 =	vmul.f32 v24, v23;
	v29 =	vld.idx.msk [tilespmem:v38+s25+$0x0], $0xffff;
	v33 =	vadd.f32 v23, v52  }
0xa1: {  	v53 =	vld.idx.msk [tilespmem:v14+s25+$0x0], $0xffff;
	v17 =	vmul.f32 v17, v35;
	v27 =	vmul.f32 v27, v35;
	v14 =	vadd.f32 v19, v39  }
0xa2: {  	s21 =	simm.s32 $0x2;
	v61 =	vadd.s32 $0x20, v22;
	v41 =	vmul.f32 v18, v34;
	v32 =	vld.idx.msk [tilespmem:v51+s25+$0x0], $0xffff;
	(erf) = vrcp.f32 v33  }
0xa3: {  	v6 =	vadd.s32 s21, v4;
	v30 =	vld.idx.msk [tilespmem:v30+s25+$0x0], $0xffff;
	v21 =	vmul.f32 v21, v37;
	(erf) = vrcp.f32 v14  }
0xa4: {  	v54 =	vld.idx.msk [tilespmem:v40+s25+$0x0], $0xffff;
	v9 =	vadd.s32 s21, v5;
	v26 =	vmul.f32 v26, v37;
	v31 =	vmul.f32 v31, v34  }
0xa5: {  	v25 =	vadd.s32 $0x60, v6;
	v55 =	vld.idx.msk [tilespmem:v10+s25+$0x0], $0xffff;
	v36 =	vmul.f32 v36, v13;
	v29 =	vmul.f32 v29, v12  }
0xa6: {  	v58 =	vld.idx.msk [tilespmem:v28+s25+$0x0], $0xffff;
	v21 =	vadd.f32 v21, v41;
	v34 =	vmul.f32 v11, v34;
	v26 =	vadd.f32 v26, v31  }
0xa7: {  	v28 =	vld.idx.msk [tilespmem:v20+s25+$0x0], $0xffff;
	v32 =	vmul.f32 v32, v16;
	v29 =	vadd.f32 v29, v36;
	v31 =	vmul.f32 v53, v37  }
0xa8: {  	v30 =	vmul.f32 v30, v35;
	v35 =	vld.idx.msk [tilespmem:v61+s25+$0x0], $0xffff;
	v17 =	vadd.f32 v17, v21;
	v20 =	vadd.f32 v27, v26  }
0xa9: {  	v10 =	vld.idx.msk [tilespmem:v9+s25+$0x0], $0xffff;
	v21 =	vadd.f32 v32, v29;
	v29 =	vmul.f32 v54, v19;
	v31 =	vadd.f32 v31, v34  }
0xaa: {  	s23 =	sshll.u32 s20, $0x9;
	s24 =	sand.u32 $0x7, s2;
	v18 =	vadd.s32 s21, v8;
	v15 =	vadd.f32 v15, v17;
	v17 =	vmul.f32 v55, v23;
	v11 =	vld.idx.msk [tilespmem:v6+s25+$0x0], $0xffff  }
0xab: {  	s7 =	sshll.u32 s24, $0x6;
	s5 =	sand.u32 $0xFFFFF000, s23;
	v14 =	vadd.s32 s21, v7;
	v27 =	vadd.f32 v30, v31;
	v30 =	vld.idx.msk [tilespmem:v22+s25+$0x0], $0xffff;
	v22 =	vadd.f32 v29, v21;
	v23 =	vpop (erf)  }
0xac: {  	s5 =	sor.u32 s7, s5;
	v33 =	vadd.s32 $0x60, v9;
	v36 =	vmul.f32 v60, v16;
	v32 =	vld.idx.msk [tilespmem:v59+s25+$0x0], $0xffff;
	v24 =	vadd.f32 v24, v20;
	v20 =	vpop (erf)  }
0xad: {  	s5 =	sshrl.u32 s5, $0x2;
	v26 =	vld.idx.msk [tilespmem:v56+s25+$0x0], $0xffff;
	v34 =	vadd.s32 $0x60, v14;
	v62 =	vadd.f32 v17, v27;
	v63 =	vmul.f32 v22, v20  }
0xae: {  	s19 =	simm.s32 $0x3;
	s21 =	sadd.s32 $0x10480, s5;
	v31 =	vadd.s32 $0x60, v18;
	v29 =	vld.idx.msk [tilespmem:v57+s25+$0x0], $0xffff;
	v21 =	vmul.f32 v23, v15;
	v27 =	vmul.f32 v58, v19  }
0xaf: {  	s23 =	simm.s32 $0x4;
	v17 =	vld.idx.msk [tilespmem:v18+s25+$0x0], $0xffff;
	v15 =	vadd.s32 s19, v8;
	v22 =	vmul.f32 v24, v23;
	v23 =	vmul.f32 v62, v23;
	[tilespmem:s21+$0x0] =	vst v63  }
.LBB2_7:
0xb0: {  	p0 =	slt.u32 s23, $0x6;
	v37 =	vld.idx.msk [tilespmem:v14+s25+$0x0], $0xffff;
	v24 =	vadd.s32 s19, v7;
	v38 =	vadd.s32 $0x60, v15;
	[tilespmem:s21+$0xFFFFBF80] =	vst v21;
	v21 =	vmul.f32 v28, v13  }
0xb1: {  	v25 =	vld.idx.msk [tilespmem:v25+s25+$0x0], $0xffff;
	v28 =	vadd.s32 $0x60, v24;
	[tilespmem:s21+$0xFFFFDF80] =	vst v22;
	v22 =	vmul.f32 v30, v12  }
0xb2: {  	v39 =	vadd.s32 s19, v5;
	v19 =	vmul.f32 v26, v19;
	v30 =	vld.idx.msk [tilespmem:v33+s25+$0x0], $0xffff;
	v33 =	vadd.s32 $0x20, v6;
	[tilespmem:s21+$0xFFFFFF80] =	vst v23  }
0xb3: {  	v26 =	vadd.s32 $0x60, v39;
	v16 =	vmul.f32 v29, v16;
	v23 =	vld.idx.msk [tilespmem:v31+s25+$0x0], $0xffff;
	v21 =	vadd.f32 v22, v21  }
0xb4: {  	v29 =	vadd.s32 $0x20, v9;
	v31 =	vadd.s32 s19, v4;
	v13 =	vmul.f32 v32, v13;
	v22 =	vld.idx.msk [tilespmem:v34+s25+$0x0], $0xffff  }
0xb5: {  	v34 =	vadd.s32 $0x60, v31;
	v12 =	vmul.f32 v35, v12;
	v32 =	vld.idx.msk [tilespmem:v38+s25+$0x0], $0xffff;
	v21 =	vadd.f32 v36, v21  }
0xb6: {  	v35 =	vadd.s32 s23, v4;
	v36 =	vadd.s32 $0x40, v9;
	v28 =	vld.idx.msk [tilespmem:v28+s25+$0x0], $0xffff  }
0xb7: {  	v38 =	vadd.s32 $0x20, v18;
	v12 =	vadd.f32 v12, v13;
	v33 =	vld.idx.msk [tilespmem:v33+s25+$0x0], $0xffff;
	v13 =	vadd.f32 v27, v21  }
0xb8: {  	v9 =	vadd.s32 s23, v5;
	v18 =	vadd.s32 $0x40, v18;
	v21 =	vadd.s32 $0x20, v14;
	v26 =	vld.idx.msk [tilespmem:v26+s25+$0x0], $0xffff  }
0xb9: {  	v12 =	vadd.f32 v16, v12;
	v27 =	vld.idx.msk [tilespmem:v29+s25+$0x0], $0xffff;
	v29 =	vmul.f32 v25, v0;
	v13 =	vmul.f32 v20, v13  }
0xba: {  	v23 =	vmul.f32 v23, v2;
	v25 =	vmul.f32 v30, v1;
	v30 =	vadd.s32 $0x40, v15;
	v34 =	vld.idx.msk [tilespmem:v34+s25+$0x0], $0xffff  }
0xbb: {  	v40 =	vadd.s32 $0x40, v24;
	v22 =	vmul.f32 v22, v3;
	v16 =	vadd.f32 v19, v12;
	v36 =	vld.idx.msk [tilespmem:v36+s25+$0x0], $0xffff;
	[tilespmem:s21+$0xFFFFC000] =	vst v13  }
0xbc: {  	v14 =	vadd.s32 $0x40, v14;
	v13 =	vmul.f32 v32, v2;
	v12 =	vmul.f32 v28, v3;
	v38 =	vld.idx.msk [tilespmem:v38+s25+$0x0], $0xffff  }
0xbd: {  	v32 =	vadd.s32 $0x40, v39;
	v19 =	vmul.f32 v16, v20;
	v28 =	vld.idx.msk [tilespmem:v18+s25+$0x0], $0xffff;
	v18 =	vadd.f32 v22, v23  }
0xbe: {  	v41 =	vadd.f32 v12, v13;
	v16 =	vmul.f32 v26, v1;
	v20 =	vld.idx.msk [tilespmem:v21+s25+$0x0], $0xffff;
	v21 =	vadd.s32 $0x40, v6;
	v6 =	vmovc v35  }
0xbf: {  	v26 =	vmul.f32 v11, v29;
	v11 =	vadd.s32 $0x40, v31;
	v18 =	vadd.f32 v25, v18;
	v30 =	vld.idx.msk [tilespmem:v30+s25+$0x0], $0xffff;
	[tilespmem:s21+$0xFFFFE000] =	vst v19  }
0xc0: {  	v35 =	vmul.f32 v33, v29;
	v19 =	vmul.f32 v34, v0;
	v33 =	vld.idx.msk [tilespmem:v40+s25+$0x0], $0xffff;
	v40 =	vadd.f32 v16, v41  }
0xc1: {  	v27 =	vmul.f32 v27, v25;
	v41 =	vmul.f32 v10, v25;
	v34 =	vld.idx.msk [tilespmem:v14+s25+$0x0], $0xffff;
	v10 =	vadd.f32 v29, v18  }
0xc2: {  	v17 =	vmul.f32 v17, v23;
	v36 =	vmul.f32 v36, v25;
	v32 =	vld.idx.msk [tilespmem:v32+s25+$0x0], $0xffff;
	v14 =	vadd.f32 v19, v40  }
0xc3: {  	v18 =	vadd.s32 s23, v8;
	v38 =	vmul.f32 v38, v23;
	(erf) = vrcp.f32 v10  }
0xc4: {  	v23 =	vmul.f32 v28, v23;
	v28 =	vld.idx.msk [tilespmem:v11+s25+$0x0], $0xffff;
	(erf) = vrcp.f32 v14  }
0xc5: {  	v37 =	vmul.f32 v37, v22;
	v20 =	vmul.f32 v20, v22;
	v14 =	vadd.s32 s23, v7;
	v11 =	vld.idx.msk [tilespmem:v6+s25+$0x0], $0xffff  }
0xc6: {  	v25 =	vadd.s32 $0x60, v6;
	v30 =	vmul.f32 v30, v13;
	v33 =	vmul.f32 v33, v12;
	v21 =	vld.idx.msk [tilespmem:v21+s25+$0x0], $0xffff  }
0xc7: {  	v37 =	vadd.f32 v37, v17;
	v20 =	vadd.f32 v20, v38;
	v22 =	vmul.f32 v34, v22;
	v10 =	vld.idx.msk [tilespmem:v9+s25+$0x0], $0xffff  }
0xc8: {  	v34 =	vadd.s32 $0x20, v31;
	v30 =	vadd.f32 v33, v30;
	v32 =	vmul.f32 v32, v16;
	v17 =	vld.idx.msk [tilespmem:v18+s25+$0x0], $0xffff  }
0xc9: {  	v22 =	vadd.f32 v22, v23;
	v23 =	vadd.f32 v41, v37;
	v37 =	vadd.s32 $0x20, v39;
	v38 =	vld.idx.msk [tilespmem:v31+s25+$0x0], $0xffff  }
0xca: {  	v40 =	vadd.s32 $0x20, v15;
	v31 =	vadd.f32 v32, v30;
	v32 =	vmul.f32 v28, v19;
	v39 =	vld.idx.msk [tilespmem:v39+s25+$0x0], $0xffff  }
0xcb: {  	v41 =	vadd.f32 v27, v20;
	v22 =	vadd.f32 v36, v22;
	v36 =	vadd.s32 $0x20, v24;
	v28 =	vld.idx.msk [tilespmem:v15+s25+$0x0], $0xffff  }
.Ltmp2:
0xcc: {  	v15 =	vadd.f32 v26, v23;
	v21 =	vmul.f32 v21, v29;
	v23 =	vadd.f32 v32, v31;
	v30 =	vld.idx.msk [tilespmem:v24+s25+$0x0], $0xffff;
	v24 =	vpop (erf);
	(pc) =	sbr.rel @p0 .LBB2_7-.Ltmp2, $4  }
0xcd: {  	v33 =	vadd.s32 $0x60, v9;
	v27 =	vadd.f32 v35, v41;
	v31 =	vadd.s32 $0x60, v18;
	v26 =	vld.idx.msk [tilespmem:v34+s25+$0x0], $0xffff;
	v20 =	vpop (erf)  }
0xce: {  	v35 =	vadd.f32 v21, v22;
	v21 =	vmul.f32 v24, v15;
	v29 =	vld.idx.msk [tilespmem:v37+s25+$0x0], $0xffff;
	v37 =	vmul.f32 v23, v20  }
0xcf: {  	s19 =	sadd.s32 $0x1, s23;
	s21 =	sadd.s32 $0x100, s21;
	v34 =	vadd.s32 $0x60, v14;
	v22 =	vmul.f32 v27, v24;
	v27 =	vmul.f32 v38, v19;
	v32 =	vld.idx.msk [tilespmem:v40+s25+$0x0], $0xffff  }
0xd0: {  	s23 =	sadd.s32 $0x2, s23;
	v15 =	vadd.s32 s19, v8;
	v23 =	vmul.f32 v35, v24;
	v35 =	vld.idx.msk [tilespmem:v36+s25+$0x0], $0xffff;
	v36 =	vmul.f32 v39, v16;
	[tilespmem:s21+$0x0] =	vst v37  }
0xd1: {  	_ =	sdelay $0x3  }
0xd2: {  	v8 =	vld.idx.msk [tilespmem:v14+s25+$0x0], $0xffff;
	v24 =	vadd.s32 $0x60, v15  }
0xd3: {  	v25 =	vld.idx.msk [tilespmem:v25+s25+$0x0], $0xffff;
	v38 =	vadd.s32 $0x20, v6  }
0xd4: {  	v33 =	vld.idx.msk [tilespmem:v33+s25+$0x0], $0xffff;
	v63 =	vadd.s32 $0x20, v9  }
0xd5: {  	v31 =	vld.idx.msk [tilespmem:v31+s25+$0x0], $0xffff;
	v43 =	vadd.s32 $0x40, v9  }
0xd6: {  	v62 =	vld.idx.msk [tilespmem:v34+s25+$0x0], $0xffff;
	v45 =	vadd.s32 $0x20, v18  }
0xd7: {  	v7 =	vadd.s32 s19, v7;
	v28 =	vmul.f32 v28, v13;
	v48 =	vadd.s32 $0x40, v18;
	v24 =	vld.idx.msk [tilespmem:v24+s25+$0x0], $0xffff  }
0xd8: {  	v30 =	vmul.f32 v30, v12;
	v5 =	vadd.s32 s19, v5;
	v50 =	vadd.s32 $0x20, v14;
	v46 =	vld.idx.msk [tilespmem:v38+s25+$0x0], $0xffff  }
0xd9: {  	v4 =	vadd.s32 s19, v4;
	v52 =	vadd.s32 $0x40, v15;
	v54 =	vadd.s32 $0x40, v14;
	v34 =	vld.idx.msk [tilespmem:v63+s25+$0x0], $0xffff  }
0xda: {  	v58 =	vadd.s32 $0x40, v6;
	v37 =	vadd.s32 $0x60, v7;
	v39 =	vadd.s32 $0x60, v5;
	v9 =	vld.idx.msk [tilespmem:v43+s25+$0x0], $0xffff  }
0xdb: {  	v42 =	vadd.s32 $0x60, v4;
	v19 =	vmul.f32 v26, v19;
	v40 =	vmul.f32 v32, v13;
	v13 =	vld.idx.msk [tilespmem:v45+s25+$0x0], $0xffff  }
0xdc: {  	v53 =	vadd.s32 $0x40, v7;
	v56 =	vadd.s32 $0x40, v5;
	v28 =	vadd.f32 v30, v28;
	v18 =	vld.idx.msk [tilespmem:v48+s25+$0x0], $0xffff  }
0xdd: {  	v59 =	vadd.s32 $0x40, v4;
	v16 =	vmul.f32 v29, v16;
	v41 =	vmul.f32 v35, v12;
	v57 =	vld.idx.msk [tilespmem:v50+s25+$0x0], $0xffff  }
0xde: {  	v28 =	vadd.f32 v36, v28;
	v25 =	vmul.f32 v25, v0;
	v51 =	vmul.f32 v31, v2;
	v61 =	vld.idx.msk [tilespmem:v52+s25+$0x0], $0xffff  }
0xdf: {  	v33 =	vmul.f32 v33, v1;
	v30 =	vmul.f32 v62, v3;
	v43 =	vadd.s32 $0x20, v5;
	v44 =	vld.idx.msk [tilespmem:v37+s25+$0x0], $0xffff  }
0xe0: {  	v12 =	vadd.f32 v41, v40;
	v47 =	vadd.f32 v27, v28;
	v49 =	vld.idx.msk [tilespmem:v39+s25+$0x0], $0xffff;
	v41 =	vadd.s32 $0x20, v15  }
0xe1: {  	v32 =	vld.idx.msk [tilespmem:v42+s25+$0x0], $0xffff;
	v42 =	vadd.s32 $0x20, v7;
	v55 =	vadd.f32 v30, v51;
	v11 =	vmul.f32 v11, v25  }
0xe2: {  	v14 =	vld.idx.msk [tilespmem:v54+s25+$0x0], $0xffff;
	v10 =	vmul.f32 v10, v33;
	v17 =	vmul.f32 v17, v51;
	v12 =	vadd.f32 v16, v12  }
0xe3: {  	v6 =	vld.idx.msk [tilespmem:v58+s25+$0x0], $0xffff;
	v8 =	vmul.f32 v8, v30;
	v16 =	vmul.f32 v20, v47;
	v47 =	vadd.s32 $0x20, v4  }
0xe4: {  	v5 =	vld.idx.msk [tilespmem:v5+s25+$0x0], $0xffff;
	v12 =	vadd.f32 v19, v12;
	v2 =	vmul.f32 v24, v2;
	v3 =	vmul.f32 v44, v3  }
0xe5: {  	v62 =	vld.idx.msk [tilespmem:v53+s25+$0x0], $0xffff;
	v19 =	vadd.f32 v33, v55;
	v29 =	vmul.f32 v46, v25;
	v34 =	vmul.f32 v34, v33  }
0xe6: {  	v28 =	vld.idx.msk [tilespmem:v59+s25+$0x0], $0xffff;
	v13 =	vmul.f32 v13, v51;
	v60 =	vmul.f32 v49, v1;
	v35 =	vadd.f32 v3, v2  }
0xe7: {  	v7 =	vld.idx.msk [tilespmem:v7+s25+$0x0], $0xffff;
	v18 =	vmul.f32 v18, v51;
	v14 =	vmul.f32 v14, v30;
	v19 =	vadd.f32 v25, v19  }
0xe8: {  	v24 =	vld.idx.msk [tilespmem:v56+s25+$0x0], $0xffff;
	v9 =	vmul.f32 v9, v33;
	v63 =	vmul.f32 v32, v0;
	v40 =	vadd.f32 v60, v35  }
0xe9: {  	v8 =	vadd.f32 v8, v17;
	v6 =	vmul.f32 v6, v25;
	v44 =	vld.idx.msk [tilespmem:v15+s25+$0x0], $0xffff;
	(erf) = vrcp.f32 v19  }
0xea: {  	v48 =	vld.idx.msk [tilespmem:v41+s25+$0x0], $0xffff;
	v12 =	vmul.f32 v12, v20;
	v45 =	vmul.f32 v61, v2;
	v32 =	vadd.f32 v63, v40  }
0xeb: {  	v50 =	vld.idx.msk [tilespmem:v42+s25+$0x0], $0xffff;
	v8 =	vadd.f32 v10, v8;
	v20 =	vmul.f32 v57, v30;
	v46 =	vmul.f32 v62, v3  }
0xec: {  	v4 =	vld.idx.msk [tilespmem:v4+s25+$0x0], $0xffff;
	v14 =	vadd.f32 v14, v18;
	v52 =	vmul.f32 v28, v63;
	(erf) = vrcp.f32 v32  }
0xed: {  	v53 =	vld.idx.msk [tilespmem:v43+s25+$0x0], $0xffff;
	v8 =	vadd.f32 v11, v8;
	v7 =	vmul.f32 v7, v3;
	v13 =	vadd.f32 v20, v13  }
0xee: {  	v54 =	vld.idx.msk [tilespmem:v47+s25+$0x0], $0xffff;
	v5 =	vmul.f32 v5, v60;
	v9 =	vadd.f32 v9, v14;
	v49 =	vadd.f32 v46, v45  }
0xef: {  	v24 =	vmul.f32 v24, v60;
	v13 =	vadd.f32 v34, v13;
	v55 =	vmul.f32 v44, v2  }
0xf0: {  	[tilespmem:s21+$0xFFFFBF80] =	vst v21;
	v2 =	vmul.f32 v48, v2;
	v3 =	vmul.f32 v50, v3;
	v6 =	vadd.f32 v6, v9  }
0xf1: {  	[tilespmem:s21+$0xFFFFDF80] =	vst v22;
	v4 =	vmul.f32 v4, v63;
	v51 =	vadd.f32 v24, v49;
	v7 =	vadd.f32 v7, v55  }
0xf2: {  	[tilespmem:s21+$0xFFFFFF80] =	vst v23;
	v1 =	vmul.f32 v53, v60;
	v13 =	vadd.f32 v29, v13;
	v2 =	vadd.f32 v3, v2;
	v56 =	vpop (erf)  }
0xf3: {  	[tilespmem:s21+$0xFFFFC000] =	vst v16;
	v0 =	vmul.f32 v54, v63;
	v5 =	vadd.f32 v5, v7;
	v59 =	vmul.f32 v56, v8  }
0xf4: {  	s5 =	sadd.s32 $0x100, s21;
	s20 =	sadd.s32 $0x1, s20;
	[tilespmem:s21+$0xFFFFE000] =	vst v12;
	v10 =	vadd.f32 v52, v51;
	v1 =	vadd.f32 v1, v2;
	v60 =	vmul.f32 v13, v56  }
0xf5: {  	p0 =	sne.s32 s20, $0x40;
	v61 =	vadd.f32 v4, v5;
	v62 =	vmul.f32 v6, v56;
	[tilespmem:s5+$0xFFFFBF80] =	vst v59;
	v57 =	vpop (erf)  }
.Ltmp3:
0xf6: {  	v0 =	vadd.f32 v0, v1;
	[tilespmem:s5+$0xFFFFDF80] =	vst v60;
	v58 =	vmul.f32 v10, v57;
	(pc) =	sbr.rel @p0 .LBB2_6-.Ltmp3, $4  }
0xf7: {  	[tilespmem:s5+$0xFFFFFF80] =	vst v62;
	v63 =	vmul.f32 v57, v61  }
0xf8: {  	v0 =	vmul.f32 v0, v57;
	[tilespmem:s5+$0x0] =	vst v58  }
0xf9: {  	[tilespmem:s5+$0xFFFFC000] =	vst v63  }
0xfa: {  	s2 =	sadd.s32 $0x1, s2;
	[tilespmem:s5+$0xFFFFE000] =	vst v0  }
0xfb: {  	s2 =	simm.s32 $0x0  }
0xfc: {  	[hbm4b:s6+s2] =	stream.linear.scatter [tilespmem:s26], [sflag:$0x1], $0x2000, $0x38;
	[tilespmem:$0x18400] =	vst v63  }
0xfd: {  	s5 =	rddreg [dreg:$0x6]  }
0xfe: {  	[hbm4b:s5+s2] =	stream.linear.scatter [tilespmem:s28], [sflag:$0x1], $0x2000, $0x38;
	[tilespmem:$0x18400] =	vst v63  }
0xff: {  	s24 =	rddreg [dreg:$0x7];
	s20 =	simm.s32 $0x0  }
0x100: {  	[hbm4b:s24+s2] =	stream.linear.scatter [tilespmem:s29], [sflag:$0x1], $0x2000, $0x38;
	[tilespmem:$0x18400] =	vst v63  }
.LBB2_10:
0x101: {  	s5 =	sshll.u32 s20, $0x6  }
0x102: {  	s7 =	sand.u32 $0x3FFFFFC0, s5  }
0x103: {  	v0 =	vld [tilespmem:s7+$0xB400]  }
0x104: {  	v1 =	vld [tilespmem:s7+$0xB410];
	_ =	sdelay $0x1  }
0x105: {  	s8 =	sshll.u32 s20, $0x4;
	v2 =	vld [tilespmem:s7+$0xB420]  }
0x106: {  	s24 =	simm.s32 $0x8;
	s23 =	sand.u32 $0x70, s8;
	s5 =	sand.u32 $0x3FFFFE00, s5;
	v3 =	vld [tilespmem:s7+$0xB430]  }
0x107: {  	s19 =	simm.s32 $0x9;
	s5 =	sor.u32 s23, s5;
	v8 =	vadd.s32 s24, v0  }
0x108: {  	v4 =	vld [tilespmem:s5+$0xA400];
	v9 =	vadd.s32 s19, v1  }
0x109: {  	v6 =	vld [tilespmem:s5+$0xA480];
	v10 =	vadd.s32 s19, v0  }
0x10a: {  	v5 =	vld [tilespmem:s5+$0xA500];
	v12 =	vadd.s32 s19, v2  }
0x10b: {  	v7 =	vld [tilespmem:s5+$0xA580];
	v13 =	vadd.s32 s19, v3  }
0x10c: {  	v14 =	vadd.s32 s24, v3;
	v15 =	vld.idx.msk [tilespmem:v8+s25+$0x0], $0xffff  }
0x10d: {  	v19 =	vadd.s32 s24, v1;
	v16 =	vld.idx.msk [tilespmem:v9+s25+$0x0], $0xffff  }
0x10e: {  	v33 =	vadd.s32 s24, v2;
	v18 =	vld.idx.msk [tilespmem:v10+s25+$0x0], $0xffff  }
0x10f: {  	v11 =	vadd.s32 $0x20, v13;
	v20 =	vld.idx.msk [tilespmem:v12+s25+$0x0], $0xffff  }
0x110: {  	v17 =	vadd.s32 $0x60, v8;
	v22 =	vld.idx.msk [tilespmem:v13+s25+$0x0], $0xffff  }
0x111: {  	v21 =	vadd.s32 $0x60, v9;
	v23 =	vld.idx.msk [tilespmem:v14+s25+$0x0], $0xffff  }
0x112: {  	v24 =	vadd.s32 $0x40, v9;
	v25 =	vadd.s32 $0x40, v10;
	v28 =	vld.idx.msk [tilespmem:v19+s25+$0x0], $0xffff  }
0x113: {  	v35 =	vadd.s32 $0x60, v33;
	v36 =	vadd.s32 $0x40, v33;
	v37 =	vadd.s32 $0x20, v33;
	v33 =	vld.idx.msk [tilespmem:v33+s25+$0x0], $0xffff  }
0x114: {  	v26 =	vadd.s32 $0x20, v12;
	v11 =	vld.idx.msk [tilespmem:v11+s25+$0x0], $0xffff  }
0x115: {  	v27 =	vadd.s32 $0x20, v8;
	v17 =	vld.idx.msk [tilespmem:v17+s25+$0x0], $0xffff  }
0x116: {  	v29 =	vadd.s32 $0x60, v14;
	v21 =	vld.idx.msk [tilespmem:v21+s25+$0x0], $0xffff  }
0x117: {  	v30 =	vadd.s32 $0x60, v13;
	v24 =	vld.idx.msk [tilespmem:v24+s25+$0x0], $0xffff  }
0x118: {  	v31 =	vadd.s32 $0x60, v12;
	v25 =	vld.idx.msk [tilespmem:v25+s25+$0x0], $0xffff  }
0x119: {  	v32 =	vadd.s32 $0x40, v19;
	v26 =	vld.idx.msk [tilespmem:v26+s25+$0x0], $0xffff  }
0x11a: {  	v34 =	vadd.s32 $0x60, v19;
	v27 =	vld.idx.msk [tilespmem:v27+s25+$0x0], $0xffff  }
0x11b: {  	v29 =	vld.idx.msk [tilespmem:v29+s25+$0x0], $0xffff  }
0x11c: {  	v30 =	vld.idx.msk [tilespmem:v30+s25+$0x0], $0xffff  }
0x11d: {  	v38 =	vadd.s32 $0x60, v10;
	v31 =	vld.idx.msk [tilespmem:v31+s25+$0x0], $0xffff  }
0x11e: {  	v32 =	vld.idx.msk [tilespmem:v32+s25+$0x0], $0xffff  }
0x11f: {  	v9 =	vadd.s32 $0x20, v9;
	v34 =	vld.idx.msk [tilespmem:v34+s25+$0x0], $0xffff  }
0x120: {  	s21 =	simm.s32 $0xB;
	v8 =	vadd.s32 $0x40, v8;
	v35 =	vld.idx.msk [tilespmem:v35+s25+$0x0], $0xffff  }
0x121: {  	v42 =	vadd.s32 s21, v1;
	v13 =	vadd.s32 $0x40, v13;
	v36 =	vld.idx.msk [tilespmem:v36+s25+$0x0], $0xffff  }
0x122: {  	v45 =	vadd.s32 s21, v0;
	v47 =	vadd.s32 s21, v2;
	v19 =	vadd.s32 $0x20, v19;
	v38 =	vld.idx.msk [tilespmem:v38+s25+$0x0], $0xffff  }
0x123: {  	v39 =	vadd.s32 $0x20, v14;
	v10 =	vadd.s32 $0x20, v10;
	v37 =	vld.idx.msk [tilespmem:v37+s25+$0x0], $0xffff;
	v17 =	vmul.f32 v17, v4  }
0x124: {  	v12 =	vadd.s32 $0x40, v12;
	v9 =	vld.idx.msk [tilespmem:v9+s25+$0x0], $0xffff;
	v21 =	vmul.f32 v21, v6;
	v31 =	vmul.f32 v31, v5  }
0x125: {  	v14 =	vadd.s32 $0x40, v14;
	v8 =	vld.idx.msk [tilespmem:v8+s25+$0x0], $0xffff;
	v40 =	vmul.f32 v30, v7;
	v30 =	vmul.f32 v34, v6  }
0x126: {  	s19 =	simm.s32 $0xA;
	v46 =	vadd.s32 s21, v3;
	v13 =	vld.idx.msk [tilespmem:v13+s25+$0x0], $0xffff;
	v29 =	vmul.f32 v29, v7;
	v35 =	vmul.f32 v35, v5  }
0x127: {  	v41 =	vadd.s32 s19, v0;
	v19 =	vld.idx.msk [tilespmem:v19+s25+$0x0], $0xffff;
	v38 =	vmul.f32 v38, v4;
	v15 =	vmul.f32 v15, v17  }
0x128: {  	v44 =	vadd.s32 s19, v1;
	v10 =	vld.idx.msk [tilespmem:v10+s25+$0x0], $0xffff;
	[tilespmem:$0x1FF80] =	vst v1;
	v27 =	vmul.f32 v27, v17;
	v24 =	vmul.f32 v24, v21  }
0x129: {  	v48 =	vadd.s32 $0x20, v46;
	v12 =	vld.idx.msk [tilespmem:v12+s25+$0x0], $0xffff;
	[tilespmem:$0x1FF90] =	vst v0;
	v16 =	vmul.f32 v16, v21;
	v26 =	vmul.f32 v26, v31  }
0x12a: {  	v63 =	vadd.s32 $0x40, v42;
	v14 =	vld.idx.msk [tilespmem:v14+s25+$0x0], $0xffff;
	v20 =	vmul.f32 v20, v31;
	v32 =	vmul.f32 v32, v30  }
0x12b: {  	v61 =	vadd.s32 $0x60, v41;
	v43 =	vmul.f32 v28, v30;
	v28 =	vld.idx.msk [tilespmem:v39+s25+$0x0], $0xffff;
	[tilespmem:$0x1FFA0] =	vst v3;
	v18 =	vmul.f32 v18, v38  }
0x12c: {  	v34 =	vadd.f32 v30, v17;
	v36 =	vmul.f32 v36, v35;
	v49 =	vld.idx.msk [tilespmem:v41+s25+$0x0], $0xffff;
	v8 =	vmul.f32 v8, v17  }
0x12d: {  	v0 =	vld.idx.msk [tilespmem:v47+s25+$0x0], $0xffff;
	v17 =	vadd.s32 s19, v3;
	v19 =	vmul.f32 v19, v30;
	v10 =	vmul.f32 v10, v38  }
0x12e: {  	v51 =	vld.idx.msk [tilespmem:v46+s25+$0x0], $0xffff;
	v30 =	vmul.f32 v9, v21;
	v16 =	vadd.f32 v16, v18;
	v18 =	vadd.s32 $0x60, v42  }
0x12f: {  	v57 =	vld.idx.msk [tilespmem:v48+s25+$0x0], $0xffff;
	v21 =	vadd.f32 v21, v38;
	v12 =	vmul.f32 v12, v31;
	v8 =	vadd.f32 v32, v8  }
0x130: {  	v1 =	vld.idx.msk [tilespmem:v61+s25+$0x0], $0xffff;
	v19 =	vadd.f32 v19, v27;
	v27 =	vmul.f32 v37, v35;
	v62 =	vadd.f32 v30, v10  }
0x131: {  	v52 =	vld.idx.msk [tilespmem:v63+s25+$0x0], $0xffff;
	v10 =	vmul.f32 v14, v29;
	v21 =	vadd.f32 v31, v21;
	v8 =	vadd.f32 v36, v8  }
0x132: {  	v9 =	vld.idx.msk [tilespmem:v45+s25+$0x0], $0xffff;
	v31 =	vadd.s32 $0x20, v47;
	v14 =	vadd.f32 v27, v19;
	v27 =	vmul.f32 v28, v29  }
0x133: {  	v25 =	vmul.f32 v25, v38;
	v32 =	vld.idx.msk [tilespmem:v42+s25+$0x0], $0xffff;
	v30 =	vadd.f32 v10, v8;
	v10 =	vadd.s32 $0x40, v45  }
0x134: {  	v19 =	vld.idx.msk [tilespmem:v17+s25+$0x0], $0xffff;
	v28 =	vadd.f32 v27, v14;
	v14 =	vadd.s32 $0x20, v41  }
0x135: {  	v24 =	vadd.f32 v24, v25;
	v25 =	vadd.s32 $0x60, v17;
	v3 =	vld.idx.msk [tilespmem:v18+s25+$0x0], $0xffff  }
0x136: {  	v56 =	vadd.s32 $0x60, v47;
	v16 =	vadd.f32 v20, v16;
	v20 =	vadd.s32 $0x60, v46;
	v27 =	vld.idx.msk [tilespmem:v44+s25+$0x0], $0xffff  }
0x137: {  	v58 =	vadd.s32 $0x60, v44;
	v22 =	vmul.f32 v22, v40;
	v11 =	vmul.f32 v11, v40;
	v53 =	vld.idx.msk [tilespmem:v31+s25+$0x0], $0xffff  }
0x138: {  	v34 =	vadd.f32 v35, v34;
	v12 =	vadd.f32 v12, v24;
	v24 =	vadd.s32 $0x40, v44;
	v10 =	vld.idx.msk [tilespmem:v10+s25+$0x0], $0xffff;
	[tilespmem:$0x1FFB0] =	vst v2  }
0x139: {  	v16 =	vadd.f32 v22, v16;
	v22 =	vadd.f32 v26, v62;
	v18 =	vadd.s32 s19, v2;
	v14 =	vld.idx.msk [tilespmem:v14+s25+$0x0], $0xffff  }
0x13a: {  	v23 =	vmul.f32 v23, v29;
	v29 =	vadd.f32 v29, v34;
	v59 =	vadd.s32 $0x60, v18;
	v60 =	vld.idx.msk [tilespmem:v25+s25+$0x0], $0xffff  }
0x13b: {  	v39 =	vadd.f32 v11, v22;
	v11 =	vadd.s32 $0x20, v42;
	v20 =	vld.idx.msk [tilespmem:v20+s25+$0x0], $0xffff  }
0x13c: {  	v54 =	vadd.s32 $0x40, v46;
	(erf) = vrcp.f32 v29;
	v41 =	vadd.s32 $0x40, v41;
	v29 =	vld.idx.msk [tilespmem:v56+s25+$0x0], $0xffff  }
0x13d: {  	v15 =	vadd.f32 v43, v15;
	v13 =	vmul.f32 v13, v40;
	v25 =	vadd.s32 $0x40, v18;
	v43 =	vld.idx.msk [tilespmem:v24+s25+$0x0], $0xffff;
	[tilespmem:$0x1FFC0] =	vst v4  }
0x13e: {  	v21 =	vadd.f32 v40, v21;
	v34 =	vadd.s32 $0x20, v45;
	v22 =	vmul.f32 v1, v4;
	v63 =	vld.idx.msk [tilespmem:v58+s25+$0x0], $0xffff  }
0x13f: {  	v62 =	vadd.s32 $0x20, v18;
	v31 =	vmul.f32 v33, v35;
	v26 =	vmul.f32 v3, v6;
	v40 =	vld.idx.msk [tilespmem:v59+s25+$0x0], $0xffff  }
0x140: {  	v36 =	vadd.f32 v13, v12;
	v13 =	vadd.s32 $0x60, v45;
	(erf) = vrcp.f32 v21;
	v33 =	vld.idx.msk [tilespmem:v11+s25+$0x0], $0xffff  }
0x141: {  	s23 =	sshll.u32 s20, $0x9;
	s24 =	sand.u32 $0x7, s2;
	v50 =	vmul.f32 v49, v22;
	v61 =	vadd.f32 v31, v15;
	v15 =	vmul.f32 v52, v26;
	v35 =	vld.idx.msk [tilespmem:v41+s25+$0x0], $0xffff  }
0x142: {  	s5 =	sand.u32 $0xFFFFF000, s23;
	s7 =	sshll.u32 s24, $0x6;
	v31 =	vadd.s32 $0x20, v44;
	v32 =	vmul.f32 v32, v26;
	v24 =	vmul.f32 v14, v22;
	v44 =	vld.idx.msk [tilespmem:v25+s25+$0x0], $0xffff;
	[tilespmem:$0x1FFD0] =	vst v5  }
0x143: {  	s5 =	sor.u32 s7, s5;
	v45 =	vadd.s32 $0x40, v47;
	v11 =	vmul.f32 v20, v7;
	v21 =	vmul.f32 v29, v5;
	[tilespmem:$0x1FFE0] =	vst v7  }
0x144: {  	s5 =	sshrl.u32 s5, $0x2;
	v25 =	vadd.s32 $0x20, v17;
	v20 =	vmul.f32 v60, v7;
	v42 =	vld.idx.msk [tilespmem:v62+s25+$0x0], $0xffff;
	[tilespmem:$0x1FFF0] =	vst v6;
	v37 =	vmul.f32 v63, v6  }
0x145: {  	s23 =	sadd.s32 $0x12400, s5;
	v29 =	vadd.s32 $0x40, v17;
	v14 =	vmul.f32 v51, v11;
	v46 =	vld.idx.msk [tilespmem:v13+s25+$0x0], $0xffff;
	v17 =	vmul.f32 v53, v21  }
0x146: {  	s24 =	simm.s32 $0x2;
	s21 =	sadd.s32 $0x100, s23;
	v38 =	vadd.f32 v23, v61;
	v13 =	vmul.f32 v19, v20;
	v23 =	vmul.f32 v0, v21;
	v19 =	vld.idx.msk [tilespmem:v54+s25+$0x0], $0xffff  }
.LBB2_11:
0x147: {  	v12 =	vld [tilespmem:$0x1FFD0]  }
0x148: {  	v0 =	vld.idx.msk [tilespmem:v18+s25+$0x0], $0xffff  }
0x149: {  	v7 =	vld [tilespmem:$0x1FF90]  }
0x14a: {  	v1 =	vld [tilespmem:$0x1FF80]  }
0x14b: {  	v51 =	vld.idx.msk [tilespmem:v31+s25+$0x0], $0xffff  }
0x14c: {  	v45 =	vld.idx.msk [tilespmem:v45+s25+$0x0], $0xffff  }
0x14d: {  	s5 =	sadd.s32 $0xA, s24;
	v34 =	vld.idx.msk [tilespmem:v34+s25+$0x0], $0xffff  }
0x14e: {  	s7 =	sadd.s32 $0xB, s24;
	v5 =	vmov v50;
	v50 =	vmov v10;
	v10 =	vld.idx.msk [tilespmem:v25+s25+$0x0], $0xffff;
	v48 =	vadd.s32 s5, v7  }
0x14f: {  	[tilespmem:$0x1FF50] =	vst v0;
	v52 =	vadd.s32 s7, v1;
	v0 =	vld [tilespmem:$0x1FFB0];
	v18 =	vpop (erf)  }
0x150: {  	v49 =	vadd.s32 s5, v1;
	v53 =	vadd.s32 s7, v7;
	v1 =	vld [tilespmem:$0x1FFA0];
	v30 =	vmul.f32 v30, v18  }
0x151: {  	v60 =	vld.idx.msk [tilespmem:v29+s25+$0x0], $0xffff;
	v47 =	vadd.f32 v37, v22;
	v62 =	vadd.s32 $0x20, v48;
	v25 =	vmul.f32 v18, v38  }
0x152: {  	v2 =	vld [tilespmem:$0x1FFC0];
	v22 =	vmul.f32 v35, v22;
	v35 =	vmul.f32 v51, v37;
	v51 =	vadd.s32 $0x40, v49;
	[tilespmem:s23+$0x4000] =	vst v30  }
0x153: {  	v61 =	vld.idx.msk [tilespmem:v48+s25+$0x0], $0xffff;
	[tilespmem:s23+$0x0] =	vst v25;
	v25 =	vmul.f32 v28, v18  }
0x154: {  	v55 =	vadd.s32 s7, v0;
	v63 =	vld.idx.msk [tilespmem:v52+s25+$0x0], $0xffff  }
0x155: {  	v43 =	vmul.f32 v43, v37;
	v56 =	vadd.s32 s7, v1;
	v30 =	vadd.s32 s5, v1;
	v1 =	vld.idx.msk [tilespmem:v53+s25+$0x0], $0xffff;
	[tilespmem:s23+$0x2000] =	vst v25  }
0x156: {  	v24 =	vadd.f32 v35, v24;
	v35 =	vld.idx.msk [tilespmem:v62+s25+$0x0], $0xffff  }
0x157: {  	v41 =	vmul.f32 v27, v37;
	v22 =	vadd.f32 v43, v22;
	v28 =	vpop (erf);
	v59 =	vadd.s32 $0x20, v56;
	v43 =	vld.idx.msk [tilespmem:v51+s25+$0x0], $0xffff  }
0x158: {  	v27 =	vadd.s32 $0x60, v48;
	v38 =	vadd.s32 $0x40, v56;
	v29 =	vmul.f32 v39, v28;
	v51 =	vld [tilespmem:$0x1FFF0]  }
0x159: {  	[tilespmem:$0x1FF60] =	vst v38;
	v38 =	vld.idx.msk [tilespmem:v55+s25+$0x0], $0xffff  }
0x15a: {  	v40 =	vmul.f32 v40, v12;
	v18 =	vadd.s32 s5, v0;
	v0 =	vadd.s32 $0x60, v30;
	[tilespmem:s23+$0x2080] =	vst v29;
	v6 =	vld.idx.msk [tilespmem:v30+s25+$0x0], $0xffff  }
0x15b: {  	v58 =	vadd.s32 $0x60, v56;
	v36 =	vmul.f32 v36, v28;
	v8 =	vadd.s32 $0x40, v18;
	v56 =	vld.idx.msk [tilespmem:v56+s25+$0x0], $0xffff  }
0x15c: {  	v54 =	vadd.s32 $0x60, v52;
	v44 =	vmul.f32 v44, v40;
	v59 =	vld.idx.msk [tilespmem:v59+s25+$0x0], $0xffff  }
0x15d: {  	v25 =	vadd.s32 $0x20, v30;
	v29 =	vadd.s32 $0x40, v30;
	v30 =	vadd.s32 $0x40, v52;
	[tilespmem:s23+$0x4080] =	vst v36;
	v36 =	vld.idx.msk [tilespmem:v27+s25+$0x0], $0xffff  }
0x15e: {  	v46 =	vmul.f32 v46, v2;
	v42 =	vmul.f32 v42, v40;
	v27 =	vld.idx.msk [tilespmem:v49+s25+$0x0], $0xffff  }
0x15f: {  	v37 =	vmul.f32 v57, v11;
	v57 =	vadd.f32 v44, v22;
	v22 =	vmul.f32 v60, v20;
	v0 =	vld.idx.msk [tilespmem:v0+s25+$0x0], $0xffff  }
0x160: {  	v24 =	vadd.f32 v42, v24;
	v7 =	vadd.s32 $0x20, v55;
	v42 =	vadd.s32 $0x20, v18;
	v44 =	vld.idx.msk [tilespmem:v8+s25+$0x0], $0xffff  }
0x161: {  	v16 =	vmul.f32 v28, v16;
	v28 =	vadd.f32 v26, v46;
	v26 =	vmul.f32 v33, v26;
	v33 =	vld.idx.msk [tilespmem:v54+s25+$0x0], $0xffff  }
0x162: {  	v31 =	vadd.s32 $0x20, v49;
	v9 =	vmul.f32 v9, v46;
	v4 =	vadd.s32 $0x60, v55;
	v54 =	vld.idx.msk [tilespmem:v30+s25+$0x0], $0xffff  }
0x163: {  	v30 =	vadd.f32 v22, v57;
	v22 =	vmul.f32 v36, v2;
	v36 =	vadd.s32 $0x20, v52;
	v52 =	vld [tilespmem:$0x1FF50]  }
0x164: {  	v3 =	vmul.f32 v34, v46;
	v47 =	vadd.f32 v40, v47;
	v48 =	vadd.s32 $0x40, v48;
	v8 =	vld [tilespmem:$0x1FFE0]  }
0x165: {  	v34 =	vadd.s32 $0x20, v53;
	v32 =	vadd.f32 v32, v9;
	v60 =	vmul.f32 v45, v21;
	v42 =	vld.idx.msk [tilespmem:v42+s25+$0x0], $0xffff;
	[tilespmem:s23+$0x80] =	vst v16  }
0x166: {  	v39 =	vadd.s32 $0x60, v18;
	v28 =	vadd.f32 v21, v28;
	v9 =	vmovc v1;
	[tilespmem:$0x1FF70] =	vst v6;
	v6 =	vadd.s32 $0x40, v53;
	v1 =	vld.idx.msk [tilespmem:v7+s25+$0x0], $0xffff  }
0x167: {  	v3 =	vadd.f32 v26, v3;
	v26 =	vmul.f32 v10, v20;
	v16 =	vadd.s32 $0x60, v49;
	v21 =	vld.idx.msk [tilespmem:v58+s25+$0x0], $0xffff  }
0x168: {  	v10 =	vmul.f32 v50, v46;
	v62 =	vadd.f32 v41, v5;
	v4 =	vld.idx.msk [tilespmem:v4+s25+$0x0], $0xffff;
	v58 =	vmul.f32 v52, v40  }
0x169: {  	v49 =	vadd.f32 v11, v28;
	v28 =	vadd.f32 v26, v24;
	v24 =	vmul.f32 v35, v22;
	v35 =	vld.idx.msk [tilespmem:v48+s25+$0x0], $0xffff  }
0x16a: {  	v20 =	vadd.f32 v20, v47;
	v50 =	vmul.f32 v61, v22;
	v61 =	vadd.f32 v58, v62;
	v62 =	vld [tilespmem:$0x1FF60]  }
0x16b: {  	v10 =	vadd.f32 v15, v10;
	v57 =	vmovc v59;
	v59 =	vadd.s32 $0x60, v53;
	v26 =	vmul.f32 v33, v51;
	v6 =	vld.idx.msk [tilespmem:v6+s25+$0x0], $0xffff  }
0x16c: {  	s24 =	sadd.s32 $0x2, s24;
	v45 =	vadd.s32 $0x40, v55;
	v15 =	vadd.f32 v23, v32;
	(erf) = vrcp.f32 v20;
	v23 =	vld.idx.msk [tilespmem:v16+s25+$0x0], $0xffff  }
0x16d: {  	p0 =	slt.u32 s24, $0x6;
	v7 =	vadd.f32 v60, v10;
	v60 =	vmul.f32 v19, v11;
	v32 =	vmul.f32 v63, v26;
	v63 =	vld [tilespmem:$0x1FF70]  }
.Ltmp4:
0x16e: {  	v3 =	vadd.f32 v17, v3;
	v20 =	vmul.f32 v0, v8;
	v40 =	vld.idx.msk [tilespmem:v39+s25+$0x0], $0xffff;
	v11 =	vmul.f32 v21, v8;
	(pc) =	sbr.rel @p0 .LBB2_11-.Ltmp4, $4  }
0x16f: {  	(erf) = vrcp.f32 v49;
	v16 =	vadd.f32 v14, v15;
	v33 =	vld.idx.msk [tilespmem:v36+s25+$0x0], $0xffff;
	v21 =	vmul.f32 v4, v12  }
0x170: {  	v15 =	vmul.f32 v54, v26;
	v39 =	vadd.f32 v37, v3;
	v46 =	vld.idx.msk [tilespmem:v59+s25+$0x0], $0xffff;
	v14 =	vmul.f32 v56, v11  }
0x171: {  	v36 =	vadd.f32 v60, v7;
	v17 =	vmul.f32 v1, v21;
	v10 =	vmovc v6;
	v37 =	vmul.f32 v23, v51  }
0x172: {  	s23 =	smov.u32 s21;
	s21 =	sadd.s32 $0x100, s21;
	v23 =	vmul.f32 v38, v21;
	v38 =	vadd.f32 v13, v61;
	v13 =	vmul.f32 v63, v20;
	v19 =	vld.idx.msk [tilespmem:v62+s25+$0x0], $0xffff  }
0x173: {  	v1 =	vld [tilespmem:$0x1FFD0]  }
0x174: {  	v2 =	vld [tilespmem:$0x1FFC0];
	_ =	sdelay $0x3  }
0x175: {  	v0 =	vadd.f32 v37, v22;
	v5 =	vld.idx.msk [tilespmem:v31+s25+$0x0], $0xffff;
	v1 =	vmul.f32 v40, v1  }
0x176: {  	v3 =	vmul.f32 v43, v37;
	v29 =	vld.idx.msk [tilespmem:v29+s25+$0x0], $0xffff;
	v2 =	vmul.f32 v46, v2  }
0x177: {  	v4 =	vmul.f32 v27, v37;
	v43 =	vmul.f32 v35, v22;
	v48 =	vld.idx.msk [tilespmem:v45+s25+$0x0], $0xffff;
	v0 =	vadd.f32 v1, v0  }
0x178: {  	v54 =	vmul.f32 v57, v11;
	v47 =	vmul.f32 v33, v26;
	v6 =	vpop (erf);
	v63 =	vadd.f32 v26, v2  }
0x179: {  	v62 =	vmul.f32 v30, v6;
	v12 =	vmul.f32 v6, v38;
	v0 =	vadd.f32 v20, v0  }
0x17a: {  	v8 =	vld.idx.msk [tilespmem:v34+s25+$0x0], $0xffff;
	v6 =	vmul.f32 v28, v6;
	v57 =	vmul.f32 v19, v11;
	v30 =	vadd.f32 v21, v63  }
0x17b: {  	v18 =	vld.idx.msk [tilespmem:v18+s25+$0x0], $0xffff;
	v5 =	vmul.f32 v5, v37;
	(erf) = vrcp.f32 v0  }
0x17c: {  	v40 =	vpop (erf);
	v51 =	vmul.f32 v29, v20;
	v53 =	vmul.f32 v48, v21;
	v46 =	vadd.f32 v11, v30  }
0x17d: {  	v41 =	vmul.f32 v39, v40;
	v7 =	vmul.f32 v44, v1  }
0x17e: {  	v3 =	vadd.f32 v3, v43;
	v44 =	vld.idx.msk [tilespmem:v25+s25+$0x0], $0xffff;
	v9 =	vmul.f32 v9, v2;
	(erf) = vrcp.f32 v46  }
0x17f: {  	v4 =	vadd.f32 v4, v50;
	v42 =	vmul.f32 v42, v1;
	v8 =	vmul.f32 v8, v2  }
0x180: {  	v5 =	vadd.f32 v5, v24;
	v1 =	vmul.f32 v18, v1;
	v9 =	vadd.f32 v32, v9  }
0x181: {  	[tilespmem:s23+$0x4000] =	vst v62;
	v2 =	vmul.f32 v10, v2;
	v8 =	vadd.f32 v47, v8;
	v3 =	vadd.f32 v7, v3  }
0x182: {  	[tilespmem:s23+$0x0] =	vst v12;
	v49 =	vmul.f32 v36, v40;
	v5 =	vadd.f32 v42, v5;
	v1 =	vadd.f32 v1, v4  }
0x183: {  	[tilespmem:s23+$0x2000] =	vst v6;
	v2 =	vadd.f32 v15, v2;
	v3 =	vadd.f32 v51, v3;
	v0 =	vmul.f32 v44, v20  }
0x184: {  	v52 =	vmul.f32 v40, v16;
	[tilespmem:s23+$0x2080] =	vst v41;
	v55 =	vadd.f32 v17, v8;
	v1 =	vadd.f32 v13, v1;
	v56 =	vpop (erf)  }
0x185: {  	[tilespmem:s23+$0x4080] =	vst v49;
	v2 =	vadd.f32 v53, v2;
	v0 =	vadd.f32 v0, v5;
	v3 =	vmul.f32 v3, v56  }
0x186: {  	s20 =	sadd.s32 $0x1, s20;
	[tilespmem:s23+$0x80] =	vst v52;
	v58 =	vadd.f32 v23, v9;
	v5 =	vadd.f32 v54, v55;
	v1 =	vmul.f32 v56, v1  }
0x187: {  	p0 =	sne.s32 s20, $0x40;
	v2 =	vadd.f32 v57, v2;
	v0 =	vmul.f32 v0, v56;
	v59 =	vpop (erf);
	[tilespmem:s21+$0x4000] =	vst v3  }
.Ltmp5:
0x188: {  	v60 =	vadd.f32 v14, v58;
	[tilespmem:s21+$0x0] =	vst v1;
	v61 =	vmul.f32 v5, v59;
	(pc) =	sbr.rel @p0 .LBB2_10-.Ltmp5, $4  }
0x189: {  	[tilespmem:s21+$0x2000] =	vst v0;
	v62 =	vmul.f32 v2, v59  }
0x18a: {  	v63 =	vmul.f32 v59, v60;
	[tilespmem:s21+$0x2080] =	vst v61  }
0x18b: {  	[tilespmem:s21+$0x4080] =	vst v62  }
0x18c: {  	s2 =	sadd.s32 $0x1, s2;
	[tilespmem:s21+$0x80] =	vst v63  }
0x18d: {  	s2 =	simm.s32 $0x0  }
0x18e: {  	[hbm4b:s9+s2] =	stream.linear.scatter [tilespmem:s30], [sflag:$0x1], $0x2000, $0x38;
	[tilespmem:$0x18400] =	vst v63  }
0x18f: {  	_ = 	snop  }
0x190: {  	[hbm4b:s10+s2] =	stream.linear.scatter [tilespmem:s31], [sflag:$0x1], $0x2000, $0x38;
	[tilespmem:$0x18400] =	vst v63  }
0x191: {  	s5 =	simm.s32 $0x16400  }
0x192: {  	[hbm4b:s11+s2] =	stream.linear.scatter [tilespmem:s5], [sflag:$0x1], $0x2000, $0x38;
	[tilespmem:$0x18400] =	vst v63  }
0x193: {  	_ =	swait.ge [sflag:s4], $0x2000  }
0x194: {  	[sflag:s4] =	ssyncset.done $0x0  }
0x195: {  	[sflag:s4] =	ssyncadd.s32 $0xFFFFE000  }
0x196: {  	_ =	swait.ge [sflag:s4], $0x2000  }
0x197: {  	[sflag:s4] =	ssyncset.done $0x0  }
0x198: {  	[sflag:s4] =	ssyncadd.s32 $0xFFFFE000  }
0x199: {  	_ =	swait.ge [sflag:s4], $0x2000  }
0x19a: {  	[sflag:s4] =	ssyncset.done $0x0  }
0x19b: {  	s20 =	simm.s32 $0x0;
	[sflag:s4] =	ssyncadd.s32 $0xFFFFE000  }
.LBB2_14:
0x19c: {  	s5 =	sshll.u32 s20, $0x6  }
0x19d: {  	s7 =	sand.u32 $0x3FFFFFC0, s5  }
0x19e: {  	v0 =	vld [tilespmem:s7+$0xB400]  }
0x19f: {  	v1 =	vld [tilespmem:s7+$0xB410];
	_ =	sdelay $0x1  }
0x1a0: {  	s8 =	sshll.u32 s20, $0x4;
	v2 =	vld [tilespmem:s7+$0xB420]  }
0x1a1: {  	s24 =	simm.s32 $0x10;
	s23 =	sand.u32 $0x70, s8;
	s5 =	sand.u32 $0x3FFFFE00, s5;
	v3 =	vld [tilespmem:s7+$0xB430]  }
0x1a2: {  	s19 =	simm.s32 $0x11;
	s5 =	sor.u32 s23, s5;
	v8 =	vadd.s32 s24, v0  }
0x1a3: {  	v4 =	vld [tilespmem:s5+$0xA400];
	v9 =	vadd.s32 s19, v1  }
0x1a4: {  	v6 =	vld [tilespmem:s5+$0xA480];
	v10 =	vadd.s32 s19, v0  }
0x1a5: {  	v5 =	vld [tilespmem:s5+$0xA500];
	v12 =	vadd.s32 s19, v2  }
0x1a6: {  	v7 =	vld [tilespmem:s5+$0xA580];
	v13 =	vadd.s32 s19, v3  }
0x1a7: {  	v14 =	vadd.s32 s24, v3;
	v15 =	vld.idx.msk [tilespmem:v8+s25+$0x0], $0xffff  }
0x1a8: {  	v19 =	vadd.s32 s24, v1;
	v16 =	vld.idx.msk [tilespmem:v9+s25+$0x0], $0xffff  }
0x1a9: {  	v33 =	vadd.s32 s24, v2;
	v18 =	vld.idx.msk [tilespmem:v10+s25+$0x0], $0xffff  }
0x1aa: {  	v11 =	vadd.s32 $0x20, v13;
	v20 =	vld.idx.msk [tilespmem:v12+s25+$0x0], $0xffff  }
0x1ab: {  	v17 =	vadd.s32 $0x60, v8;
	v22 =	vld.idx.msk [tilespmem:v13+s25+$0x0], $0xffff  }
0x1ac: {  	v21 =	vadd.s32 $0x60, v9;
	v23 =	vld.idx.msk [tilespmem:v14+s25+$0x0], $0xffff  }
0x1ad: {  	v24 =	vadd.s32 $0x40, v9;
	v25 =	vadd.s32 $0x40, v10;
	v28 =	vld.idx.msk [tilespmem:v19+s25+$0x0], $0xffff  }
0x1ae: {  	v35 =	vadd.s32 $0x60, v33;
	v36 =	vadd.s32 $0x40, v33;
	v37 =	vadd.s32 $0x20, v33;
	v33 =	vld.idx.msk [tilespmem:v33+s25+$0x0], $0xffff  }
0x1af: {  	v26 =	vadd.s32 $0x20, v12;
	v11 =	vld.idx.msk [tilespmem:v11+s25+$0x0], $0xffff  }
0x1b0: {  	v27 =	vadd.s32 $0x20, v8;
	v17 =	vld.idx.msk [tilespmem:v17+s25+$0x0], $0xffff  }
0x1b1: {  	v29 =	vadd.s32 $0x60, v14;
	v21 =	vld.idx.msk [tilespmem:v21+s25+$0x0], $0xffff  }
0x1b2: {  	v30 =	vadd.s32 $0x60, v13;
	v24 =	vld.idx.msk [tilespmem:v24+s25+$0x0], $0xffff  }
0x1b3: {  	v31 =	vadd.s32 $0x60, v12;
	v25 =	vld.idx.msk [tilespmem:v25+s25+$0x0], $0xffff  }
0x1b4: {  	v32 =	vadd.s32 $0x40, v19;
	v26 =	vld.idx.msk [tilespmem:v26+s25+$0x0], $0xffff  }
0x1b5: {  	v34 =	vadd.s32 $0x60, v19;
	v27 =	vld.idx.msk [tilespmem:v27+s25+$0x0], $0xffff  }
0x1b6: {  	v29 =	vld.idx.msk [tilespmem:v29+s25+$0x0], $0xffff  }
0x1b7: {  	v30 =	vld.idx.msk [tilespmem:v30+s25+$0x0], $0xffff  }
0x1b8: {  	v38 =	vadd.s32 $0x60, v10;
	v31 =	vld.idx.msk [tilespmem:v31+s25+$0x0], $0xffff  }
0x1b9: {  	v32 =	vld.idx.msk [tilespmem:v32+s25+$0x0], $0xffff  }
0x1ba: {  	v9 =	vadd.s32 $0x20, v9;
	v34 =	vld.idx.msk [tilespmem:v34+s25+$0x0], $0xffff  }
0x1bb: {  	s21 =	simm.s32 $0x13;
	v8 =	vadd.s32 $0x40, v8;
	v35 =	vld.idx.msk [tilespmem:v35+s25+$0x0], $0xffff  }
0x1bc: {  	v42 =	vadd.s32 s21, v1;
	v13 =	vadd.s32 $0x40, v13;
	v36 =	vld.idx.msk [tilespmem:v36+s25+$0x0], $0xffff  }
0x1bd: {  	v45 =	vadd.s32 s21, v0;
	v47 =	vadd.s32 s21, v2;
	v19 =	vadd.s32 $0x20, v19;
	v38 =	vld.idx.msk [tilespmem:v38+s25+$0x0], $0xffff  }
0x1be: {  	v39 =	vadd.s32 $0x20, v14;
	v10 =	vadd.s32 $0x20, v10;
	v37 =	vld.idx.msk [tilespmem:v37+s25+$0x0], $0xffff;
	v17 =	vmul.f32 v17, v4  }
0x1bf: {  	v12 =	vadd.s32 $0x40, v12;
	v9 =	vld.idx.msk [tilespmem:v9+s25+$0x0], $0xffff;
	v21 =	vmul.f32 v21, v6;
	v31 =	vmul.f32 v31, v5  }
0x1c0: {  	v14 =	vadd.s32 $0x40, v14;
	v8 =	vld.idx.msk [tilespmem:v8+s25+$0x0], $0xffff;
	v40 =	vmul.f32 v30, v7;
	v30 =	vmul.f32 v34, v6  }
0x1c1: {  	s19 =	simm.s32 $0x12;
	v46 =	vadd.s32 s21, v3;
	v13 =	vld.idx.msk [tilespmem:v13+s25+$0x0], $0xffff;
	v29 =	vmul.f32 v29, v7;
	v35 =	vmul.f32 v35, v5  }
0x1c2: {  	v41 =	vadd.s32 s19, v0;
	v19 =	vld.idx.msk [tilespmem:v19+s25+$0x0], $0xffff;
	v38 =	vmul.f32 v38, v4;
	v15 =	vmul.f32 v15, v17  }
0x1c3: {  	v44 =	vadd.s32 s19, v1;
	v10 =	vld.idx.msk [tilespmem:v10+s25+$0x0], $0xffff;
	[tilespmem:$0x1FED0] =	vst v1;
	v27 =	vmul.f32 v27, v17;
	v24 =	vmul.f32 v24, v21  }
0x1c4: {  	v48 =	vadd.s32 $0x20, v46;
	v12 =	vld.idx.msk [tilespmem:v12+s25+$0x0], $0xffff;
	[tilespmem:$0x1FEE0] =	vst v0;
	v16 =	vmul.f32 v16, v21;
	v26 =	vmul.f32 v26, v31  }
0x1c5: {  	v63 =	vadd.s32 $0x40, v42;
	v14 =	vld.idx.msk [tilespmem:v14+s25+$0x0], $0xffff;
	v20 =	vmul.f32 v20, v31;
	v32 =	vmul.f32 v32, v30  }
0x1c6: {  	v61 =	vadd.s32 $0x60, v41;
	v43 =	vmul.f32 v28, v30;
	v28 =	vld.idx.msk [tilespmem:v39+s25+$0x0], $0xffff;
	[tilespmem:$0x1FEF0] =	vst v3;
	v18 =	vmul.f32 v18, v38  }
0x1c7: {  	v34 =	vadd.f32 v30, v17;
	v36 =	vmul.f32 v36, v35;
	v49 =	vld.idx.msk [tilespmem:v41+s25+$0x0], $0xffff;
	v8 =	vmul.f32 v8, v17  }
0x1c8: {  	v0 =	vld.idx.msk [tilespmem:v47+s25+$0x0], $0xffff;
	v17 =	vadd.s32 s19, v3;
	v19 =	vmul.f32 v19, v30;
	v10 =	vmul.f32 v10, v38  }
0x1c9: {  	v51 =	vld.idx.msk [tilespmem:v46+s25+$0x0], $0xffff;
	v30 =	vmul.f32 v9, v21;
	v16 =	vadd.f32 v16, v18;
	v18 =	vadd.s32 $0x60, v42  }
0x1ca: {  	v57 =	vld.idx.msk [tilespmem:v48+s25+$0x0], $0xffff;
	v21 =	vadd.f32 v21, v38;
	v12 =	vmul.f32 v12, v31;
	v8 =	vadd.f32 v32, v8  }
0x1cb: {  	v1 =	vld.idx.msk [tilespmem:v61+s25+$0x0], $0xffff;
	v19 =	vadd.f32 v19, v27;
	v27 =	vmul.f32 v37, v35;
	v62 =	vadd.f32 v30, v10  }
0x1cc: {  	v52 =	vld.idx.msk [tilespmem:v63+s25+$0x0], $0xffff;
	v10 =	vmul.f32 v14, v29;
	v21 =	vadd.f32 v31, v21;
	v8 =	vadd.f32 v36, v8  }
0x1cd: {  	v9 =	vld.idx.msk [tilespmem:v45+s25+$0x0], $0xffff;
	v31 =	vadd.s32 $0x20, v47;
	v14 =	vadd.f32 v27, v19;
	v27 =	vmul.f32 v28, v29  }
0x1ce: {  	v25 =	vmul.f32 v25, v38;
	v32 =	vld.idx.msk [tilespmem:v42+s25+$0x0], $0xffff;
	v30 =	vadd.f32 v10, v8;
	v10 =	vadd.s32 $0x40, v45  }
0x1cf: {  	v19 =	vld.idx.msk [tilespmem:v17+s25+$0x0], $0xffff;
	v28 =	vadd.f32 v27, v14;
	v14 =	vadd.s32 $0x20, v41  }
0x1d0: {  	v24 =	vadd.f32 v24, v25;
	v25 =	vadd.s32 $0x60, v17;
	v3 =	vld.idx.msk [tilespmem:v18+s25+$0x0], $0xffff  }
0x1d1: {  	v56 =	vadd.s32 $0x60, v47;
	v16 =	vadd.f32 v20, v16;
	v20 =	vadd.s32 $0x60, v46;
	v27 =	vld.idx.msk [tilespmem:v44+s25+$0x0], $0xffff  }
0x1d2: {  	v58 =	vadd.s32 $0x60, v44;
	v22 =	vmul.f32 v22, v40;
	v11 =	vmul.f32 v11, v40;
	v53 =	vld.idx.msk [tilespmem:v31+s25+$0x0], $0xffff  }
0x1d3: {  	v34 =	vadd.f32 v35, v34;
	v12 =	vadd.f32 v12, v24;
	v24 =	vadd.s32 $0x40, v44;
	v10 =	vld.idx.msk [tilespmem:v10+s25+$0x0], $0xffff;
	[tilespmem:$0x1FF00] =	vst v2  }
0x1d4: {  	v16 =	vadd.f32 v22, v16;
	v22 =	vadd.f32 v26, v62;
	v18 =	vadd.s32 s19, v2;
	v14 =	vld.idx.msk [tilespmem:v14+s25+$0x0], $0xffff  }
0x1d5: {  	v23 =	vmul.f32 v23, v29;
	v29 =	vadd.f32 v29, v34;
	v59 =	vadd.s32 $0x60, v18;
	v60 =	vld.idx.msk [tilespmem:v25+s25+$0x0], $0xffff  }
0x1d6: {  	v39 =	vadd.f32 v11, v22;
	v11 =	vadd.s32 $0x20, v42;
	v20 =	vld.idx.msk [tilespmem:v20+s25+$0x0], $0xffff  }
0x1d7: {  	v54 =	vadd.s32 $0x40, v46;
	(erf) = vrcp.f32 v29;
	v41 =	vadd.s32 $0x40, v41;
	v29 =	vld.idx.msk [tilespmem:v56+s25+$0x0], $0xffff  }
0x1d8: {  	v15 =	vadd.f32 v43, v15;
	v13 =	vmul.f32 v13, v40;
	v25 =	vadd.s32 $0x40, v18;
	v43 =	vld.idx.msk [tilespmem:v24+s25+$0x0], $0xffff;
	[tilespmem:$0x1FF10] =	vst v4  }
0x1d9: {  	v21 =	vadd.f32 v40, v21;
	v34 =	vadd.s32 $0x20, v45;
	v22 =	vmul.f32 v1, v4;
	v63 =	vld.idx.msk [tilespmem:v58+s25+$0x0], $0xffff  }
0x1da: {  	v62 =	vadd.s32 $0x20, v18;
	v31 =	vmul.f32 v33, v35;
	v26 =	vmul.f32 v3, v6;
	v40 =	vld.idx.msk [tilespmem:v59+s25+$0x0], $0xffff  }
0x1db: {  	v36 =	vadd.f32 v13, v12;
	v13 =	vadd.s32 $0x60, v45;
	(erf) = vrcp.f32 v21;
	v33 =	vld.idx.msk [tilespmem:v11+s25+$0x0], $0xffff  }
0x1dc: {  	s23 =	sshll.u32 s20, $0x9;
	s24 =	sand.u32 $0x7, s2;
	v50 =	vmul.f32 v49, v22;
	v61 =	vadd.f32 v31, v15;
	v15 =	vmul.f32 v52, v26;
	v35 =	vld.idx.msk [tilespmem:v41+s25+$0x0], $0xffff  }
0x1dd: {  	s5 =	sand.u32 $0xFFFFF000, s23;
	s7 =	sshll.u32 s24, $0x6;
	v31 =	vadd.s32 $0x20, v44;
	v32 =	vmul.f32 v32, v26;
	v24 =	vmul.f32 v14, v22;
	v44 =	vld.idx.msk [tilespmem:v25+s25+$0x0], $0xffff;
	[tilespmem:$0x1FF20] =	vst v5  }
0x1de: {  	s5 =	sor.u32 s7, s5;
	v45 =	vadd.s32 $0x40, v47;
	v11 =	vmul.f32 v20, v7;
	v21 =	vmul.f32 v29, v5;
	[tilespmem:$0x1FF30] =	vst v7  }
0x1df: {  	s5 =	sshrl.u32 s5, $0x2;
	v25 =	vadd.s32 $0x20, v17;
	v20 =	vmul.f32 v60, v7;
	v42 =	vld.idx.msk [tilespmem:v62+s25+$0x0], $0xffff;
	[tilespmem:$0x1FF40] =	vst v6;
	v37 =	vmul.f32 v63, v6  }
0x1e0: {  	s23 =	sadd.s32 $0xC400, s5;
	v29 =	vadd.s32 $0x40, v17;
	v14 =	vmul.f32 v51, v11;
	v46 =	vld.idx.msk [tilespmem:v13+s25+$0x0], $0xffff;
	v17 =	vmul.f32 v53, v21  }
0x1e1: {  	s24 =	simm.s32 $0x2;
	s21 =	sadd.s32 $0x100, s23;
	v38 =	vadd.f32 v23, v61;
	v13 =	vmul.f32 v19, v20;
	v23 =	vmul.f32 v0, v21;
	v19 =	vld.idx.msk [tilespmem:v54+s25+$0x0], $0xffff  }
.LBB2_15:
0x1e2: {  	v12 =	vld [tilespmem:$0x1FF20]  }
0x1e3: {  	v0 =	vld.idx.msk [tilespmem:v18+s25+$0x0], $0xffff  }
0x1e4: {  	v7 =	vld [tilespmem:$0x1FEE0]  }
0x1e5: {  	v1 =	vld [tilespmem:$0x1FED0]  }
0x1e6: {  	v51 =	vld.idx.msk [tilespmem:v31+s25+$0x0], $0xffff  }
0x1e7: {  	v45 =	vld.idx.msk [tilespmem:v45+s25+$0x0], $0xffff  }
0x1e8: {  	s5 =	sadd.s32 $0x12, s24;
	v34 =	vld.idx.msk [tilespmem:v34+s25+$0x0], $0xffff  }
0x1e9: {  	s7 =	sadd.s32 $0x13, s24;
	v5 =	vmov v50;
	v50 =	vmov v10;
	v10 =	vld.idx.msk [tilespmem:v25+s25+$0x0], $0xffff;
	v48 =	vadd.s32 s5, v7  }
0x1ea: {  	[tilespmem:$0x1FEA0] =	vst v0;
	v52 =	vadd.s32 s7, v1;
	v0 =	vld [tilespmem:$0x1FF00];
	v18 =	vpop (erf)  }
0x1eb: {  	v49 =	vadd.s32 s5, v1;
	v53 =	vadd.s32 s7, v7;
	v1 =	vld [tilespmem:$0x1FEF0];
	v30 =	vmul.f32 v30, v18  }
0x1ec: {  	v60 =	vld.idx.msk [tilespmem:v29+s25+$0x0], $0xffff;
	v47 =	vadd.f32 v37, v22;
	v62 =	vadd.s32 $0x20, v48;
	v25 =	vmul.f32 v18, v38  }
0x1ed: {  	v2 =	vld [tilespmem:$0x1FF10];
	v22 =	vmul.f32 v35, v22;
	v35 =	vmul.f32 v51, v37;
	v51 =	vadd.s32 $0x40, v49;
	[tilespmem:s23+$0x4000] =	vst v30  }
0x1ee: {  	v61 =	vld.idx.msk [tilespmem:v48+s25+$0x0], $0xffff;
	[tilespmem:s23+$0x0] =	vst v25;
	v25 =	vmul.f32 v28, v18  }
0x1ef: {  	v55 =	vadd.s32 s7, v0;
	v63 =	vld.idx.msk [tilespmem:v52+s25+$0x0], $0xffff  }
0x1f0: {  	v43 =	vmul.f32 v43, v37;
	v56 =	vadd.s32 s7, v1;
	v30 =	vadd.s32 s5, v1;
	v1 =	vld.idx.msk [tilespmem:v53+s25+$0x0], $0xffff;
	[tilespmem:s23+$0x2000] =	vst v25  }
0x1f1: {  	v24 =	vadd.f32 v35, v24;
	v35 =	vld.idx.msk [tilespmem:v62+s25+$0x0], $0xffff  }
0x1f2: {  	v41 =	vmul.f32 v27, v37;
	v22 =	vadd.f32 v43, v22;
	v28 =	vpop (erf);
	v59 =	vadd.s32 $0x20, v56;
	v43 =	vld.idx.msk [tilespmem:v51+s25+$0x0], $0xffff  }
0x1f3: {  	v27 =	vadd.s32 $0x60, v48;
	v38 =	vadd.s32 $0x40, v56;
	v29 =	vmul.f32 v39, v28;
	v51 =	vld [tilespmem:$0x1FF40]  }
0x1f4: {  	[tilespmem:$0x1FEB0] =	vst v38;
	v38 =	vld.idx.msk [tilespmem:v55+s25+$0x0], $0xffff  }
0x1f5: {  	v40 =	vmul.f32 v40, v12;
	v18 =	vadd.s32 s5, v0;
	v0 =	vadd.s32 $0x60, v30;
	[tilespmem:s23+$0x2080] =	vst v29;
	v6 =	vld.idx.msk [tilespmem:v30+s25+$0x0], $0xffff  }
0x1f6: {  	v58 =	vadd.s32 $0x60, v56;
	v36 =	vmul.f32 v36, v28;
	v8 =	vadd.s32 $0x40, v18;
	v56 =	vld.idx.msk [tilespmem:v56+s25+$0x0], $0xffff  }
0x1f7: {  	v54 =	vadd.s32 $0x60, v52;
	v44 =	vmul.f32 v44, v40;
	v59 =	vld.idx.msk [tilespmem:v59+s25+$0x0], $0xffff  }
0x1f8: {  	v25 =	vadd.s32 $0x20, v30;
	v29 =	vadd.s32 $0x40, v30;
	v30 =	vadd.s32 $0x40, v52;
	[tilespmem:s23+$0x4080] =	vst v36;
	v36 =	vld.idx.msk [tilespmem:v27+s25+$0x0], $0xffff  }
0x1f9: {  	v46 =	vmul.f32 v46, v2;
	v42 =	vmul.f32 v42, v40;
	v27 =	vld.idx.msk [tilespmem:v49+s25+$0x0], $0xffff  }
0x1fa: {  	v37 =	vmul.f32 v57, v11;
	v57 =	vadd.f32 v44, v22;
	v22 =	vmul.f32 v60, v20;
	v0 =	vld.idx.msk [tilespmem:v0+s25+$0x0], $0xffff  }
0x1fb: {  	v24 =	vadd.f32 v42, v24;
	v7 =	vadd.s32 $0x20, v55;
	v42 =	vadd.s32 $0x20, v18;
	v44 =	vld.idx.msk [tilespmem:v8+s25+$0x0], $0xffff  }
0x1fc: {  	v16 =	vmul.f32 v28, v16;
	v28 =	vadd.f32 v26, v46;
	v26 =	vmul.f32 v33, v26;
	v33 =	vld.idx.msk [tilespmem:v54+s25+$0x0], $0xffff  }
0x1fd: {  	v31 =	vadd.s32 $0x20, v49;
	v9 =	vmul.f32 v9, v46;
	v4 =	vadd.s32 $0x60, v55;
	v54 =	vld.idx.msk [tilespmem:v30+s25+$0x0], $0xffff  }
0x1fe: {  	v30 =	vadd.f32 v22, v57;
	v22 =	vmul.f32 v36, v2;
	v36 =	vadd.s32 $0x20, v52;
	v52 =	vld [tilespmem:$0x1FEA0]  }
0x1ff: {  	v3 =	vmul.f32 v34, v46;
	v47 =	vadd.f32 v40, v47;
	v48 =	vadd.s32 $0x40, v48;
	v8 =	vld [tilespmem:$0x1FF30]  }
0x200: {  	v34 =	vadd.s32 $0x20, v53;
	v32 =	vadd.f32 v32, v9;
	v60 =	vmul.f32 v45, v21;
	v42 =	vld.idx.msk [tilespmem:v42+s25+$0x0], $0xffff;
	[tilespmem:s23+$0x80] =	vst v16  }
0x201: {  	v39 =	vadd.s32 $0x60, v18;
	v28 =	vadd.f32 v21, v28;
	v9 =	vmovc v1;
	[tilespmem:$0x1FEC0] =	vst v6;
	v6 =	vadd.s32 $0x40, v53;
	v1 =	vld.idx.msk [tilespmem:v7+s25+$0x0], $0xffff  }
0x202: {  	v3 =	vadd.f32 v26, v3;
	v26 =	vmul.f32 v10, v20;
	v16 =	vadd.s32 $0x60, v49;
	v21 =	vld.idx.msk [tilespmem:v58+s25+$0x0], $0xffff  }
0x203: {  	v10 =	vmul.f32 v50, v46;
	v62 =	vadd.f32 v41, v5;
	v4 =	vld.idx.msk [tilespmem:v4+s25+$0x0], $0xffff;
	v58 =	vmul.f32 v52, v40  }
0x204: {  	v49 =	vadd.f32 v11, v28;
	v28 =	vadd.f32 v26, v24;
	v24 =	vmul.f32 v35, v22;
	v35 =	vld.idx.msk [tilespmem:v48+s25+$0x0], $0xffff  }
0x205: {  	v20 =	vadd.f32 v20, v47;
	v50 =	vmul.f32 v61, v22;
	v61 =	vadd.f32 v58, v62;
	v62 =	vld [tilespmem:$0x1FEB0]  }
0x206: {  	v10 =	vadd.f32 v15, v10;
	v57 =	vmovc v59;
	v59 =	vadd.s32 $0x60, v53;
	v26 =	vmul.f32 v33, v51;
	v6 =	vld.idx.msk [tilespmem:v6+s25+$0x0], $0xffff  }
0x207: {  	s24 =	sadd.s32 $0x2, s24;
	v45 =	vadd.s32 $0x40, v55;
	v15 =	vadd.f32 v23, v32;
	(erf) = vrcp.f32 v20;
	v23 =	vld.idx.msk [tilespmem:v16+s25+$0x0], $0xffff  }
0x208: {  	p0 =	slt.u32 s24, $0x6;
	v7 =	vadd.f32 v60, v10;
	v60 =	vmul.f32 v19, v11;
	v32 =	vmul.f32 v63, v26;
	v63 =	vld [tilespmem:$0x1FEC0]  }
.Ltmp6:
0x209: {  	v3 =	vadd.f32 v17, v3;
	v20 =	vmul.f32 v0, v8;
	v40 =	vld.idx.msk [tilespmem:v39+s25+$0x0], $0xffff;
	v11 =	vmul.f32 v21, v8;
	(pc) =	sbr.rel @p0 .LBB2_15-.Ltmp6, $4  }
0x20a: {  	(erf) = vrcp.f32 v49;
	v16 =	vadd.f32 v14, v15;
	v33 =	vld.idx.msk [tilespmem:v36+s25+$0x0], $0xffff;
	v21 =	vmul.f32 v4, v12  }
0x20b: {  	v15 =	vmul.f32 v54, v26;
	v39 =	vadd.f32 v37, v3;
	v46 =	vld.idx.msk [tilespmem:v59+s25+$0x0], $0xffff;
	v14 =	vmul.f32 v56, v11  }
0x20c: {  	v36 =	vadd.f32 v60, v7;
	v17 =	vmul.f32 v1, v21;
	v10 =	vmovc v6;
	v37 =	vmul.f32 v23, v51  }
0x20d: {  	s23 =	smov.u32 s21;
	s21 =	sadd.s32 $0x100, s21;
	v23 =	vmul.f32 v38, v21;
	v38 =	vadd.f32 v13, v61;
	v13 =	vmul.f32 v63, v20;
	v19 =	vld.idx.msk [tilespmem:v62+s25+$0x0], $0xffff  }
0x20e: {  	v1 =	vld [tilespmem:$0x1FF20]  }
0x20f: {  	v2 =	vld [tilespmem:$0x1FF10];
	_ =	sdelay $0x3  }
0x210: {  	v0 =	vadd.f32 v37, v22;
	v5 =	vld.idx.msk [tilespmem:v31+s25+$0x0], $0xffff;
	v1 =	vmul.f32 v40, v1  }
0x211: {  	v3 =	vmul.f32 v43, v37;
	v29 =	vld.idx.msk [tilespmem:v29+s25+$0x0], $0xffff;
	v2 =	vmul.f32 v46, v2  }
0x212: {  	v4 =	vmul.f32 v27, v37;
	v43 =	vmul.f32 v35, v22;
	v48 =	vld.idx.msk [tilespmem:v45+s25+$0x0], $0xffff;
	v0 =	vadd.f32 v1, v0  }
0x213: {  	v54 =	vmul.f32 v57, v11;
	v47 =	vmul.f32 v33, v26;
	v6 =	vpop (erf);
	v63 =	vadd.f32 v26, v2  }
0x214: {  	v62 =	vmul.f32 v30, v6;
	v12 =	vmul.f32 v6, v38;
	v0 =	vadd.f32 v20, v0  }
0x215: {  	v8 =	vld.idx.msk [tilespmem:v34+s25+$0x0], $0xffff;
	v6 =	vmul.f32 v28, v6;
	v57 =	vmul.f32 v19, v11;
	v30 =	vadd.f32 v21, v63  }
0x216: {  	v18 =	vld.idx.msk [tilespmem:v18+s25+$0x0], $0xffff;
	v5 =	vmul.f32 v5, v37;
	(erf) = vrcp.f32 v0  }
0x217: {  	v40 =	vpop (erf);
	v51 =	vmul.f32 v29, v20;
	v53 =	vmul.f32 v48, v21;
	v46 =	vadd.f32 v11, v30  }
0x218: {  	v41 =	vmul.f32 v39, v40;
	v7 =	vmul.f32 v44, v1  }
0x219: {  	v3 =	vadd.f32 v3, v43;
	v44 =	vld.idx.msk [tilespmem:v25+s25+$0x0], $0xffff;
	v9 =	vmul.f32 v9, v2;
	(erf) = vrcp.f32 v46  }
0x21a: {  	v4 =	vadd.f32 v4, v50;
	v42 =	vmul.f32 v42, v1;
	v8 =	vmul.f32 v8, v2  }
0x21b: {  	v5 =	vadd.f32 v5, v24;
	v1 =	vmul.f32 v18, v1;
	v9 =	vadd.f32 v32, v9  }
0x21c: {  	[tilespmem:s23+$0x4000] =	vst v62;
	v2 =	vmul.f32 v10, v2;
	v8 =	vadd.f32 v47, v8;
	v3 =	vadd.f32 v7, v3  }
0x21d: {  	[tilespmem:s23+$0x0] =	vst v12;
	v49 =	vmul.f32 v36, v40;
	v5 =	vadd.f32 v42, v5;
	v1 =	vadd.f32 v1, v4  }
0x21e: {  	[tilespmem:s23+$0x2000] =	vst v6;
	v2 =	vadd.f32 v15, v2;
	v3 =	vadd.f32 v51, v3;
	v0 =	vmul.f32 v44, v20  }
0x21f: {  	v52 =	vmul.f32 v40, v16;
	[tilespmem:s23+$0x2080] =	vst v41;
	v55 =	vadd.f32 v17, v8;
	v1 =	vadd.f32 v13, v1;
	v56 =	vpop (erf)  }
0x220: {  	[tilespmem:s23+$0x4080] =	vst v49;
	v2 =	vadd.f32 v53, v2;
	v0 =	vadd.f32 v0, v5;
	v3 =	vmul.f32 v3, v56  }
0x221: {  	s20 =	sadd.s32 $0x1, s20;
	[tilespmem:s23+$0x80] =	vst v52;
	v58 =	vadd.f32 v23, v9;
	v5 =	vadd.f32 v54, v55;
	v1 =	vmul.f32 v56, v1  }
0x222: {  	p0 =	sne.s32 s20, $0x40;
	v2 =	vadd.f32 v57, v2;
	v0 =	vmul.f32 v0, v56;
	v59 =	vpop (erf);
	[tilespmem:s21+$0x4000] =	vst v3  }
.Ltmp7:
0x223: {  	v60 =	vadd.f32 v14, v58;
	[tilespmem:s21+$0x0] =	vst v1;
	v61 =	vmul.f32 v5, v59;
	(pc) =	sbr.rel @p0 .LBB2_14-.Ltmp7, $4  }
0x224: {  	[tilespmem:s21+$0x2000] =	vst v0;
	v62 =	vmul.f32 v2, v59  }
0x225: {  	v63 =	vmul.f32 v59, v60;
	[tilespmem:s21+$0x2080] =	vst v61  }
0x226: {  	[tilespmem:s21+$0x4080] =	vst v62  }
0x227: {  	s2 =	sadd.s32 $0x1, s2;
	[tilespmem:s21+$0x80] =	vst v63  }
0x228: {  	s2 =	simm.s32 $0x0  }
0x229: {  	[hbm4b:s12+s2] =	stream.linear.scatter [tilespmem:s26], [sflag:$0x1], $0x2000, $0x38;
	[tilespmem:$0x18400] =	vst v63  }
0x22a: {  	_ = 	snop  }
0x22b: {  	[hbm4b:s13+s2] =	stream.linear.scatter [tilespmem:s28], [sflag:$0x1], $0x2000, $0x38;
	[tilespmem:$0x18400] =	vst v63  }
0x22c: {  	_ = 	snop  }
0x22d: {  	[hbm4b:s14+s2] =	stream.linear.scatter [tilespmem:s29], [sflag:$0x1], $0x2000, $0x38;
	[tilespmem:$0x18400] =	vst v63  }
0x22e: {  	_ =	swait.ge [sflag:s4], $0x2000  }
0x22f: {  	[sflag:s4] =	ssyncset.done $0x0  }
0x230: {  	[sflag:s4] =	ssyncadd.s32 $0xFFFFE000  }
0x231: {  	_ =	swait.ge [sflag:s4], $0x2000  }
0x232: {  	[sflag:s4] =	ssyncset.done $0x0  }
0x233: {  	[sflag:s4] =	ssyncadd.s32 $0xFFFFE000  }
0x234: {  	_ =	swait.ge [sflag:s4], $0x2000  }
0x235: {  	[sflag:s4] =	ssyncset.done $0x0  }
0x236: {  	s20 =	simm.s32 $0x0;
	[sflag:s4] =	ssyncadd.s32 $0xFFFFE000  }
.LBB2_18:
0x237: {  	s5 =	sshll.u32 s20, $0x6  }
0x238: {  	s7 =	sand.u32 $0x3FFFFFC0, s5  }
0x239: {  	v0 =	vld [tilespmem:s7+$0xB400]  }
0x23a: {  	v1 =	vld [tilespmem:s7+$0xB410];
	_ =	sdelay $0x1  }
0x23b: {  	s8 =	sshll.u32 s20, $0x4;
	v2 =	vld [tilespmem:s7+$0xB420]  }
0x23c: {  	s23 =	simm.s32 $0x18;
	s21 =	sand.u32 $0x70, s8;
	s5 =	sand.u32 $0x3FFFFE00, s5;
	v3 =	vld [tilespmem:s7+$0xB430]  }
0x23d: {  	s24 =	simm.s32 $0x19;
	s5 =	sor.u32 s21, s5;
	v8 =	vadd.s32 s23, v0  }
0x23e: {  	v4 =	vld [tilespmem:s5+$0xA400];
	v9 =	vadd.s32 s24, v1  }
0x23f: {  	v6 =	vld [tilespmem:s5+$0xA480];
	v10 =	vadd.s32 s24, v0  }
0x240: {  	v5 =	vld [tilespmem:s5+$0xA500];
	v12 =	vadd.s32 s24, v2  }
0x241: {  	v7 =	vld [tilespmem:s5+$0xA580];
	v13 =	vadd.s32 s24, v3  }
0x242: {  	v14 =	vadd.s32 s23, v3;
	v15 =	vld.idx.msk [tilespmem:v8+s25+$0x0], $0xffff  }
0x243: {  	v19 =	vadd.s32 s23, v1;
	v16 =	vld.idx.msk [tilespmem:v9+s25+$0x0], $0xffff  }
0x244: {  	v33 =	vadd.s32 s23, v2;
	v18 =	vld.idx.msk [tilespmem:v10+s25+$0x0], $0xffff  }
0x245: {  	v11 =	vadd.s32 $0x20, v13;
	v20 =	vld.idx.msk [tilespmem:v12+s25+$0x0], $0xffff  }
0x246: {  	v17 =	vadd.s32 $0x60, v8;
	v22 =	vld.idx.msk [tilespmem:v13+s25+$0x0], $0xffff  }
0x247: {  	v21 =	vadd.s32 $0x60, v9;
	v23 =	vld.idx.msk [tilespmem:v14+s25+$0x0], $0xffff  }
0x248: {  	v24 =	vadd.s32 $0x40, v9;
	v25 =	vadd.s32 $0x40, v10;
	v28 =	vld.idx.msk [tilespmem:v19+s25+$0x0], $0xffff  }
0x249: {  	v35 =	vadd.s32 $0x60, v33;
	v36 =	vadd.s32 $0x40, v33;
	v37 =	vadd.s32 $0x20, v33;
	v33 =	vld.idx.msk [tilespmem:v33+s25+$0x0], $0xffff  }
0x24a: {  	v26 =	vadd.s32 $0x20, v12;
	v11 =	vld.idx.msk [tilespmem:v11+s25+$0x0], $0xffff  }
0x24b: {  	v27 =	vadd.s32 $0x20, v8;
	v17 =	vld.idx.msk [tilespmem:v17+s25+$0x0], $0xffff  }
0x24c: {  	v29 =	vadd.s32 $0x60, v14;
	v21 =	vld.idx.msk [tilespmem:v21+s25+$0x0], $0xffff  }
0x24d: {  	v30 =	vadd.s32 $0x60, v13;
	v24 =	vld.idx.msk [tilespmem:v24+s25+$0x0], $0xffff  }
0x24e: {  	v31 =	vadd.s32 $0x60, v12;
	v25 =	vld.idx.msk [tilespmem:v25+s25+$0x0], $0xffff  }
0x24f: {  	v32 =	vadd.s32 $0x40, v19;
	v26 =	vld.idx.msk [tilespmem:v26+s25+$0x0], $0xffff  }
0x250: {  	v34 =	vadd.s32 $0x60, v19;
	v27 =	vld.idx.msk [tilespmem:v27+s25+$0x0], $0xffff  }
0x251: {  	v29 =	vld.idx.msk [tilespmem:v29+s25+$0x0], $0xffff  }
0x252: {  	v30 =	vld.idx.msk [tilespmem:v30+s25+$0x0], $0xffff  }
0x253: {  	v38 =	vadd.s32 $0x60, v10;
	v31 =	vld.idx.msk [tilespmem:v31+s25+$0x0], $0xffff  }
0x254: {  	v32 =	vld.idx.msk [tilespmem:v32+s25+$0x0], $0xffff  }
0x255: {  	v9 =	vadd.s32 $0x20, v9;
	v34 =	vld.idx.msk [tilespmem:v34+s25+$0x0], $0xffff  }
0x256: {  	s19 =	simm.s32 $0x1A;
	v8 =	vadd.s32 $0x40, v8;
	v35 =	vld.idx.msk [tilespmem:v35+s25+$0x0], $0xffff  }
0x257: {  	s26 =	simm.s32 $0x1B;
	v41 =	vadd.s32 s19, v0;
	v13 =	vadd.s32 $0x40, v13;
	v36 =	vld.idx.msk [tilespmem:v36+s25+$0x0], $0xffff  }
0x258: {  	v42 =	vadd.s32 s26, v1;
	v44 =	vadd.s32 s19, v1;
	v19 =	vadd.s32 $0x20, v19;
	v38 =	vld.idx.msk [tilespmem:v38+s25+$0x0], $0xffff  }
0x259: {  	v39 =	vadd.s32 $0x20, v14;
	v10 =	vadd.s32 $0x20, v10;
	v37 =	vld.idx.msk [tilespmem:v37+s25+$0x0], $0xffff;
	v17 =	vmul.f32 v17, v4  }
0x25a: {  	v12 =	vadd.s32 $0x40, v12;
	v9 =	vld.idx.msk [tilespmem:v9+s25+$0x0], $0xffff;
	v21 =	vmul.f32 v21, v6;
	v31 =	vmul.f32 v31, v5  }
0x25b: {  	v14 =	vadd.s32 $0x40, v14;
	v8 =	vld.idx.msk [tilespmem:v8+s25+$0x0], $0xffff;
	v40 =	vmul.f32 v30, v7;
	v30 =	vmul.f32 v34, v6  }
0x25c: {  	v45 =	vadd.s32 s26, v0;
	v13 =	vld.idx.msk [tilespmem:v13+s25+$0x0], $0xffff;
	v29 =	vmul.f32 v29, v7;
	v35 =	vmul.f32 v35, v5  }
0x25d: {  	v47 =	vadd.s32 s26, v2;
	v19 =	vld.idx.msk [tilespmem:v19+s25+$0x0], $0xffff;
	v38 =	vmul.f32 v38, v4;
	v15 =	vmul.f32 v15, v17  }
0x25e: {  	v46 =	vadd.s32 s26, v3;
	v10 =	vld.idx.msk [tilespmem:v10+s25+$0x0], $0xffff;
	[tilespmem:$0x1FE20] =	vst v1;
	v27 =	vmul.f32 v27, v17;
	v24 =	vmul.f32 v24, v21  }
0x25f: {  	v61 =	vadd.s32 $0x60, v41;
	v12 =	vld.idx.msk [tilespmem:v12+s25+$0x0], $0xffff;
	[tilespmem:$0x1FE30] =	vst v0;
	v16 =	vmul.f32 v16, v21;
	v26 =	vmul.f32 v26, v31  }
0x260: {  	v48 =	vadd.s32 $0x20, v46;
	v14 =	vld.idx.msk [tilespmem:v14+s25+$0x0], $0xffff;
	v20 =	vmul.f32 v20, v31;
	v32 =	vmul.f32 v32, v30  }
0x261: {  	v63 =	vadd.s32 $0x40, v42;
	v43 =	vmul.f32 v28, v30;
	v28 =	vld.idx.msk [tilespmem:v39+s25+$0x0], $0xffff;
	[tilespmem:$0x1FE40] =	vst v3;
	v18 =	vmul.f32 v18, v38  }
0x262: {  	v34 =	vadd.f32 v30, v17;
	v36 =	vmul.f32 v36, v35;
	v49 =	vld.idx.msk [tilespmem:v41+s25+$0x0], $0xffff;
	v8 =	vmul.f32 v8, v17  }
0x263: {  	v0 =	vld.idx.msk [tilespmem:v47+s25+$0x0], $0xffff;
	v17 =	vadd.s32 s19, v3;
	v19 =	vmul.f32 v19, v30;
	v10 =	vmul.f32 v10, v38  }
0x264: {  	v51 =	vld.idx.msk [tilespmem:v46+s25+$0x0], $0xffff;
	v30 =	vmul.f32 v9, v21;
	v16 =	vadd.f32 v16, v18;
	v18 =	vadd.s32 $0x60, v42  }
0x265: {  	v57 =	vld.idx.msk [tilespmem:v48+s25+$0x0], $0xffff;
	v21 =	vadd.f32 v21, v38;
	v12 =	vmul.f32 v12, v31;
	v8 =	vadd.f32 v32, v8  }
0x266: {  	v1 =	vld.idx.msk [tilespmem:v61+s25+$0x0], $0xffff;
	v19 =	vadd.f32 v19, v27;
	v27 =	vmul.f32 v37, v35;
	v62 =	vadd.f32 v30, v10  }
0x267: {  	v52 =	vld.idx.msk [tilespmem:v63+s25+$0x0], $0xffff;
	v10 =	vmul.f32 v14, v29;
	v21 =	vadd.f32 v31, v21;
	v8 =	vadd.f32 v36, v8  }
0x268: {  	v9 =	vld.idx.msk [tilespmem:v45+s25+$0x0], $0xffff;
	v31 =	vadd.s32 $0x20, v47;
	v14 =	vadd.f32 v27, v19;
	v27 =	vmul.f32 v28, v29  }
0x269: {  	v25 =	vmul.f32 v25, v38;
	v32 =	vld.idx.msk [tilespmem:v42+s25+$0x0], $0xffff;
	v30 =	vadd.f32 v10, v8;
	v10 =	vadd.s32 $0x40, v45  }
0x26a: {  	v19 =	vld.idx.msk [tilespmem:v17+s25+$0x0], $0xffff;
	v28 =	vadd.f32 v27, v14;
	v14 =	vadd.s32 $0x20, v41  }
0x26b: {  	v24 =	vadd.f32 v24, v25;
	v25 =	vadd.s32 $0x60, v17;
	v3 =	vld.idx.msk [tilespmem:v18+s25+$0x0], $0xffff  }
0x26c: {  	v56 =	vadd.s32 $0x60, v47;
	v16 =	vadd.f32 v20, v16;
	v20 =	vadd.s32 $0x60, v46;
	v27 =	vld.idx.msk [tilespmem:v44+s25+$0x0], $0xffff  }
0x26d: {  	v58 =	vadd.s32 $0x60, v44;
	v22 =	vmul.f32 v22, v40;
	v11 =	vmul.f32 v11, v40;
	v53 =	vld.idx.msk [tilespmem:v31+s25+$0x0], $0xffff  }
0x26e: {  	v34 =	vadd.f32 v35, v34;
	v12 =	vadd.f32 v12, v24;
	v24 =	vadd.s32 $0x40, v44;
	v10 =	vld.idx.msk [tilespmem:v10+s25+$0x0], $0xffff;
	[tilespmem:$0x1FE50] =	vst v2  }
0x26f: {  	v16 =	vadd.f32 v22, v16;
	v22 =	vadd.f32 v26, v62;
	v18 =	vadd.s32 s19, v2;
	v14 =	vld.idx.msk [tilespmem:v14+s25+$0x0], $0xffff  }
0x270: {  	v23 =	vmul.f32 v23, v29;
	v29 =	vadd.f32 v29, v34;
	v59 =	vadd.s32 $0x60, v18;
	v60 =	vld.idx.msk [tilespmem:v25+s25+$0x0], $0xffff  }
0x271: {  	v39 =	vadd.f32 v11, v22;
	v11 =	vadd.s32 $0x20, v42;
	v20 =	vld.idx.msk [tilespmem:v20+s25+$0x0], $0xffff  }
0x272: {  	v54 =	vadd.s32 $0x40, v46;
	(erf) = vrcp.f32 v29;
	v41 =	vadd.s32 $0x40, v41;
	v29 =	vld.idx.msk [tilespmem:v56+s25+$0x0], $0xffff  }
0x273: {  	v15 =	vadd.f32 v43, v15;
	v13 =	vmul.f32 v13, v40;
	v25 =	vadd.s32 $0x40, v18;
	v43 =	vld.idx.msk [tilespmem:v24+s25+$0x0], $0xffff;
	[tilespmem:$0x1FE60] =	vst v4  }
0x274: {  	v21 =	vadd.f32 v40, v21;
	v34 =	vadd.s32 $0x20, v45;
	v22 =	vmul.f32 v1, v4;
	v63 =	vld.idx.msk [tilespmem:v58+s25+$0x0], $0xffff  }
0x275: {  	v62 =	vadd.s32 $0x20, v18;
	v31 =	vmul.f32 v33, v35;
	v26 =	vmul.f32 v3, v6;
	v40 =	vld.idx.msk [tilespmem:v59+s25+$0x0], $0xffff  }
0x276: {  	v36 =	vadd.f32 v13, v12;
	v13 =	vadd.s32 $0x60, v45;
	(erf) = vrcp.f32 v21;
	v33 =	vld.idx.msk [tilespmem:v11+s25+$0x0], $0xffff  }
0x277: {  	s28 =	sshll.u32 s20, $0x9;
	s29 =	sand.u32 $0x7, s2;
	v50 =	vmul.f32 v49, v22;
	v61 =	vadd.f32 v31, v15;
	v15 =	vmul.f32 v52, v26;
	v35 =	vld.idx.msk [tilespmem:v41+s25+$0x0], $0xffff  }
0x278: {  	s7 =	sshll.u32 s29, $0x6;
	s5 =	sand.u32 $0xFFFFF000, s28;
	v31 =	vadd.s32 $0x20, v44;
	v32 =	vmul.f32 v32, v26;
	v24 =	vmul.f32 v14, v22;
	v44 =	vld.idx.msk [tilespmem:v25+s25+$0x0], $0xffff;
	[tilespmem:$0x1FE70] =	vst v5  }
0x279: {  	s5 =	sor.u32 s7, s5;
	v45 =	vadd.s32 $0x40, v47;
	v11 =	vmul.f32 v20, v7;
	v21 =	vmul.f32 v29, v5;
	[tilespmem:$0x1FE80] =	vst v7  }
0x27a: {  	s5 =	sshrl.u32 s5, $0x2;
	v25 =	vadd.s32 $0x20, v17;
	v20 =	vmul.f32 v60, v7;
	v42 =	vld.idx.msk [tilespmem:v62+s25+$0x0], $0xffff;
	[tilespmem:$0x1FE90] =	vst v6;
	v37 =	vmul.f32 v63, v6  }
0x27b: {  	s23 =	sadd.s32 $0x12400, s5;
	v29 =	vadd.s32 $0x40, v17;
	v14 =	vmul.f32 v51, v11;
	v46 =	vld.idx.msk [tilespmem:v13+s25+$0x0], $0xffff;
	v17 =	vmul.f32 v53, v21  }
0x27c: {  	s24 =	simm.s32 $0x2;
	s21 =	sadd.s32 $0x100, s23;
	v38 =	vadd.f32 v23, v61;
	v13 =	vmul.f32 v19, v20;
	v23 =	vmul.f32 v0, v21;
	v19 =	vld.idx.msk [tilespmem:v54+s25+$0x0], $0xffff  }
.LBB2_19:
0x27d: {  	v12 =	vld [tilespmem:$0x1FE70]  }
0x27e: {  	v0 =	vld.idx.msk [tilespmem:v18+s25+$0x0], $0xffff  }
0x27f: {  	v7 =	vld [tilespmem:$0x1FE30]  }
0x280: {  	v1 =	vld [tilespmem:$0x1FE20]  }
0x281: {  	v51 =	vld.idx.msk [tilespmem:v31+s25+$0x0], $0xffff  }
0x282: {  	v45 =	vld.idx.msk [tilespmem:v45+s25+$0x0], $0xffff  }
0x283: {  	s5 =	sadd.s32 $0x1A, s24;
	v34 =	vld.idx.msk [tilespmem:v34+s25+$0x0], $0xffff  }
0x284: {  	s7 =	sadd.s32 $0x1B, s24;
	v5 =	vmov v50;
	v50 =	vmov v10;
	v10 =	vld.idx.msk [tilespmem:v25+s25+$0x0], $0xffff;
	v48 =	vadd.s32 s5, v7  }
0x285: {  	[tilespmem:$0x1FDF0] =	vst v0;
	v52 =	vadd.s32 s7, v1;
	v0 =	vld [tilespmem:$0x1FE50];
	v18 =	vpop (erf)  }
0x286: {  	v49 =	vadd.s32 s5, v1;
	v53 =	vadd.s32 s7, v7;
	v1 =	vld [tilespmem:$0x1FE40];
	v30 =	vmul.f32 v30, v18  }
0x287: {  	v60 =	vld.idx.msk [tilespmem:v29+s25+$0x0], $0xffff;
	v47 =	vadd.f32 v37, v22;
	v62 =	vadd.s32 $0x20, v48;
	v25 =	vmul.f32 v18, v38  }
0x288: {  	v2 =	vld [tilespmem:$0x1FE60];
	v22 =	vmul.f32 v35, v22;
	v35 =	vmul.f32 v51, v37;
	v51 =	vadd.s32 $0x40, v49;
	[tilespmem:s23+$0x4000] =	vst v30  }
0x289: {  	v61 =	vld.idx.msk [tilespmem:v48+s25+$0x0], $0xffff;
	[tilespmem:s23+$0x0] =	vst v25;
	v25 =	vmul.f32 v28, v18  }
0x28a: {  	v55 =	vadd.s32 s7, v0;
	v63 =	vld.idx.msk [tilespmem:v52+s25+$0x0], $0xffff  }
0x28b: {  	v43 =	vmul.f32 v43, v37;
	v56 =	vadd.s32 s7, v1;
	v30 =	vadd.s32 s5, v1;
	v1 =	vld.idx.msk [tilespmem:v53+s25+$0x0], $0xffff;
	[tilespmem:s23+$0x2000] =	vst v25  }
0x28c: {  	v24 =	vadd.f32 v35, v24;
	v35 =	vld.idx.msk [tilespmem:v62+s25+$0x0], $0xffff  }
0x28d: {  	v41 =	vmul.f32 v27, v37;
	v22 =	vadd.f32 v43, v22;
	v28 =	vpop (erf);
	v59 =	vadd.s32 $0x20, v56;
	v43 =	vld.idx.msk [tilespmem:v51+s25+$0x0], $0xffff  }
0x28e: {  	v27 =	vadd.s32 $0x60, v48;
	v38 =	vadd.s32 $0x40, v56;
	v29 =	vmul.f32 v39, v28;
	v51 =	vld [tilespmem:$0x1FE90]  }
0x28f: {  	[tilespmem:$0x1FE00] =	vst v38;
	v38 =	vld.idx.msk [tilespmem:v55+s25+$0x0], $0xffff  }
0x290: {  	v40 =	vmul.f32 v40, v12;
	v18 =	vadd.s32 s5, v0;
	v0 =	vadd.s32 $0x60, v30;
	[tilespmem:s23+$0x2080] =	vst v29;
	v6 =	vld.idx.msk [tilespmem:v30+s25+$0x0], $0xffff  }
0x291: {  	v58 =	vadd.s32 $0x60, v56;
	v36 =	vmul.f32 v36, v28;
	v8 =	vadd.s32 $0x40, v18;
	v56 =	vld.idx.msk [tilespmem:v56+s25+$0x0], $0xffff  }
0x292: {  	v54 =	vadd.s32 $0x60, v52;
	v44 =	vmul.f32 v44, v40;
	v59 =	vld.idx.msk [tilespmem:v59+s25+$0x0], $0xffff  }
0x293: {  	v25 =	vadd.s32 $0x20, v30;
	v29 =	vadd.s32 $0x40, v30;
	v30 =	vadd.s32 $0x40, v52;
	[tilespmem:s23+$0x4080] =	vst v36;
	v36 =	vld.idx.msk [tilespmem:v27+s25+$0x0], $0xffff  }
0x294: {  	v46 =	vmul.f32 v46, v2;
	v42 =	vmul.f32 v42, v40;
	v27 =	vld.idx.msk [tilespmem:v49+s25+$0x0], $0xffff  }
0x295: {  	v37 =	vmul.f32 v57, v11;
	v57 =	vadd.f32 v44, v22;
	v22 =	vmul.f32 v60, v20;
	v0 =	vld.idx.msk [tilespmem:v0+s25+$0x0], $0xffff  }
0x296: {  	v24 =	vadd.f32 v42, v24;
	v7 =	vadd.s32 $0x20, v55;
	v42 =	vadd.s32 $0x20, v18;
	v44 =	vld.idx.msk [tilespmem:v8+s25+$0x0], $0xffff  }
0x297: {  	v16 =	vmul.f32 v28, v16;
	v28 =	vadd.f32 v26, v46;
	v26 =	vmul.f32 v33, v26;
	v33 =	vld.idx.msk [tilespmem:v54+s25+$0x0], $0xffff  }
0x298: {  	v31 =	vadd.s32 $0x20, v49;
	v9 =	vmul.f32 v9, v46;
	v4 =	vadd.s32 $0x60, v55;
	v54 =	vld.idx.msk [tilespmem:v30+s25+$0x0], $0xffff  }
0x299: {  	v30 =	vadd.f32 v22, v57;
	v22 =	vmul.f32 v36, v2;
	v36 =	vadd.s32 $0x20, v52;
	v52 =	vld [tilespmem:$0x1FDF0]  }
0x29a: {  	v3 =	vmul.f32 v34, v46;
	v47 =	vadd.f32 v40, v47;
	v48 =	vadd.s32 $0x40, v48;
	v8 =	vld [tilespmem:$0x1FE80]  }
0x29b: {  	v34 =	vadd.s32 $0x20, v53;
	v32 =	vadd.f32 v32, v9;
	v60 =	vmul.f32 v45, v21;
	v42 =	vld.idx.msk [tilespmem:v42+s25+$0x0], $0xffff;
	[tilespmem:s23+$0x80] =	vst v16  }
0x29c: {  	v39 =	vadd.s32 $0x60, v18;
	v28 =	vadd.f32 v21, v28;
	v9 =	vmovc v1;
	[tilespmem:$0x1FE10] =	vst v6;
	v6 =	vadd.s32 $0x40, v53;
	v1 =	vld.idx.msk [tilespmem:v7+s25+$0x0], $0xffff  }
0x29d: {  	v3 =	vadd.f32 v26, v3;
	v26 =	vmul.f32 v10, v20;
	v16 =	vadd.s32 $0x60, v49;
	v21 =	vld.idx.msk [tilespmem:v58+s25+$0x0], $0xffff  }
0x29e: {  	v10 =	vmul.f32 v50, v46;
	v62 =	vadd.f32 v41, v5;
	v4 =	vld.idx.msk [tilespmem:v4+s25+$0x0], $0xffff;
	v58 =	vmul.f32 v52, v40  }
0x29f: {  	v49 =	vadd.f32 v11, v28;
	v28 =	vadd.f32 v26, v24;
	v24 =	vmul.f32 v35, v22;
	v35 =	vld.idx.msk [tilespmem:v48+s25+$0x0], $0xffff  }
0x2a0: {  	v20 =	vadd.f32 v20, v47;
	v50 =	vmul.f32 v61, v22;
	v61 =	vadd.f32 v58, v62;
	v62 =	vld [tilespmem:$0x1FE00]  }
0x2a1: {  	v10 =	vadd.f32 v15, v10;
	v57 =	vmovc v59;
	v59 =	vadd.s32 $0x60, v53;
	v26 =	vmul.f32 v33, v51;
	v6 =	vld.idx.msk [tilespmem:v6+s25+$0x0], $0xffff  }
0x2a2: {  	s24 =	sadd.s32 $0x2, s24;
	v45 =	vadd.s32 $0x40, v55;
	v15 =	vadd.f32 v23, v32;
	(erf) = vrcp.f32 v20;
	v23 =	vld.idx.msk [tilespmem:v16+s25+$0x0], $0xffff  }
0x2a3: {  	p0 =	slt.u32 s24, $0x6;
	v7 =	vadd.f32 v60, v10;
	v60 =	vmul.f32 v19, v11;
	v32 =	vmul.f32 v63, v26;
	v63 =	vld [tilespmem:$0x1FE10]  }
.Ltmp8:
0x2a4: {  	v3 =	vadd.f32 v17, v3;
	v20 =	vmul.f32 v0, v8;
	v40 =	vld.idx.msk [tilespmem:v39+s25+$0x0], $0xffff;
	v11 =	vmul.f32 v21, v8;
	(pc) =	sbr.rel @p0 .LBB2_19-.Ltmp8, $4  }
0x2a5: {  	(erf) = vrcp.f32 v49;
	v16 =	vadd.f32 v14, v15;
	v33 =	vld.idx.msk [tilespmem:v36+s25+$0x0], $0xffff;
	v21 =	vmul.f32 v4, v12  }
0x2a6: {  	v15 =	vmul.f32 v54, v26;
	v39 =	vadd.f32 v37, v3;
	v46 =	vld.idx.msk [tilespmem:v59+s25+$0x0], $0xffff;
	v14 =	vmul.f32 v56, v11  }
0x2a7: {  	v36 =	vadd.f32 v60, v7;
	v17 =	vmul.f32 v1, v21;
	v10 =	vmovc v6;
	v37 =	vmul.f32 v23, v51  }
0x2a8: {  	s23 =	smov.u32 s21;
	s21 =	sadd.s32 $0x100, s21;
	v23 =	vmul.f32 v38, v21;
	v38 =	vadd.f32 v13, v61;
	v13 =	vmul.f32 v63, v20;
	v19 =	vld.idx.msk [tilespmem:v62+s25+$0x0], $0xffff  }
0x2a9: {  	v1 =	vld [tilespmem:$0x1FE70]  }
0x2aa: {  	v2 =	vld [tilespmem:$0x1FE60];
	_ =	sdelay $0x3  }
0x2ab: {  	v0 =	vadd.f32 v37, v22;
	v5 =	vld.idx.msk [tilespmem:v31+s25+$0x0], $0xffff;
	v1 =	vmul.f32 v40, v1  }
0x2ac: {  	v3 =	vmul.f32 v43, v37;
	v29 =	vld.idx.msk [tilespmem:v29+s25+$0x0], $0xffff;
	v2 =	vmul.f32 v46, v2  }
0x2ad: {  	v4 =	vmul.f32 v27, v37;
	v43 =	vmul.f32 v35, v22;
	v48 =	vld.idx.msk [tilespmem:v45+s25+$0x0], $0xffff;
	v0 =	vadd.f32 v1, v0  }
0x2ae: {  	v54 =	vmul.f32 v57, v11;
	v47 =	vmul.f32 v33, v26;
	v6 =	vpop (erf);
	v63 =	vadd.f32 v26, v2  }
0x2af: {  	v62 =	vmul.f32 v30, v6;
	v12 =	vmul.f32 v6, v38;
	v0 =	vadd.f32 v20, v0  }
0x2b0: {  	v8 =	vld.idx.msk [tilespmem:v34+s25+$0x0], $0xffff;
	v6 =	vmul.f32 v28, v6;
	v57 =	vmul.f32 v19, v11;
	v30 =	vadd.f32 v21, v63  }
0x2b1: {  	v18 =	vld.idx.msk [tilespmem:v18+s25+$0x0], $0xffff;
	v5 =	vmul.f32 v5, v37;
	(erf) = vrcp.f32 v0  }
0x2b2: {  	v40 =	vpop (erf);
	v51 =	vmul.f32 v29, v20;
	v53 =	vmul.f32 v48, v21;
	v46 =	vadd.f32 v11, v30  }
0x2b3: {  	v41 =	vmul.f32 v39, v40;
	v7 =	vmul.f32 v44, v1  }
0x2b4: {  	v3 =	vadd.f32 v3, v43;
	v44 =	vld.idx.msk [tilespmem:v25+s25+$0x0], $0xffff;
	v9 =	vmul.f32 v9, v2;
	(erf) = vrcp.f32 v46  }
0x2b5: {  	v4 =	vadd.f32 v4, v50;
	v42 =	vmul.f32 v42, v1;
	v8 =	vmul.f32 v8, v2  }
0x2b6: {  	v5 =	vadd.f32 v5, v24;
	v1 =	vmul.f32 v18, v1;
	v9 =	vadd.f32 v32, v9  }
0x2b7: {  	[tilespmem:s23+$0x4000] =	vst v62;
	v2 =	vmul.f32 v10, v2;
	v8 =	vadd.f32 v47, v8;
	v3 =	vadd.f32 v7, v3  }
0x2b8: {  	[tilespmem:s23+$0x0] =	vst v12;
	v49 =	vmul.f32 v36, v40;
	v5 =	vadd.f32 v42, v5;
	v1 =	vadd.f32 v1, v4  }
0x2b9: {  	[tilespmem:s23+$0x2000] =	vst v6;
	v2 =	vadd.f32 v15, v2;
	v3 =	vadd.f32 v51, v3;
	v0 =	vmul.f32 v44, v20  }
0x2ba: {  	v52 =	vmul.f32 v40, v16;
	[tilespmem:s23+$0x2080] =	vst v41;
	v55 =	vadd.f32 v17, v8;
	v1 =	vadd.f32 v13, v1;
	v56 =	vpop (erf)  }
0x2bb: {  	[tilespmem:s23+$0x4080] =	vst v49;
	v2 =	vadd.f32 v53, v2;
	v0 =	vadd.f32 v0, v5;
	v3 =	vmul.f32 v3, v56  }
0x2bc: {  	s20 =	sadd.s32 $0x1, s20;
	[tilespmem:s23+$0x80] =	vst v52;
	v58 =	vadd.f32 v23, v9;
	v5 =	vadd.f32 v54, v55;
	v1 =	vmul.f32 v56, v1  }
0x2bd: {  	p0 =	sne.s32 s20, $0x40;
	v2 =	vadd.f32 v57, v2;
	v0 =	vmul.f32 v0, v56;
	v59 =	vpop (erf);
	[tilespmem:s21+$0x4000] =	vst v3  }
.Ltmp9:
0x2be: {  	v60 =	vadd.f32 v14, v58;
	[tilespmem:s21+$0x0] =	vst v1;
	v61 =	vmul.f32 v5, v59;
	(pc) =	sbr.rel @p0 .LBB2_18-.Ltmp9, $4  }
0x2bf: {  	[tilespmem:s21+$0x2000] =	vst v0;
	v62 =	vmul.f32 v2, v59  }
0x2c0: {  	v63 =	vmul.f32 v59, v60;
	[tilespmem:s21+$0x2080] =	vst v61  }
0x2c1: {  	[tilespmem:s21+$0x4080] =	vst v62  }
0x2c2: {  	s2 =	sadd.s32 $0x1, s2;
	[tilespmem:s21+$0x80] =	vst v63  }
0x2c3: {  	[hbm4b:s15+s3] =	stream.linear.scatter [tilespmem:s30], [sflag:$0x1], $0x2000, $0x38;
	[tilespmem:$0x18400] =	vst v63  }
0x2c4: {  	_ = 	snop  }
0x2c5: {  	[hbm4b:s16+s3] =	stream.linear.scatter [tilespmem:s31], [sflag:$0x1], $0x2000, $0x38;
	[tilespmem:$0x18400] =	vst v63  }
0x2c6: {  	s2 =	simm.s32 $0x16400  }
0x2c7: {  	[hbm4b:s17+s3] =	stream.linear.scatter [tilespmem:s2], [sflag:$0x1], $0x2000, $0x38;
	[tilespmem:$0x18400] =	vst v63  }
0x2c8: {  	_ =	swait.ge [sflag:s4], $0x2000  }
0x2c9: {  	[sflag:s4] =	ssyncset.done $0x0  }
0x2ca: {  	[sflag:s4] =	ssyncadd.s32 $0xFFFFE000  }
0x2cb: {  	_ =	swait.ge [sflag:s4], $0x2000  }
0x2cc: {  	[sflag:s4] =	ssyncset.done $0x0  }
0x2cd: {  	[sflag:s4] =	ssyncadd.s32 $0xFFFFE000  }
0x2ce: {  	_ =	swait.ge [sflag:s4], $0x2000  }
0x2cf: {  	[sflag:s4] =	ssyncset.done $0x0  }
0x2d0: {  	[sflag:s4] =	ssyncadd.s32 $0xFFFFE000  }
0x2d1: {  	_ =	swait.ge [sflag:s4], $0x2000  }
0x2d2: {  	[sflag:s4] =	ssyncset.done $0x0  }
0x2d3: {  	s1 =	sadd.s32 $0x1, s1;
	[sflag:s4] =	ssyncadd.s32 $0xFFFFE000  }
0x2d4: {  	p0 =	sne.s32 s1, s18;
	_ =	swait.ge [sflag:s4], $0x2000  }
.Ltmp10:
0x2d5: {  	[sflag:s4] =	ssyncset.done $0x0;
	(pc) =	sbr.rel @p0 .LBB2_1-.Ltmp10, $4  }
0x2d6: {  	[sflag:s4] =	ssyncadd.s32 $0xFFFFE000  }
0x2d7: {  	_ =	swait.ge [sflag:s4], $0x2000  }
0x2d8: {  	[sflag:s4] =	ssyncset.done $0x0  }
0x2d9: {  	[sflag:s4] =	ssyncadd.s32 $0xFFFFE000  }
0x2da: {  	_ =	sfence.sel $0x180000  }
0x2db: {  	[bflag:$0x0] =	sbarrier.arrive $0xFFFF  }
0x2dc: {  	_ =	strace $0x90000047  }
0x2dd: {  	s0 =	stileid.u32;
	[bflag:$0x2] =	sbarrier.arrive $0xFFFF  }
0x2de: {  	p0 =	sne.s32 s0, $0x0;
	s0 =	rddreg [dreg:$0x4]  }
0x2df: {  	s0 =	sadd.s32 @!p0 $0x100000, s0  }
0x2e0: {  	[sflag:s0] =	ssyncadd.tile.s32 @!p0 $0x1;
	_ =	shalt  }
.Lfunc_end2:
_tile_overlayer_lowered:
.L_overlay_start_2:
0x2e1: {  	(tag) =	ssettag $0x2  }
0x2e2: {  	s0 =	rddreg [dreg:$0x0];
	s2 =	stileid.u32  }
0x2e3: {  	s1 =	rddreg [dreg:$0x1];
	p0 =	sne.s32 s2, $0x0  }
0x2e4: {  	s3 =	rddreg [dreg:$0x2];
	[bflag:$0x3] =	sbarrier.arrive $0xFFFF;
	s2 =	simm.s32 @!p0 $0x1C02  }
0x2e5: {  	[timem:s3], [sflag:s2] =	dma.local @!p0 [hbm:s0], s1  }
0x2e6: {  	s0 =	simm.s32 @!p0 $0x2  }
0x2e7: {  	_ =	swait.ge @!p0 [sflag:s0], s1  }
0x2e8: {  	s1 =	ssub.s32 @!p0 $0x0, s1;
	[sflag:s0] =	ssyncset.done @!p0 $0x0  }
0x2e9: {  	[sflag:s0] =	ssyncadd.s32 @!p0 s1  }
0x2ea: {  	[bflag:$0x3] =	sbarrier.arrive $0xFFFF  }
0x2eb: {  	_ =	shalt  }

</sc_bundles>
